<compile_context>
chip_gen: v7x
topology: tpu7x:2x2x1
jax: 0.10.2.dev20260603
libtpu: 0.0.44.dev20260713+nightly
codegen_flags: <defaults>
</compile_context>

<pallas_src>
import functools

import jax
import jax.numpy as jnp
from jax import lax
from jax.experimental import pallas as pl
from jax.experimental.pallas import tpu as pltpu
from jax.experimental.pallas import tpu_sc as plsc

N = 10000
D = 128
H = 64
E = 320000
NEG = 50000

NC = 2
NS = 16
NW = NC * NS

CC = 512
N_PAD = 10240
RPS = N_PAD // NS
DUMMY_ROW = N

G = -(-E // (NW * CC))
E_PAD = G * NW * CC
EPW = G * CC

EA = E + NEG
GA = -(-EA // (NW * CC))
EA_PAD = GA * NW * CC
EPWA = GA * CC

BR = 1000
BK = 2048
NBK = EA_PAD // BK


def _mesh():
    return plsc.VectorSubcoreMesh(
        core_axis_name="c", subcore_axis_name="s", num_cores=NC, num_subcores=NS
    )


_SC_PARAMS = pltpu.CompilerParams(use_tc_tiling_on_sc=False)



@functools.partial(
    pl.kernel,
    out_type=jax.ShapeDtypeStruct((NC, N_PAD, 8), jnp.float32),
    mesh=_mesh(),
    compiler_params=_SC_PARAMS,
    scratch_types=[
        pltpu.VMEM_SHARED((N_PAD, 8), jnp.float32),
        pltpu.VMEM((G + 2, CC), jnp.int32),
        pltpu.VMEM((CC, 8), jnp.float32),
    ],
)
def _deg_kernel(dst_hbm, zeros_hbm, ones_hbm, out_hbm, acc_sh, dst_v, ones_v):
    c = lax.axis_index("c")
    s = lax.axis_index("s")
    w = c * NS + s
    pltpu.sync_copy(zeros_hbm.at[pl.ds(s * RPS, RPS)], acc_sh.at[pl.ds(s * RPS, RPS)])
    pltpu.sync_copy(ones_hbm, ones_v)
    pltpu.sync_copy(dst_hbm.at[w], dst_v)
    plsc.subcore_barrier()

    def body(j, carry):
        pltpu.sync_copy(ones_v, acc_sh.at[dst_v.at[j]], add=True)
        return carry

    lax.fori_loop(0, G, body, 0)
    plsc.subcore_barrier()
    pltpu.sync_copy(acc_sh.at[pl.ds(s * RPS, RPS)], out_hbm.at[c].at[pl.ds(s * RPS, RPS)])


@functools.partial(
    pl.kernel,
    out_type=jax.ShapeDtypeStruct((NC, N_PAD, H), jnp.float32),
    mesh=_mesh(),
    compiler_params=_SC_PARAMS,
    scratch_types=[
        pltpu.VMEM_SHARED((N_PAD, H), jnp.float32),
        pltpu.VMEM((G + 2, CC), jnp.int32),
        pltpu.VMEM((G + 2, CC), jnp.int32),
        pltpu.VMEM((CC, H), jnp.float32),
        pltpu.VMEM((CC, H), jnp.float32),
        pltpu.SemaphoreType.DMA,
        pltpu.SemaphoreType.DMA,
    ],
)
def _prop_kernel(m_hbm, src_hbm, dst_hbm, zeros_hbm, out_hbm,
                 acc_sh, src_v, dst_v, rows0, rows1, sem0, sem1):
    c = lax.axis_index("c")
    s = lax.axis_index("s")
    w = c * NS + s
    pltpu.sync_copy(zeros_hbm.at[pl.ds(s * RPS, RPS)], acc_sh.at[pl.ds(s * RPS, RPS)])
    pltpu.sync_copy(src_hbm.at[w], src_v)
    pltpu.sync_copy(dst_hbm.at[w], dst_v)
    plsc.subcore_barrier()

    pltpu.async_copy(m_hbm.at[src_v.at[0]], rows0, sem0)

    def body(j0, carry):
        j = j0 * 2
        pltpu.async_copy(m_hbm.at[src_v.at[j + 1]], rows1, sem1)
        pltpu.make_async_copy(m_hbm.at[src_v.at[j]], rows0, sem0).wait()
        pltpu.sync_copy(rows0, acc_sh.at[dst_v.at[j]], add=True)
        pltpu.async_copy(m_hbm.at[src_v.at[j + 2]], rows0, sem0)
        pltpu.make_async_copy(m_hbm.at[src_v.at[j + 1]], rows1, sem1).wait()
        pltpu.sync_copy(rows1, acc_sh.at[dst_v.at[j + 1]], add=True)
        return carry

    lax.fori_loop(0, G // 2, body, 0)
    pltpu.make_async_copy(m_hbm.at[src_v.at[0]], rows0, sem0).wait()

    plsc.subcore_barrier()
    pltpu.sync_copy(acc_sh.at[pl.ds(s * RPS, RPS)], out_hbm.at[c].at[pl.ds(s * RPS, RPS)])


@functools.partial(
    pl.kernel,
    out_type=jax.ShapeDtypeStruct((EA_PAD, H), jnp.float32),
    mesh=_mesh(),
    compiler_params=_SC_PARAMS,
    scratch_types=[
        pltpu.VMEM_SHARED((N, H), jnp.float32),
        pltpu.VMEM((GA, CC), jnp.int32),
        pltpu.VMEM((GA, CC), jnp.int32),
        pltpu.VMEM((CC, H), jnp.float32),
        pltpu.VMEM((CC, H), jnp.float32),
        pltpu.SemaphoreType.DMA,
        pltpu.SemaphoreType.DMA,
    ],
)
def _edgeprod_kernel(reps_hbm, src_hbm, dst_hbm, p_out,
                     reps_sh, src_v, dst_v, rs_v, rd_v, sem_s, sem_d):
    c = lax.axis_index("c")
    s = lax.axis_index("s")
    w = c * NS + s
    pltpu.sync_copy(reps_hbm.at[pl.ds(s * (N // NS), N // NS)],
                    reps_sh.at[pl.ds(s * (N // NS), N // NS)])
    pltpu.sync_copy(src_hbm.at[w], src_v)
    pltpu.sync_copy(dst_hbm.at[w], dst_v)
    plsc.subcore_barrier()

    def body(j, carry):
        cs = pltpu.async_copy(reps_sh.at[src_v.at[j]], rs_v, sem_s)
        cd = pltpu.async_copy(reps_sh.at[dst_v.at[j]], rd_v, sem_d)
        cs.wait()
        cd.wait()

        def mul_body(i0, carry2):
            for ee in range(4):
                for k in range(H // 16):
                    e = i0 * 4 + ee
                    sl = pl.ds(k * 16, 16)
                    rs_v[e, sl] = rs_v[e, sl] * rd_v[e, sl]
            return carry2

        lax.fori_loop(0, CC // 4, mul_body, 0)
        pltpu.sync_copy(rs_v, p_out.at[pl.ds(w * EPWA + j * CC, CC)])
        return carry

    lax.fori_loop(0, GA, body, 0)



def _tc1_body(f_ref, w_ref, d0_ref, d1_ref, m1p_ref, dinv_ref):
    deg = d0_ref[:, :1] + d1_ref[:, :1] + 1.0
    dinv = lax.rsqrt(deg)
    m1 = jnp.dot(f_ref[...], w_ref[...], preferred_element_type=jnp.float32)
    m1p_ref[...] = dinv * m1
    dinv_ref[...] = jnp.broadcast_to(dinv, (BR, 8))


def _tc1(features, W1, deg0, deg1):
    return pl.pallas_call(
        _tc1_body,
        grid=(N // BR,),
        in_specs=[
            pl.BlockSpec((BR, D), lambda i: (i, 0)),
            pl.BlockSpec((D, H), lambda i: (0, 0)),
            pl.BlockSpec((BR, 8), lambda i: (i, 0)),
            pl.BlockSpec((BR, 8), lambda i: (i, 0)),
        ],
        out_specs=[
            pl.BlockSpec((BR, H), lambda i: (i, 0)),
            pl.BlockSpec((BR, 8), lambda i: (i, 0)),
        ],
        out_shape=[
            jax.ShapeDtypeStruct((N, H), jnp.float32),
            jax.ShapeDtypeStruct((N, 8), jnp.float32),
        ],
    )(features, W1, deg0, deg1)


def _tc2_body(a0_ref, a1_ref, m1p_ref, dinv_ref, b1_ref, w2_ref, m2p_ref):
    dinv = dinv_ref[:, :1]
    pre = dinv * (a0_ref[...] + a1_ref[...] + m1p_ref[...]) + b1_ref[...]
    h = jnp.maximum(pre, 0.0)
    m2 = jnp.dot(h, w2_ref[...], preferred_element_type=jnp.float32)
    m2p_ref[...] = dinv * m2


def _tc2(acc0, acc1, m1p, dinv, b1, W2):
    return pl.pallas_call(
        _tc2_body,
        grid=(N // BR,),
        in_specs=[
            pl.BlockSpec((BR, H), lambda i: (i, 0)),
            pl.BlockSpec((BR, H), lambda i: (i, 0)),
            pl.BlockSpec((BR, H), lambda i: (i, 0)),
            pl.BlockSpec((BR, 8), lambda i: (i, 0)),
            pl.BlockSpec((1, H), lambda i: (0, 0)),
            pl.BlockSpec((H, H), lambda i: (0, 0)),
        ],
        out_specs=pl.BlockSpec((BR, H), lambda i: (i, 0)),
        out_shape=jax.ShapeDtypeStruct((N, H), jnp.float32),
    )(acc0, acc1, m1p, dinv, b1, W2)


def _tc3_body(a0_ref, a1_ref, m2p_ref, dinv_ref, b2_ref, reps_ref):
    dinv = dinv_ref[:, :1]
    reps_ref[...] = dinv * (a0_ref[...] + a1_ref[...] + m2p_ref[...]) + b2_ref[...]


def _tc3(acc0, acc1, m2p, dinv, b2):
    return pl.pallas_call(
        _tc3_body,
        grid=(N // BR,),
        in_specs=[
            pl.BlockSpec((BR, H), lambda i: (i, 0)),
            pl.BlockSpec((BR, H), lambda i: (i, 0)),
            pl.BlockSpec((BR, H), lambda i: (i, 0)),
            pl.BlockSpec((BR, 8), lambda i: (i, 0)),
            pl.BlockSpec((1, H), lambda i: (0, 0)),
        ],
        out_specs=pl.BlockSpec((BR, H), lambda i: (i, 0)),
        out_shape=jax.ShapeDtypeStruct((N, H), jnp.float32),
    )(acc0, acc1, m2p, dinv, b2)


def _score_body(p_ref, src_ref, dst_ref, t_ref, num_ref, den_ref, acc_ref):
    i = pl.program_id(0)

    @pl.when(i == 0)
    def _():
        acc_ref[0] = 0.0
        acc_ref[1] = 0.0

    p = jnp.sum(p_ref[...], axis=1, keepdims=True)
    m = src_ref[...] < dst_ref[...]
    acc_ref[0] += jnp.sum(jnp.where(m, (p - t_ref[...]) ** 2, 0.0))
    acc_ref[1] += jnp.sum(m.astype(jnp.float32))

    @pl.when(i == NBK - 1)
    def _():
        num_ref[0, 0] = acc_ref[0]
        den_ref[0, 0] = acc_ref[1]


def _tc_score(P, srcA, dstA, tgt):
    return pl.pallas_call(
        _score_body,
        grid=(NBK,),
        in_specs=[
            pl.BlockSpec((BK, H), lambda i: (i, 0)),
            pl.BlockSpec((BK, 1), lambda i: (i, 0)),
            pl.BlockSpec((BK, 1), lambda i: (i, 0)),
            pl.BlockSpec((BK, 1), lambda i: (i, 0)),
        ],
        out_specs=[
            pl.BlockSpec(memory_space=pltpu.SMEM),
            pl.BlockSpec(memory_space=pltpu.SMEM),
        ],
        out_shape=[
            jax.ShapeDtypeStruct((1, 1), jnp.float32),
            jax.ShapeDtypeStruct((1, 1), jnp.float32),
        ],
        scratch_shapes=[pltpu.SMEM((2,), jnp.float32)],
    )(P, srcA, dstA, tgt)



def _grouped(x, n_real, g, fill, extra=0):
    pad = NW * g * CC - n_real
    xp = jnp.concatenate([x, jnp.full((pad,), fill, x.dtype)])
    xr = xp.reshape(NW, g, CC)
    if extra:
        xr = jnp.concatenate(
            [xr, jnp.full((NW, extra, CC), fill, x.dtype)], axis=1)
    return xr


def kernel(features, edge_index, neg_edges, W1, b1, W2, b2):
    src = edge_index[0]
    dst = edge_index[1]

    src_p = _grouped(src, E, G, 0, extra=2)
    dst_p = _grouped(dst, E, G, DUMMY_ROW, extra=2)

    srcA = jnp.concatenate([src, neg_edges[0]])
    dstA = jnp.concatenate([dst, neg_edges[1]])
    tgtA = jnp.concatenate([jnp.ones((E,), jnp.float32),
                            jnp.zeros((NEG,), jnp.float32)])
    srcA_p = _grouped(srcA, EA, GA, 0)
    dstA_p = _grouped(dstA, EA, GA, 0)
    tgt_p = _grouped(tgtA, EA, GA, 0.0)

    zeros8 = jnp.zeros((N_PAD, 8), jnp.float32)
    zerosH = jnp.zeros((N_PAD, H), jnp.float32)
    ones8 = jnp.ones((CC, 8), jnp.float32)

    deg_pair = _deg_kernel(dst_p, zeros8, ones8)
    deg0 = deg_pair[0, :N, :]
    deg1 = deg_pair[1, :N, :]

    m1p, dinv = _tc1(features, W1, deg0, deg1)

    acc1 = _prop_kernel(m1p, src_p, dst_p, zerosH)

    m2p = _tc2(acc1[0, :N, :], acc1[1, :N, :], m1p, dinv, b1.reshape(1, H), W2)

    acc2 = _prop_kernel(m2p, src_p, dst_p, zerosH)

    reps = _tc3(acc2[0, :N, :], acc2[1, :N, :], m2p, dinv, b2.reshape(1, H))

    P = _edgeprod_kernel(reps, srcA_p, dstA_p)

    num, den = _tc_score(P, srcA_p.reshape(EA_PAD, 1), dstA_p.reshape(EA_PAD, 1),
                         tgt_p.reshape(EA_PAD, 1))
    rec_loss = (num[0, 0] * jnp.float32(N)) / den[0, 0]
    return reps, rec_loss

# --- scband reference (transcript-rebuilt; emitter-appended) ---
"""Pipeline reference for scband-estimate-adj-78683800862995 (READ-ONLY COPY).

The authoritative reference and input builder live on the scoring server;
editing this copy changes nothing except your own understanding.
"""

import jax, jax.numpy as jnp
import numpy as np

N = 10000
E = 320000
D = 128
H = 64
N_N = 5
T_SMALL = 0.1


def gcn_norm(edge_index, edge_weight, num_nodes):
    src = edge_index[0]
    dst = edge_index[1]
    loop = jnp.arange(num_nodes, dtype=src.dtype)
    src = jnp.concatenate([src, loop])
    dst = jnp.concatenate([dst, loop])
    ew = jnp.concatenate([edge_weight, jnp.ones((num_nodes,), dtype=edge_weight.dtype)])
    deg = jnp.zeros((num_nodes,), dtype=ew.dtype).at[dst].add(ew)
    dinv = jnp.where(deg > 0, 1.0 / jnp.sqrt(deg), 0.0)
    norm = dinv[src] * ew * dinv[dst]
    return src, dst, norm


def setup_inputs(seed: int = 0):
    key = jax.random.key(seed)
    k1, k2, k3, k4, k5 = jax.random.split(key, 5)
    features = jax.random.normal(k1, (N, D), dtype=jnp.float32)
    edge_index = jax.random.randint(k2, (2, E), 0, N, dtype=jnp.int32)
    neg_edges = jax.random.randint(k3, (2, N_N * N), 0, N, dtype=jnp.int32)
    W1 = jax.random.normal(k4, (D, H), dtype=jnp.float32) * 0.05
    b1 = jnp.zeros((H,), dtype=jnp.float32)
    W2 = jax.random.normal(k5, (H, H), dtype=jnp.float32) * 0.05
    b2 = jnp.zeros((H,), dtype=jnp.float32)
    return {"features": features, "edge_index": edge_index, "neg_edges": neg_edges,
            "W1": W1, "b1": b1, "W2": W2, "b2": b2}


def _forward(features, W1, b1, W2, b2, edge_index, neg_edges):
    num_nodes = features.shape[0]
    ew0 = jnp.ones((edge_index.shape[1],), dtype=jnp.float32)
    src, dst, norm = gcn_norm(edge_index, ew0, num_nodes)
    # 2-layer GCN estimator with edge weights (GCNConv-style symmetric norm + self-loops)
    m1 = features @ W1
    h = jnp.zeros((num_nodes, W1.shape[1]), dtype=features.dtype).at[dst].add(norm[:, None] * m1[src]) + b1
    h = jax.nn.relu(h)
    m2 = h @ W2
    reps = jnp.zeros((num_nodes, W2.shape[1]), dtype=features.dtype).at[dst].add(norm[:, None] * m2[src]) + b2
    # reconstruction loss: pos edges with i<j, negative-sampled edges with i<j (mask-based, static shapes)
    pos_dot = jnp.sum(reps[edge_index[0]] * reps[edge_index[1]], axis=1)
    pos_mask = (edge_index[0] < edge_index[1]).astype(jnp.float32)
    neg_dot = jnp.sum(reps[neg_edges[0]] * reps[neg_edges[1]], axis=1)
    neg_mask = (neg_edges[0] < neg_edges[1]).astype(jnp.float32)
    num = jnp.sum(neg_mask * (neg_dot ** 2)) + jnp.sum(pos_mask * ((pos_dot - 1.0) ** 2))
    denom = jnp.sum(neg_mask) + jnp.sum(pos_mask)
    rec_loss = num * num_nodes / denom
    # estimated weights on potential edges (n_p=0 -> poten_edge_index == edge_index); side effect in torch
    est = jax.nn.relu(pos_dot)
    est = jnp.where(est < T_SMALL, 0.0, est)
    return reps, rec_loss, est


def reference(features, edge_index, neg_edges, W1, b1, W2, b2):
    reps, rec_loss, est = _forward(features, W1, b1, W2, b2, edge_index, neg_edges)
    return (reps, rec_loss)

if __name__ == "__main__":
    import jax
    _d = setup_inputs()
    print(jax.jit(kernel)(*tuple(_d.values())))

</pallas_src>

<mosaic_0001>
#map = affine_map<(d0, d1) -> (0, 0, 0)>
#map1 = affine_map<(d0, d1) -> (0, 0)>
module attributes {stable_mosaic.version = 14 : i64} {
  func.func @_deg_kernel(%arg0: i32, %arg1: i32, %arg2: memref<32x22x512xi32, #tpu.memory_space<hbm>>, %arg3: memref<10240x8xf32, #tpu.memory_space<hbm>>, %arg4: memref<512x8xf32, #tpu.memory_space<hbm>>, %arg5: memref<2x10240x8xf32, #tpu.memory_space<hbm>>, %arg6: memref<10240x8xf32, #tpu.memory_space<vmem_shared>>, %arg7: memref<22x512xi32, #tpu.memory_space<vmem>>, %arg8: memref<512x8xf32, #tpu.memory_space<vmem>>) attributes {dimension_semantics = [#tpu.dimension_semantics<core_parallel>, #tpu.dimension_semantics<subcore_parallel>], iteration_bounds = array<i64: 2, 16>, scalar_prefetch = 0 : i64, scratch_operands = 3 : i64, tpu.core_type = #tpu.core_type<sc_vector_subcore>, window_params = [{transform_indices = #map}, {transform_indices = #map1}, {transform_indices = #map1}, {transform_indices = #map}]} {
    %mul3A = arith.constant 16 : i32
    %mul3A_0 = arith.muli %arg0, %mul3A : i32
    %add3A = arith.addi %mul3A_0, %arg1 : i32
    %mul3A_1 = arith.constant 640 : i32
    %mul3A_2 = arith.muli %arg1, %mul3A_1 : i32
    %mul3A_3 = arith.constant 640 : i32
    %mul3A_4 = arith.muli %arg1, %mul3A_3 : i32
    "tpu.region"() ({
      %run_scoped3A = tpu.sem_alloc : memref<!tpu.dma_semaphore, #tpu.memory_space<semaphore_mem>>
      %dma_start3A = arith.constant 0 : i32
      %dma_start3A_15 = tpu.memref_slice %arg6[%mul3A_4, %dma_start3A] : memref<10240x8xf32, #tpu.memory_space<vmem_shared>> -> memref<640x8xf32, #tpu.memory_space<vmem_shared>>
      %dma_start3A_16 = arith.constant 0 : i32
      %dma_start3A_17 = tpu.memref_slice %arg3[%mul3A_2, %dma_start3A_16] : memref<10240x8xf32, #tpu.memory_space<hbm>> -> memref<640x8xf32, #tpu.memory_space<hbm>>
      tpu.enqueue_dma source(%dma_start3A_17 : memref<640x8xf32, #tpu.memory_space<hbm>>) target(%dma_start3A_15 : memref<640x8xf32, #tpu.memory_space<vmem_shared>>) target_semaphore(%run_scoped3A : memref<!tpu.dma_semaphore, #tpu.memory_space<semaphore_mem>>)
      %dma_wait3A = arith.constant 0 : i32
      %dma_wait3A_18 = tpu.memref_slice %arg6[%mul3A_4, %dma_wait3A] : memref<10240x8xf32, #tpu.memory_space<vmem_shared>> -> memref<640x8xf32, #tpu.memory_space<vmem_shared>>
      %dma_wait3A_19 = arith.constant 0 : i32
      %dma_wait3A_20 = tpu.memref_slice %arg3[%mul3A_2, %dma_wait3A_19] : memref<10240x8xf32, #tpu.memory_space<hbm>> -> memref<640x8xf32, #tpu.memory_space<hbm>>
      tpu.wait_dma2 semaphore(%run_scoped3A : memref<!tpu.dma_semaphore, #tpu.memory_space<semaphore_mem>>) src(%dma_wait3A_20 : memref<640x8xf32, #tpu.memory_space<hbm>>) dst(%dma_wait3A_18 : memref<640x8xf32, #tpu.memory_space<vmem_shared>>)
      tpu.yield
    }) : () -> ()
    "tpu.region"() ({
      %run_scoped3A = tpu.sem_alloc : memref<!tpu.dma_semaphore, #tpu.memory_space<semaphore_mem>>
      tpu.enqueue_dma source(%arg4 : memref<512x8xf32, #tpu.memory_space<hbm>>) target(%arg8 : memref<512x8xf32, #tpu.memory_space<vmem>>) target_semaphore(%run_scoped3A : memref<!tpu.dma_semaphore, #tpu.memory_space<semaphore_mem>>)
      tpu.wait_dma2 semaphore(%run_scoped3A : memref<!tpu.dma_semaphore, #tpu.memory_space<semaphore_mem>>) src(%arg4 : memref<512x8xf32, #tpu.memory_space<hbm>>) dst(%arg8 : memref<512x8xf32, #tpu.memory_space<vmem>>)
      tpu.yield
    }) : () -> ()
    "tpu.region"() ({
      %run_scoped3A = tpu.sem_alloc : memref<!tpu.dma_semaphore, #tpu.memory_space<semaphore_mem>>
      %dma_start3A = arith.constant 0 : i32
      %dma_start3A_15 = arith.constant 0 : i32
      %dma_start3A_16 = tpu.memref_slice %arg2[%add3A, %dma_start3A, %dma_start3A_15] : memref<32x22x512xi32, #tpu.memory_space<hbm>> -> memref<1x22x512xi32, #tpu.memory_space<hbm>>
      %dma_start3A_17 = tpu.memref_squeeze %dma_start3A_16 : memref<1x22x512xi32, #tpu.memory_space<hbm>> -> memref<22x512xi32, #tpu.memory_space<hbm>>
      %dma_start3A_18 = arith.constant 0 : i32
      %dma_start3A_19 = arith.constant 0 : i32
      %dma_start3A_20 = tpu.memref_slice %arg2[%add3A, %dma_start3A_18, %dma_start3A_19] : memref<32x22x512xi32, #tpu.memory_space<hbm>> -> memref<1x22x512xi32, #tpu.memory_space<hbm>>
      %dma_start3A_21 = tpu.memref_squeeze %dma_start3A_20 : memref<1x22x512xi32, #tpu.memory_space<hbm>> -> memref<22x512xi32, #tpu.memory_space<hbm>>
      tpu.enqueue_dma source(%dma_start3A_21 : memref<22x512xi32, #tpu.memory_space<hbm>>) target(%arg7 : memref<22x512xi32, #tpu.memory_space<vmem>>) target_semaphore(%run_scoped3A : memref<!tpu.dma_semaphore, #tpu.memory_space<semaphore_mem>>)
      %dma_wait3A = arith.constant 0 : i32
      %dma_wait3A_22 = arith.constant 0 : i32
      %dma_wait3A_23 = tpu.memref_slice %arg2[%add3A, %dma_wait3A, %dma_wait3A_22] : memref<32x22x512xi32, #tpu.memory_space<hbm>> -> memref<1x22x512xi32, #tpu.memory_space<hbm>>
      %dma_wait3A_24 = tpu.memref_squeeze %dma_wait3A_23 : memref<1x22x512xi32, #tpu.memory_space<hbm>> -> memref<22x512xi32, #tpu.memory_space<hbm>>
      %dma_wait3A_25 = arith.constant 0 : i32
      %dma_wait3A_26 = arith.constant 0 : i32
      %dma_wait3A_27 = tpu.memref_slice %arg2[%add3A, %dma_wait3A_25, %dma_wait3A_26] : memref<32x22x512xi32, #tpu.memory_space<hbm>> -> memref<1x22x512xi32, #tpu.memory_space<hbm>>
      %dma_wait3A_28 = tpu.memref_squeeze %dma_wait3A_27 : memref<1x22x512xi32, #tpu.memory_space<hbm>> -> memref<22x512xi32, #tpu.memory_space<hbm>>
      tpu.wait_dma2 semaphore(%run_scoped3A : memref<!tpu.dma_semaphore, #tpu.memory_space<semaphore_mem>>) src(%dma_wait3A_28 : memref<22x512xi32, #tpu.memory_space<hbm>>) dst(%arg7 : memref<22x512xi32, #tpu.memory_space<vmem>>)
      tpu.yield
    }) : () -> ()
    %barrier3A = arith.constant 0 : index
    tpu.barrier barrier_id(%barrier3A)
    %scan3A = arith.constant 0 : i32
    %scan3A_5 = arith.constant 0 : i32
    %scan3A_6 = arith.constant 20 : i32
    %scan3A_7 = arith.addi %scan3A_5, %scan3A_6 : i32
    %scan3A_8 = arith.constant 1 : i32
    scf.for %scan3A_15 = %scan3A_5 to %scan3A_7 step %scan3A_8  : i32 {
      "tpu.region"() ({
        %run_scoped3A = tpu.sem_alloc : memref<!tpu.dma_semaphore, #tpu.memory_space<semaphore_mem>>
        %dma_start3A = arith.constant 0 : i32
        %dma_start3A_16 = tpu.memref_slice %arg7[%scan3A_15, %dma_start3A] : memref<22x512xi32, #tpu.memory_space<vmem>> -> memref<1x512xi32, #tpu.memory_space<vmem>>
        %dma_start3A_17 = tpu.memref_squeeze %dma_start3A_16 : memref<1x512xi32, #tpu.memory_space<vmem>> -> memref<512xi32, #tpu.memory_space<vmem>>
        %dma_start3A_18 = arith.constant 0 : i32
        %dma_start3A_19 = arith.constant 0 : i32
        %dma_start3A_20 = tpu.memref_slice %arg6[%dma_start3A_18, %dma_start3A_19] : memref<10240x8xf32, #tpu.memory_space<vmem_shared>> -> memref<10240x8xf32, #tpu.memory_space<vmem_shared>>
        tpu.enqueue_indirect_dma source(%arg8 : memref<512x8xf32, #tpu.memory_space<vmem>>) target(%dma_start3A_20 : memref<10240x8xf32, #tpu.memory_space<vmem_shared>>) offsets(%dma_start3A_17 : memref<512xi32, #tpu.memory_space<vmem>>) semaphore(%run_scoped3A : memref<!tpu.dma_semaphore, #tpu.memory_space<semaphore_mem>>) {add = true}
        %dma_wait3A = arith.constant 0 : i32
        %dma_wait3A_21 = tpu.memref_slice %arg7[%scan3A_15, %dma_wait3A] : memref<22x512xi32, #tpu.memory_space<vmem>> -> memref<1x512xi32, #tpu.memory_space<vmem>>
        %dma_wait3A_22 = tpu.memref_squeeze %dma_wait3A_21 : memref<1x512xi32, #tpu.memory_space<vmem>> -> memref<512xi32, #tpu.memory_space<vmem>>
        %dma_wait3A_23 = arith.constant 0 : i32
        %dma_wait3A_24 = arith.constant 0 : i32
        %dma_wait3A_25 = tpu.memref_slice %arg6[%dma_wait3A_23, %dma_wait3A_24] : memref<10240x8xf32, #tpu.memory_space<vmem_shared>> -> memref<10240x8xf32, #tpu.memory_space<vmem_shared>>
        tpu.wait_indirect_dma semaphore(%run_scoped3A : memref<!tpu.dma_semaphore, #tpu.memory_space<semaphore_mem>>) src(%arg8 : memref<512x8xf32, #tpu.memory_space<vmem>>) dst(%dma_wait3A_25 : memref<10240x8xf32, #tpu.memory_space<vmem_shared>>)
        tpu.yield
      }) : () -> ()
    }
    %scan3A_9 = arith.constant 20 : i32
    %barrier3A_10 = arith.constant 0 : index
    tpu.barrier barrier_id(%barrier3A_10)
    %mul3A_11 = arith.constant 640 : i32
    %mul3A_12 = arith.muli %arg1, %mul3A_11 : i32
    %mul3A_13 = arith.constant 640 : i32
    %mul3A_14 = arith.muli %arg1, %mul3A_13 : i32
    "tpu.region"() ({
      %run_scoped3A = tpu.sem_alloc : memref<!tpu.dma_semaphore, #tpu.memory_space<semaphore_mem>>
      %dma_start3A = arith.constant 0 : i32
      %dma_start3A_15 = arith.constant 0 : i32
      %dma_start3A_16 = tpu.memref_slice %arg5[%arg0, %dma_start3A, %dma_start3A_15] : memref<2x10240x8xf32, #tpu.memory_space<hbm>> -> memref<1x10240x8xf32, #tpu.memory_space<hbm>>
      %dma_start3A_17 = tpu.memref_squeeze %dma_start3A_16 : memref<1x10240x8xf32, #tpu.memory_space<hbm>> -> memref<10240x8xf32, #tpu.memory_space<hbm>>
      %dma_start3A_18 = arith.constant 0 : i32
      %dma_start3A_19 = tpu.memref_slice %dma_start3A_17[%mul3A_14, %dma_start3A_18] : memref<10240x8xf32, #tpu.memory_space<hbm>> -> memref<640x8xf32, #tpu.memory_space<hbm>>
      %dma_start3A_20 = arith.constant 0 : i32
      %dma_start3A_21 = tpu.memref_slice %arg6[%mul3A_12, %dma_start3A_20] : memref<10240x8xf32, #tpu.memory_space<vmem_shared>> -> memref<640x8xf32, #tpu.memory_space<vmem_shared>>
      tpu.enqueue_dma source(%dma_start3A_21 : memref<640x8xf32, #tpu.memory_space<vmem_shared>>) target(%dma_start3A_19 : memref<640x8xf32, #tpu.memory_space<hbm>>) target_semaphore(%run_scoped3A : memref<!tpu.dma_semaphore, #tpu.memory_space<semaphore_mem>>)
      %dma_wait3A = arith.constant 0 : i32
      %dma_wait3A_22 = arith.constant 0 : i32
      %dma_wait3A_23 = tpu.memref_slice %arg5[%arg0, %dma_wait3A, %dma_wait3A_22] : memref<2x10240x8xf32, #tpu.memory_space<hbm>> -> memref<1x10240x8xf32, #tpu.memory_space<hbm>>
      %dma_wait3A_24 = tpu.memref_squeeze %dma_wait3A_23 : memref<1x10240x8xf32, #tpu.memory_space<hbm>> -> memref<10240x8xf32, #tpu.memory_space<hbm>>
      %dma_wait3A_25 = arith.constant 0 : i32
      %dma_wait3A_26 = tpu.memref_slice %dma_wait3A_24[%mul3A_14, %dma_wait3A_25] : memref<10240x8xf32, #tpu.memory_space<hbm>> -> memref<640x8xf32, #tpu.memory_space<hbm>>
      %dma_wait3A_27 = arith.constant 0 : i32
      %dma_wait3A_28 = tpu.memref_slice %arg6[%mul3A_12, %dma_wait3A_27] : memref<10240x8xf32, #tpu.memory_space<vmem_shared>> -> memref<640x8xf32, #tpu.memory_space<vmem_shared>>
      tpu.wait_dma2 semaphore(%run_scoped3A : memref<!tpu.dma_semaphore, #tpu.memory_space<semaphore_mem>>) src(%dma_wait3A_28 : memref<640x8xf32, #tpu.memory_space<vmem_shared>>) dst(%dma_wait3A_26 : memref<640x8xf32, #tpu.memory_space<hbm>>)
      tpu.yield
    }) : () -> ()
    return
  }
}

#map = affine_map<(d0, d1) -> (0, 0)>
#map1 = affine_map<(d0, d1) -> (0, 0, 0)>
module attributes {stable_mosaic.version = 14 : i64} {
  func.func @_edgeprod_kernel(%arg0: i32, %arg1: i32, %arg2: memref<10000x64xf32, #tpu.memory_space<hbm>>, %arg3: memref<32x23x512xi32, #tpu.memory_space<hbm>>, %arg4: memref<32x23x512xi32, #tpu.memory_space<hbm>>, %arg5: memref<376832x64xf32, #tpu.memory_space<hbm>>, %arg6: memref<10000x64xf32, #tpu.memory_space<vmem_shared>>, %arg7: memref<23x512xi32, #tpu.memory_space<vmem>>, %arg8: memref<23x512xi32, #tpu.memory_space<vmem>>, %arg9: memref<512x64xf32, #tpu.memory_space<vmem>>, %arg10: memref<512x64xf32, #tpu.memory_space<vmem>>, %arg11: memref<!tpu.dma_semaphore, #tpu.memory_space<semaphore_mem>>, %arg12: memref<!tpu.dma_semaphore, #tpu.memory_space<semaphore_mem>>) attributes {dimension_semantics = [#tpu.dimension_semantics<core_parallel>, #tpu.dimension_semantics<subcore_parallel>], iteration_bounds = array<i64: 2, 16>, scalar_prefetch = 0 : i64, scratch_operands = 7 : i64, tpu.core_type = #tpu.core_type<sc_vector_subcore>, window_params = [{transform_indices = #map}, {transform_indices = #map1}, {transform_indices = #map1}, {transform_indices = #map}]} {
    %mul3A = arith.constant 16 : i32
    %mul3A_0 = arith.muli %arg0, %mul3A : i32
    %add3A = arith.addi %mul3A_0, %arg1 : i32
    %mul3A_1 = arith.constant 625 : i32
    %mul3A_2 = arith.muli %arg1, %mul3A_1 : i32
    %mul3A_3 = arith.constant 625 : i32
    %mul3A_4 = arith.muli %arg1, %mul3A_3 : i32
    "tpu.region"() ({
      %run_scoped3A = tpu.sem_alloc : memref<!tpu.dma_semaphore, #tpu.memory_space<semaphore_mem>>
      %dma_start3A = arith.constant 0 : i32
      %dma_start3A_10 = tpu.memref_slice %arg6[%mul3A_4, %dma_start3A] : memref<10000x64xf32, #tpu.memory_space<vmem_shared>> -> memref<625x64xf32, #tpu.memory_space<vmem_shared>>
      %dma_start3A_11 = arith.constant 0 : i32
      %dma_start3A_12 = tpu.memref_slice %arg2[%mul3A_2, %dma_start3A_11] : memref<10000x64xf32, #tpu.memory_space<hbm>> -> memref<625x64xf32, #tpu.memory_space<hbm>>
      tpu.enqueue_dma source(%dma_start3A_12 : memref<625x64xf32, #tpu.memory_space<hbm>>) target(%dma_start3A_10 : memref<625x64xf32, #tpu.memory_space<vmem_shared>>) target_semaphore(%run_scoped3A : memref<!tpu.dma_semaphore, #tpu.memory_space<semaphore_mem>>)
      %dma_wait3A = arith.constant 0 : i32
      %dma_wait3A_13 = tpu.memref_slice %arg6[%mul3A_4, %dma_wait3A] : memref<10000x64xf32, #tpu.memory_space<vmem_shared>> -> memref<625x64xf32, #tpu.memory_space<vmem_shared>>
      %dma_wait3A_14 = arith.constant 0 : i32
      %dma_wait3A_15 = tpu.memref_slice %arg2[%mul3A_2, %dma_wait3A_14] : memref<10000x64xf32, #tpu.memory_space<hbm>> -> memref<625x64xf32, #tpu.memory_space<hbm>>
      tpu.wait_dma2 semaphore(%run_scoped3A : memref<!tpu.dma_semaphore, #tpu.memory_space<semaphore_mem>>) src(%dma_wait3A_15 : memref<625x64xf32, #tpu.memory_space<hbm>>) dst(%dma_wait3A_13 : memref<625x64xf32, #tpu.memory_space<vmem_shared>>)
      tpu.yield
    }) : () -> ()
    "tpu.region"() ({
      %run_scoped3A = tpu.sem_alloc : memref<!tpu.dma_semaphore, #tpu.memory_space<semaphore_mem>>
      %dma_start3A = arith.constant 0 : i32
      %dma_start3A_10 = arith.constant 0 : i32
      %dma_start3A_11 = tpu.memref_slice %arg3[%add3A, %dma_start3A, %dma_start3A_10] : memref<32x23x512xi32, #tpu.memory_space<hbm>> -> memref<1x23x512xi32, #tpu.memory_space<hbm>>
      %dma_start3A_12 = tpu.memref_squeeze %dma_start3A_11 : memref<1x23x512xi32, #tpu.memory_space<hbm>> -> memref<23x512xi32, #tpu.memory_space<hbm>>
      %dma_start3A_13 = arith.constant 0 : i32
      %dma_start3A_14 = arith.constant 0 : i32
      %dma_start3A_15 = tpu.memref_slice %arg3[%add3A, %dma_start3A_13, %dma_start3A_14] : memref<32x23x512xi32, #tpu.memory_space<hbm>> -> memref<1x23x512xi32, #tpu.memory_space<hbm>>
      %dma_start3A_16 = tpu.memref_squeeze %dma_start3A_15 : memref<1x23x512xi32, #tpu.memory_space<hbm>> -> memref<23x512xi32, #tpu.memory_space<hbm>>
      tpu.enqueue_dma source(%dma_start3A_16 : memref<23x512xi32, #tpu.memory_space<hbm>>) target(%arg7 : memref<23x512xi32, #tpu.memory_space<vmem>>) target_semaphore(%run_scoped3A : memref<!tpu.dma_semaphore, #tpu.memory_space<semaphore_mem>>)
      %dma_wait3A = arith.constant 0 : i32
      %dma_wait3A_17 = arith.constant 0 : i32
      %dma_wait3A_18 = tpu.memref_slice %arg3[%add3A, %dma_wait3A, %dma_wait3A_17] : memref<32x23x512xi32, #tpu.memory_space<hbm>> -> memref<1x23x512xi32, #tpu.memory_space<hbm>>
      %dma_wait3A_19 = tpu.memref_squeeze %dma_wait3A_18 : memref<1x23x512xi32, #tpu.memory_space<hbm>> -> memref<23x512xi32, #tpu.memory_space<hbm>>
      %dma_wait3A_20 = arith.constant 0 : i32
      %dma_wait3A_21 = arith.constant 0 : i32
      %dma_wait3A_22 = tpu.memref_slice %arg3[%add3A, %dma_wait3A_20, %dma_wait3A_21] : memref<32x23x512xi32, #tpu.memory_space<hbm>> -> memref<1x23x512xi32, #tpu.memory_space<hbm>>
      %dma_wait3A_23 = tpu.memref_squeeze %dma_wait3A_22 : memref<1x23x512xi32, #tpu.memory_space<hbm>> -> memref<23x512xi32, #tpu.memory_space<hbm>>
      tpu.wait_dma2 semaphore(%run_scoped3A : memref<!tpu.dma_semaphore, #tpu.memory_space<semaphore_mem>>) src(%dma_wait3A_23 : memref<23x512xi32, #tpu.memory_space<hbm>>) dst(%arg7 : memref<23x512xi32, #tpu.memory_space<vmem>>)
      tpu.yield
    }) : () -> ()
    "tpu.region"() ({
      %run_scoped3A = tpu.sem_alloc : memref<!tpu.dma_semaphore, #tpu.memory_space<semaphore_mem>>
      %dma_start3A = arith.constant 0 : i32
      %dma_start3A_10 = arith.constant 0 : i32
      %dma_start3A_11 = tpu.memref_slice %arg4[%add3A, %dma_start3A, %dma_start3A_10] : memref<32x23x512xi32, #tpu.memory_space<hbm>> -> memref<1x23x512xi32, #tpu.memory_space<hbm>>
      %dma_start3A_12 = tpu.memref_squeeze %dma_start3A_11 : memref<1x23x512xi32, #tpu.memory_space<hbm>> -> memref<23x512xi32, #tpu.memory_space<hbm>>
      %dma_start3A_13 = arith.constant 0 : i32
      %dma_start3A_14 = arith.constant 0 : i32
      %dma_start3A_15 = tpu.memref_slice %arg4[%add3A, %dma_start3A_13, %dma_start3A_14] : memref<32x23x512xi32, #tpu.memory_space<hbm>> -> memref<1x23x512xi32, #tpu.memory_space<hbm>>
      %dma_start3A_16 = tpu.memref_squeeze %dma_start3A_15 : memref<1x23x512xi32, #tpu.memory_space<hbm>> -> memref<23x512xi32, #tpu.memory_space<hbm>>
      tpu.enqueue_dma source(%dma_start3A_16 : memref<23x512xi32, #tpu.memory_space<hbm>>) target(%arg8 : memref<23x512xi32, #tpu.memory_space<vmem>>) target_semaphore(%run_scoped3A : memref<!tpu.dma_semaphore, #tpu.memory_space<semaphore_mem>>)
      %dma_wait3A = arith.constant 0 : i32
      %dma_wait3A_17 = arith.constant 0 : i32
      %dma_wait3A_18 = tpu.memref_slice %arg4[%add3A, %dma_wait3A, %dma_wait3A_17] : memref<32x23x512xi32, #tpu.memory_space<hbm>> -> memref<1x23x512xi32, #tpu.memory_space<hbm>>
      %dma_wait3A_19 = tpu.memref_squeeze %dma_wait3A_18 : memref<1x23x512xi32, #tpu.memory_space<hbm>> -> memref<23x512xi32, #tpu.memory_space<hbm>>
      %dma_wait3A_20 = arith.constant 0 : i32
      %dma_wait3A_21 = arith.constant 0 : i32
      %dma_wait3A_22 = tpu.memref_slice %arg4[%add3A, %dma_wait3A_20, %dma_wait3A_21] : memref<32x23x512xi32, #tpu.memory_space<hbm>> -> memref<1x23x512xi32, #tpu.memory_space<hbm>>
      %dma_wait3A_23 = tpu.memref_squeeze %dma_wait3A_22 : memref<1x23x512xi32, #tpu.memory_space<hbm>> -> memref<23x512xi32, #tpu.memory_space<hbm>>
      tpu.wait_dma2 semaphore(%run_scoped3A : memref<!tpu.dma_semaphore, #tpu.memory_space<semaphore_mem>>) src(%dma_wait3A_23 : memref<23x512xi32, #tpu.memory_space<hbm>>) dst(%arg8 : memref<23x512xi32, #tpu.memory_space<vmem>>)
      tpu.yield
    }) : () -> ()
    %barrier3A = arith.constant 0 : index
    tpu.barrier barrier_id(%barrier3A)
    %scan3A = arith.constant 0 : i32
    %scan3A_5 = arith.constant 0 : i32
    %scan3A_6 = arith.constant 23 : i32
    %scan3A_7 = arith.addi %scan3A_5, %scan3A_6 : i32
    %scan3A_8 = arith.constant 1 : i32
    scf.for %scan3A_10 = %scan3A_5 to %scan3A_7 step %scan3A_8  : i32 {
      %dma_start3A = arith.constant 0 : i32
      %dma_start3A_11 = tpu.memref_slice %arg7[%scan3A_10, %dma_start3A] : memref<23x512xi32, #tpu.memory_space<vmem>> -> memref<1x512xi32, #tpu.memory_space<vmem>>
      %dma_start3A_12 = tpu.memref_squeeze %dma_start3A_11 : memref<1x512xi32, #tpu.memory_space<vmem>> -> memref<512xi32, #tpu.memory_space<vmem>>
      %dma_start3A_13 = arith.constant 0 : i32
      %dma_start3A_14 = arith.constant 0 : i32
      %dma_start3A_15 = tpu.memref_slice %arg6[%dma_start3A_13, %dma_start3A_14] : memref<10000x64xf32, #tpu.memory_space<vmem_shared>> -> memref<10000x64xf32, #tpu.memory_space<vmem_shared>>
      tpu.enqueue_indirect_dma source(%dma_start3A_15 : memref<10000x64xf32, #tpu.memory_space<vmem_shared>>) target(%arg9 : memref<512x64xf32, #tpu.memory_space<vmem>>) offsets(%dma_start3A_12 : memref<512xi32, #tpu.memory_space<vmem>>) semaphore(%arg11 : memref<!tpu.dma_semaphore, #tpu.memory_space<semaphore_mem>>)
      %dma_start3A_16 = arith.constant 0 : i32
      %dma_start3A_17 = tpu.memref_slice %arg8[%scan3A_10, %dma_start3A_16] : memref<23x512xi32, #tpu.memory_space<vmem>> -> memref<1x512xi32, #tpu.memory_space<vmem>>
      %dma_start3A_18 = tpu.memref_squeeze %dma_start3A_17 : memref<1x512xi32, #tpu.memory_space<vmem>> -> memref<512xi32, #tpu.memory_space<vmem>>
      %dma_start3A_19 = arith.constant 0 : i32
      %dma_start3A_20 = arith.constant 0 : i32
      %dma_start3A_21 = tpu.memref_slice %arg6[%dma_start3A_19, %dma_start3A_20] : memref<10000x64xf32, #tpu.memory_space<vmem_shared>> -> memref<10000x64xf32, #tpu.memory_space<vmem_shared>>
      tpu.enqueue_indirect_dma source(%dma_start3A_21 : memref<10000x64xf32, #tpu.memory_space<vmem_shared>>) target(%arg10 : memref<512x64xf32, #tpu.memory_space<vmem>>) offsets(%dma_start3A_18 : memref<512xi32, #tpu.memory_space<vmem>>) semaphore(%arg12 : memref<!tpu.dma_semaphore, #tpu.memory_space<semaphore_mem>>)
      %dma_wait3A = arith.constant 0 : i32
      %dma_wait3A_22 = tpu.memref_slice %arg7[%scan3A_10, %dma_wait3A] : memref<23x512xi32, #tpu.memory_space<vmem>> -> memref<1x512xi32, #tpu.memory_space<vmem>>
      %dma_wait3A_23 = tpu.memref_squeeze %dma_wait3A_22 : memref<1x512xi32, #tpu.memory_space<vmem>> -> memref<512xi32, #tpu.memory_space<vmem>>
      %dma_wait3A_24 = arith.constant 0 : i32
      %dma_wait3A_25 = arith.constant 0 : i32
      %dma_wait3A_26 = tpu.memref_slice %arg6[%dma_wait3A_24, %dma_wait3A_25] : memref<10000x64xf32, #tpu.memory_space<vmem_shared>> -> memref<10000x64xf32, #tpu.memory_space<vmem_shared>>
      tpu.wait_indirect_dma semaphore(%arg11 : memref<!tpu.dma_semaphore, #tpu.memory_space<semaphore_mem>>) src(%dma_wait3A_26 : memref<10000x64xf32, #tpu.memory_space<vmem_shared>>) dst(%arg9 : memref<512x64xf32, #tpu.memory_space<vmem>>)
      %dma_wait3A_27 = arith.constant 0 : i32
      %dma_wait3A_28 = tpu.memref_slice %arg8[%scan3A_10, %dma_wait3A_27] : memref<23x512xi32, #tpu.memory_space<vmem>> -> memref<1x512xi32, #tpu.memory_space<vmem>>
      %dma_wait3A_29 = tpu.memref_squeeze %dma_wait3A_28 : memref<1x512xi32, #tpu.memory_space<vmem>> -> memref<512xi32, #tpu.memory_space<vmem>>
      %dma_wait3A_30 = arith.constant 0 : i32
      %dma_wait3A_31 = arith.constant 0 : i32
      %dma_wait3A_32 = tpu.memref_slice %arg6[%dma_wait3A_30, %dma_wait3A_31] : memref<10000x64xf32, #tpu.memory_space<vmem_shared>> -> memref<10000x64xf32, #tpu.memory_space<vmem_shared>>
      tpu.wait_indirect_dma semaphore(%arg12 : memref<!tpu.dma_semaphore, #tpu.memory_space<semaphore_mem>>) src(%dma_wait3A_32 : memref<10000x64xf32, #tpu.memory_space<vmem_shared>>) dst(%arg10 : memref<512x64xf32, #tpu.memory_space<vmem>>)
      %scan3A_33 = arith.constant 0 : i32
      %scan3A_34 = arith.constant 0 : i32
      %scan3A_35 = arith.constant 128 : i32
      %scan3A_36 = arith.addi %scan3A_34, %scan3A_35 : i32
      %scan3A_37 = arith.constant 1 : i32
      scf.for %scan3A_44 = %scan3A_34 to %scan3A_36 step %scan3A_37  : i32 {
        %mul3A_45 = arith.constant 4 : i32
        %mul3A_46 = arith.muli %scan3A_44, %mul3A_45 : i32
        %add3A_47 = arith.constant 0 : i32
        %add3A_48 = arith.addi %mul3A_46, %add3A_47 : i32
        %get3A = arith.index_cast %add3A_48 : i32 to index
        %get3A_49 = arith.constant 0 : index
        %get3A_50 = tpu.vector_load %arg9[%get3A, %get3A_49] {strides = array<i32>} : memref<512x64xf32, #tpu.memory_space<vmem>>, vector<1x16xf32>,
        %get3A_51 = vector.shape_cast %get3A_50 : vector<1x16xf32> to vector<16xf32>
        %get3A_52 = arith.index_cast %add3A_48 : i32 to index
        %get3A_53 = arith.constant 0 : index
        %get3A_54 = tpu.vector_load %arg10[%get3A_52, %get3A_53] {strides = array<i32>} : memref<512x64xf32, #tpu.memory_space<vmem>>, vector<1x16xf32>,
        %get3A_55 = vector.shape_cast %get3A_54 : vector<1x16xf32> to vector<16xf32>
        %mul3A_56 = arith.mulf %get3A_51, %get3A_55 : vector<16xf32>
        %swap3A = arith.index_cast %add3A_48 : i32 to index
        %swap3A_57 = arith.constant 0 : index
        %swap3A_58 = tpu.vector_load %arg9[%swap3A, %swap3A_57] {strides = array<i32>} : memref<512x64xf32, #tpu.memory_space<vmem>>, vector<1x16xf32>,
        %swap3A_59 = vector.shape_cast %swap3A_58 : vector<1x16xf32> to vector<16xf32>
        %swap3A_60 = vector.shape_cast %mul3A_56 : vector<16xf32> to vector<1x16xf32>
        tpu.vector_store %arg9[%swap3A, %swap3A_57], %swap3A_60 {strides = array<i32>} : memref<512x64xf32, #tpu.memory_space<vmem>>, vector<1x16xf32>,
        %mul3A_61 = arith.constant 4 : i32
        %mul3A_62 = arith.muli %scan3A_44, %mul3A_61 : i32
        %add3A_63 = arith.constant 0 : i32
        %add3A_64 = arith.addi %mul3A_62, %add3A_63 : i32
        %get3A_65 = arith.index_cast %add3A_64 : i32 to index
        %get3A_66 = arith.constant 16 : index
        %get3A_67 = tpu.vector_load %arg9[%get3A_65, %get3A_66] {strides = array<i32>} : memref<512x64xf32, #tpu.memory_space<vmem>>, vector<1x16xf32>,
        %get3A_68 = vector.shape_cast %get3A_67 : vector<1x16xf32> to vector<16xf32>
        %get3A_69 = arith.index_cast %add3A_64 : i32 to index
        %get3A_70 = arith.constant 16 : index
        %get3A_71 = tpu.vector_load %arg10[%get3A_69, %get3A_70] {strides = array<i32>} : memref<512x64xf32, #tpu.memory_space<vmem>>, vector<1x16xf32>,
        %get3A_72 = vector.shape_cast %get3A_71 : vector<1x16xf32> to vector<16xf32>
        %mul3A_73 = arith.mulf %get3A_68, %get3A_72 : vector<16xf32>
        %swap3A_74 = arith.index_cast %add3A_64 : i32 to index
        %swap3A_75 = arith.constant 16 : index
        %swap3A_76 = tpu.vector_load %arg9[%swap3A_74, %swap3A_75] {strides = array<i32>} : memref<512x64xf32, #tpu.memory_space<vmem>>, vector<1x16xf32>,
        %swap3A_77 = vector.shape_cast %swap3A_76 : vector<1x16xf32> to vector<16xf32>
        %swap3A_78 = vector.shape_cast %mul3A_73 : vector<16xf32> to vector<1x16xf32>
        tpu.vector_store %arg9[%swap3A_74, %swap3A_75], %swap3A_78 {strides = array<i32>} : memref<512x64xf32, #tpu.memory_space<vmem>>, vector<1x16xf32>,
        %mul3A_79 = arith.constant 4 : i32
        %mul3A_80 = arith.muli %scan3A_44, %mul3A_79 : i32
        %add3A_81 = arith.constant 0 : i32
        %add3A_82 = arith.addi %mul3A_80, %add3A_81 : i32
        %get3A_83 = arith.index_cast %add3A_82 : i32 to index
        %get3A_84 = arith.constant 32 : index
        %get3A_85 = tpu.vector_load %arg9[%get3A_83, %get3A_84] {strides = array<i32>} : memref<512x64xf32, #tpu.memory_space<vmem>>, vector<1x16xf32>,
        %get3A_86 = vector.shape_cast %get3A_85 : vector<1x16xf32> to vector<16xf32>
        %get3A_87 = arith.index_cast %add3A_82 : i32 to index
        %get3A_88 = arith.constant 32 : index
        %get3A_89 = tpu.vector_load %arg10[%get3A_87, %get3A_88] {strides = array<i32>} : memref<512x64xf32, #tpu.memory_space<vmem>>, vector<1x16xf32>,
        %get3A_90 = vector.shape_cast %get3A_89 : vector<1x16xf32> to vector<16xf32>
        %mul3A_91 = arith.mulf %get3A_86, %get3A_90 : vector<16xf32>
        %swap3A_92 = arith.index_cast %add3A_82 : i32 to index
        %swap3A_93 = arith.constant 32 : index
        %swap3A_94 = tpu.vector_load %arg9[%swap3A_92, %swap3A_93] {strides = array<i32>} : memref<512x64xf32, #tpu.memory_space<vmem>>, vector<1x16xf32>,
        %swap3A_95 = vector.shape_cast %swap3A_94 : vector<1x16xf32> to vector<16xf32>
        %swap3A_96 = vector.shape_cast %mul3A_91 : vector<16xf32> to vector<1x16xf32>
        tpu.vector_store %arg9[%swap3A_92, %swap3A_93], %swap3A_96 {strides = array<i32>} : memref<512x64xf32, #tpu.memory_space<vmem>>, vector<1x16xf32>,
        %mul3A_97 = arith.constant 4 : i32
        %mul3A_98 = arith.muli %scan3A_44, %mul3A_97 : i32
        %add3A_99 = arith.constant 0 : i32
        %add3A_100 = arith.addi %mul3A_98, %add3A_99 : i32
        %get3A_101 = arith.index_cast %add3A_100 : i32 to index
        %get3A_102 = arith.constant 48 : index
        %get3A_103 = tpu.vector_load %arg9[%get3A_101, %get3A_102] {strides = array<i32>} : memref<512x64xf32, #tpu.memory_space<vmem>>, vector<1x16xf32>,
        %get3A_104 = vector.shape_cast %get3A_103 : vector<1x16xf32> to vector<16xf32>
        %get3A_105 = arith.index_cast %add3A_100 : i32 to index
        %get3A_106 = arith.constant 48 : index
        %get3A_107 = tpu.vector_load %arg10[%get3A_105, %get3A_106] {strides = array<i32>} : memref<512x64xf32, #tpu.memory_space<vmem>>, vector<1x16xf32>,
        %get3A_108 = vector.shape_cast %get3A_107 : vector<1x16xf32> to vector<16xf32>
        %mul3A_109 = arith.mulf %get3A_104, %get3A_108 : vector<16xf32>
        %swap3A_110 = arith.index_cast %add3A_100 : i32 to index
        %swap3A_111 = arith.constant 48 : index
        %swap3A_112 = tpu.vector_load %arg9[%swap3A_110, %swap3A_111] {strides = array<i32>} : memref<512x64xf32, #tpu.memory_space<vmem>>, vector<1x16xf32>,
        %swap3A_113 = vector.shape_cast %swap3A_112 : vector<1x16xf32> to vector<16xf32>
        %swap3A_114 = vector.shape_cast %mul3A_109 : vector<16xf32> to vector<1x16xf32>
        tpu.vector_store %arg9[%swap3A_110, %swap3A_111], %swap3A_114 {strides = array<i32>} : memref<512x64xf32, #tpu.memory_space<vmem>>, vector<1x16xf32>,
        %mul3A_115 = arith.constant 4 : i32
        %mul3A_116 = arith.muli %scan3A_44, %mul3A_115 : i32
        %add3A_117 = arith.constant 1 : i32
        %add3A_118 = arith.addi %mul3A_116, %add3A_117 : i32
        %get3A_119 = arith.index_cast %add3A_118 : i32 to index
        %get3A_120 = arith.constant 0 : index
        %get3A_121 = tpu.vector_load %arg9[%get3A_119, %get3A_120] {strides = array<i32>} : memref<512x64xf32, #tpu.memory_space<vmem>>, vector<1x16xf32>,
        %get3A_122 = vector.shape_cast %get3A_121 : vector<1x16xf32> to vector<16xf32>
        %get3A_123 = arith.index_cast %add3A_118 : i32 to index
        %get3A_124 = arith.constant 0 : index
        %get3A_125 = tpu.vector_load %arg10[%get3A_123, %get3A_124] {strides = array<i32>} : memref<512x64xf32, #tpu.memory_space<vmem>>, vector<1x16xf32>,
        %get3A_126 = vector.shape_cast %get3A_125 : vector<1x16xf32> to vector<16xf32>
        %mul3A_127 = arith.mulf %get3A_122, %get3A_126 : vector<16xf32>
        %swap3A_128 = arith.index_cast %add3A_118 : i32 to index
        %swap3A_129 = arith.constant 0 : index
        %swap3A_130 = tpu.vector_load %arg9[%swap3A_128, %swap3A_129] {strides = array<i32>} : memref<512x64xf32, #tpu.memory_space<vmem>>, vector<1x16xf32>,
        %swap3A_131 = vector.shape_cast %swap3A_130 : vector<1x16xf32> to vector<16xf32>
        %swap3A_132 = vector.shape_cast %mul3A_127 : vector<16xf32> to vector<1x16xf32>
        tpu.vector_store %arg9[%swap3A_128, %swap3A_129], %swap3A_132 {strides = array<i32>} : memref<512x64xf32, #tpu.memory_space<vmem>>, vector<1x16xf32>,
        %mul3A_133 = arith.constant 4 : i32
        %mul3A_134 = arith.muli %scan3A_44, %mul3A_133 : i32
        %add3A_135 = arith.constant 1 : i32
        %add3A_136 = arith.addi %mul3A_134, %add3A_135 : i32
        %get3A_137 = arith.index_cast %add3A_136 : i32 to index
        %get3A_138 = arith.constant 16 : index
        %get3A_139 = tpu.vector_load %arg9[%get3A_137, %get3A_138] {strides = array<i32>} : memref<512x64xf32, #tpu.memory_space<vmem>>, vector<1x16xf32>,
        %get3A_140 = vector.shape_cast %get3A_139 : vector<1x16xf32> to vector<16xf32>
        %get3A_141 = arith.index_cast %add3A_136 : i32 to index
        %get3A_142 = arith.constant 16 : index
        %get3A_143 = tpu.vector_load %arg10[%get3A_141, %get3A_142] {strides = array<i32>} : memref<512x64xf32, #tpu.memory_space<vmem>>, vector<1x16xf32>,
        %get3A_144 = vector.shape_cast %get3A_143 : vector<1x16xf32> to vector<16xf32>
        %mul3A_145 = arith.mulf %get3A_140, %get3A_144 : vector<16xf32>
        %swap3A_146 = arith.index_cast %add3A_136 : i32 to index
        %swap3A_147 = arith.constant 16 : index
        %swap3A_148 = tpu.vector_load %arg9[%swap3A_146, %swap3A_147] {strides = array<i32>} : memref<512x64xf32, #tpu.memory_space<vmem>>, vector<1x16xf32>,
        %swap3A_149 = vector.shape_cast %swap3A_148 : vector<1x16xf32> to vector<16xf32>
        %swap3A_150 = vector.shape_cast %mul3A_145 : vector<16xf32> to vector<1x16xf32>
        tpu.vector_store %arg9[%swap3A_146, %swap3A_147], %swap3A_150 {strides = array<i32>} : memref<512x64xf32, #tpu.memory_space<vmem>>, vector<1x16xf32>,
        %mul3A_151 = arith.constant 4 : i32
        %mul3A_152 = arith.muli %scan3A_44, %mul3A_151 : i32
        %add3A_153 = arith.constant 1 : i32
        %add3A_154 = arith.addi %mul3A_152, %add3A_153 : i32
        %get3A_155 = arith.index_cast %add3A_154 : i32 to index
        %get3A_156 = arith.constant 32 : index
        %get3A_157 = tpu.vector_load %arg9[%get3A_155, %get3A_156] {strides = array<i32>} : memref<512x64xf32, #tpu.memory_space<vmem>>, vector<1x16xf32>,
        %get3A_158 = vector.shape_cast %get3A_157 : vector<1x16xf32> to vector<16xf32>
        %get3A_159 = arith.index_cast %add3A_154 : i32 to index
        %get3A_160 = arith.constant 32 : index
        %get3A_161 = tpu.vector_load %arg10[%get3A_159, %get3A_160] {strides = array<i32>} : memref<512x64xf32, #tpu.memory_space<vmem>>, vector<1x16xf32>,
        %get3A_162 = vector.shape_cast %get3A_161 : vector<1x16xf32> to vector<16xf32>
        %mul3A_163 = arith.mulf %get3A_158, %get3A_162 : vector<16xf32>
        %swap3A_164 = arith.index_cast %add3A_154 : i32 to index
        %swap3A_165 = arith.constant 32 : index
        %swap3A_166 = tpu.vector_load %arg9[%swap3A_164, %swap3A_165] {strides = array<i32>} : memref<512x64xf32, #tpu.memory_space<vmem>>, vector<1x16xf32>,
        %swap3A_167 = vector.shape_cast %swap3A_166 : vector<1x16xf32> to vector<16xf32>
        %swap3A_168 = vector.shape_cast %mul3A_163 : vector<16xf32> to vector<1x16xf32>
        tpu.vector_store %arg9[%swap3A_164, %swap3A_165], %swap3A_168 {strides = array<i32>} : memref<512x64xf32, #tpu.memory_space<vmem>>, vector<1x16xf32>,
        %mul3A_169 = arith.constant 4 : i32
        %mul3A_170 = arith.muli %scan3A_44, %mul3A_169 : i32
        %add3A_171 = arith.constant 1 : i32
        %add3A_172 = arith.addi %mul3A_170, %add3A_171 : i32
        %get3A_173 = arith.index_cast %add3A_172 : i32 to index
        %get3A_174 = arith.constant 48 : index
        %get3A_175 = tpu.vector_load %arg9[%get3A_173, %get3A_174] {strides = array<i32>} : memref<512x64xf32, #tpu.memory_space<vmem>>, vector<1x16xf32>,
        %get3A_176 = vector.shape_cast %get3A_175 : vector<1x16xf32> to vector<16xf32>
        %get3A_177 = arith.index_cast %add3A_172 : i32 to index
        %get3A_178 = arith.constant 48 : index
        %get3A_179 = tpu.vector_load %arg10[%get3A_177, %get3A_178] {strides = array<i32>} : memref<512x64xf32, #tpu.memory_space<vmem>>, vector<1x16xf32>,
        %get3A_180 = vector.shape_cast %get3A_179 : vector<1x16xf32> to vector<16xf32>
        %mul3A_181 = arith.mulf %get3A_176, %get3A_180 : vector<16xf32>
        %swap3A_182 = arith.index_cast %add3A_172 : i32 to index
        %swap3A_183 = arith.constant 48 : index
        %swap3A_184 = tpu.vector_load %arg9[%swap3A_182, %swap3A_183] {strides = array<i32>} : memref<512x64xf32, #tpu.memory_space<vmem>>, vector<1x16xf32>,
        %swap3A_185 = vector.shape_cast %swap3A_184 : vector<1x16xf32> to vector<16xf32>
        %swap3A_186 = vector.shape_cast %mul3A_181 : vector<16xf32> to vector<1x16xf32>
        tpu.vector_store %arg9[%swap3A_182, %swap3A_183], %swap3A_186 {strides = array<i32>} : memref<512x64xf32, #tpu.memory_space<vmem>>, vector<1x16xf32>,
        %mul3A_187 = arith.constant 4 : i32
        %mul3A_188 = arith.muli %scan3A_44, %mul3A_187 : i32
        %add3A_189 = arith.constant 2 : i32
        %add3A_190 = arith.addi %mul3A_188, %add3A_189 : i32
        %get3A_191 = arith.index_cast %add3A_190 : i32 to index
        %get3A_192 = arith.constant 0 : index
        %get3A_193 = tpu.vector_load %arg9[%get3A_191, %get3A_192] {strides = array<i32>} : memref<512x64xf32, #tpu.memory_space<vmem>>, vector<1x16xf32>,
        %get3A_194 = vector.shape_cast %get3A_193 : vector<1x16xf32> to vector<16xf32>
        %get3A_195 = arith.index_cast %add3A_190 : i32 to index
        %get3A_196 = arith.constant 0 : index
        %get3A_197 = tpu.vector_load %arg10[%get3A_195, %get3A_196] {strides = array<i32>} : memref<512x64xf32, #tpu.memory_space<vmem>>, vector<1x16xf32>,
        %get3A_198 = vector.shape_cast %get3A_197 : vector<1x16xf32> to vector<16xf32>
        %mul3A_199 = arith.mulf %get3A_194, %get3A_198 : vector<16xf32>
        %swap3A_200 = arith.index_cast %add3A_190 : i32 to index
        %swap3A_201 = arith.constant 0 : index
        %swap3A_202 = tpu.vector_load %arg9[%swap3A_200, %swap3A_201] {strides = array<i32>} : memref<512x64xf32, #tpu.memory_space<vmem>>, vector<1x16xf32>,
        %swap3A_203 = vector.shape_cast %swap3A_202 : vector<1x16xf32> to vector<16xf32>
        %swap3A_204 = vector.shape_cast %mul3A_199 : vector<16xf32> to vector<1x16xf32>
        tpu.vector_store %arg9[%swap3A_200, %swap3A_201], %swap3A_204 {strides = array<i32>} : memref<512x64xf32, #tpu.memory_space<vmem>>, vector<1x16xf32>,
        %mul3A_205 = arith.constant 4 : i32
        %mul3A_206 = arith.muli %scan3A_44, %mul3A_205 : i32
        %add3A_207 = arith.constant 2 : i32
        %add3A_208 = arith.addi %mul3A_206, %add3A_207 : i32
        %get3A_209 = arith.index_cast %add3A_208 : i32 to index
        %get3A_210 = arith.constant 16 : index
        %get3A_211 = tpu.vector_load %arg9[%get3A_209, %get3A_210] {strides = array<i32>} : memref<512x64xf32, #tpu.memory_space<vmem>>, vector<1x16xf32>,
        %get3A_212 = vector.shape_cast %get3A_211 : vector<1x16xf32> to vector<16xf32>
        %get3A_213 = arith.index_cast %add3A_208 : i32 to index
        %get3A_214 = arith.constant 16 : index
        %get3A_215 = tpu.vector_load %arg10[%get3A_213, %get3A_214] {strides = array<i32>} : memref<512x64xf32, #tpu.memory_space<vmem>>, vector<1x16xf32>,
        %get3A_216 = vector.shape_cast %get3A_215 : vector<1x16xf32> to vector<16xf32>
        %mul3A_217 = arith.mulf %get3A_212, %get3A_216 : vector<16xf32>
        %swap3A_218 = arith.index_cast %add3A_208 : i32 to index
        %swap3A_219 = arith.constant 16 : index
        %swap3A_220 = tpu.vector_load %arg9[%swap3A_218, %swap3A_219] {strides = array<i32>} : memref<512x64xf32, #tpu.memory_space<vmem>>, vector<1x16xf32>,
        %swap3A_221 = vector.shape_cast %swap3A_220 : vector<1x16xf32> to vector<16xf32>
        %swap3A_222 = vector.shape_cast %mul3A_217 : vector<16xf32> to vector<1x16xf32>
        tpu.vector_store %arg9[%swap3A_218, %swap3A_219], %swap3A_222 {strides = array<i32>} : memref<512x64xf32, #tpu.memory_space<vmem>>, vector<1x16xf32>,
        %mul3A_223 = arith.constant 4 : i32
        %mul3A_224 = arith.muli %scan3A_44, %mul3A_223 : i32
        %add3A_225 = arith.constant 2 : i32
        %add3A_226 = arith.addi %mul3A_224, %add3A_225 : i32
        %get3A_227 = arith.index_cast %add3A_226 : i32 to index
        %get3A_228 = arith.constant 32 : index
        %get3A_229 = tpu.vector_load %arg9[%get3A_227, %get3A_228] {strides = array<i32>} : memref<512x64xf32, #tpu.memory_space<vmem>>, vector<1x16xf32>,
        %get3A_230 = vector.shape_cast %get3A_229 : vector<1x16xf32> to vector<16xf32>
        %get3A_231 = arith.index_cast %add3A_226 : i32 to index
        %get3A_232 = arith.constant 32 : index
        %get3A_233 = tpu.vector_load %arg10[%get3A_231, %get3A_232] {strides = array<i32>} : memref<512x64xf32, #tpu.memory_space<vmem>>, vector<1x16xf32>,
        %get3A_234 = vector.shape_cast %get3A_233 : vector<1x16xf32> to vector<16xf32>
        %mul3A_235 = arith.mulf %get3A_230, %get3A_234 : vector<16xf32>
        %swap3A_236 = arith.index_cast %add3A_226 : i32 to index
        %swap3A_237 = arith.constant 32 : index
        %swap3A_238 = tpu.vector_load %arg9[%swap3A_236, %swap3A_237] {strides = array<i32>} : memref<512x64xf32, #tpu.memory_space<vmem>>, vector<1x16xf32>,
        %swap3A_239 = vector.shape_cast %swap3A_238 : vector<1x16xf32> to vector<16xf32>
        %swap3A_240 = vector.shape_cast %mul3A_235 : vector<16xf32> to vector<1x16xf32>
        tpu.vector_store %arg9[%swap3A_236, %swap3A_237], %swap3A_240 {strides = array<i32>} : memref<512x64xf32, #tpu.memory_space<vmem>>, vector<1x16xf32>,
        %mul3A_241 = arith.constant 4 : i32
        %mul3A_242 = arith.muli %scan3A_44, %mul3A_241 : i32
        %add3A_243 = arith.constant 2 : i32
        %add3A_244 = arith.addi %mul3A_242, %add3A_243 : i32
        %get3A_245 = arith.index_cast %add3A_244 : i32 to index
        %get3A_246 = arith.constant 48 : index
        %get3A_247 = tpu.vector_load %arg9[%get3A_245, %get3A_246] {strides = array<i32>} : memref<512x64xf32, #tpu.memory_space<vmem>>, vector<1x16xf32>,
        %get3A_248 = vector.shape_cast %get3A_247 : vector<1x16xf32> to vector<16xf32>
        %get3A_249 = arith.index_cast %add3A_244 : i32 to index
        %get3A_250 = arith.constant 48 : index
        %get3A_251 = tpu.vector_load %arg10[%get3A_249, %get3A_250] {strides = array<i32>} : memref<512x64xf32, #tpu.memory_space<vmem>>, vector<1x16xf32>,
        %get3A_252 = vector.shape_cast %get3A_251 : vector<1x16xf32> to vector<16xf32>
        %mul3A_253 = arith.mulf %get3A_248, %get3A_252 : vector<16xf32>
        %swap3A_254 = arith.index_cast %add3A_244 : i32 to index
        %swap3A_255 = arith.constant 48 : index
        %swap3A_256 = tpu.vector_load %arg9[%swap3A_254, %swap3A_255] {strides = array<i32>} : memref<512x64xf32, #tpu.memory_space<vmem>>, vector<1x16xf32>,
        %swap3A_257 = vector.shape_cast %swap3A_256 : vector<1x16xf32> to vector<16xf32>
        %swap3A_258 = vector.shape_cast %mul3A_253 : vector<16xf32> to vector<1x16xf32>
        tpu.vector_store %arg9[%swap3A_254, %swap3A_255], %swap3A_258 {strides = array<i32>} : memref<512x64xf32, #tpu.memory_space<vmem>>, vector<1x16xf32>,
        %mul3A_259 = arith.constant 4 : i32
        %mul3A_260 = arith.muli %scan3A_44, %mul3A_259 : i32
        %add3A_261 = arith.constant 3 : i32
        %add3A_262 = arith.addi %mul3A_260, %add3A_261 : i32
        %get3A_263 = arith.index_cast %add3A_262 : i32 to index
        %get3A_264 = arith.constant 0 : index
        %get3A_265 = tpu.vector_load %arg9[%get3A_263, %get3A_264] {strides = array<i32>} : memref<512x64xf32, #tpu.memory_space<vmem>>, vector<1x16xf32>,
        %get3A_266 = vector.shape_cast %get3A_265 : vector<1x16xf32> to vector<16xf32>
        %get3A_267 = arith.index_cast %add3A_262 : i32 to index
        %get3A_268 = arith.constant 0 : index
        %get3A_269 = tpu.vector_load %arg10[%get3A_267, %get3A_268] {strides = array<i32>} : memref<512x64xf32, #tpu.memory_space<vmem>>, vector<1x16xf32>,
        %get3A_270 = vector.shape_cast %get3A_269 : vector<1x16xf32> to vector<16xf32>
        %mul3A_271 = arith.mulf %get3A_266, %get3A_270 : vector<16xf32>
        %swap3A_272 = arith.index_cast %add3A_262 : i32 to index
        %swap3A_273 = arith.constant 0 : index
        %swap3A_274 = tpu.vector_load %arg9[%swap3A_272, %swap3A_273] {strides = array<i32>} : memref<512x64xf32, #tpu.memory_space<vmem>>, vector<1x16xf32>,
        %swap3A_275 = vector.shape_cast %swap3A_274 : vector<1x16xf32> to vector<16xf32>
        %swap3A_276 = vector.shape_cast %mul3A_271 : vector<16xf32> to vector<1x16xf32>
        tpu.vector_store %arg9[%swap3A_272, %swap3A_273], %swap3A_276 {strides = array<i32>} : memref<512x64xf32, #tpu.memory_space<vmem>>, vector<1x16xf32>,
        %mul3A_277 = arith.constant 4 : i32
        %mul3A_278 = arith.muli %scan3A_44, %mul3A_277 : i32
        %add3A_279 = arith.constant 3 : i32
        %add3A_280 = arith.addi %mul3A_278, %add3A_279 : i32
        %get3A_281 = arith.index_cast %add3A_280 : i32 to index
        %get3A_282 = arith.constant 16 : index
        %get3A_283 = tpu.vector_load %arg9[%get3A_281, %get3A_282] {strides = array<i32>} : memref<512x64xf32, #tpu.memory_space<vmem>>, vector<1x16xf32>,
        %get3A_284 = vector.shape_cast %get3A_283 : vector<1x16xf32> to vector<16xf32>
        %get3A_285 = arith.index_cast %add3A_280 : i32 to index
        %get3A_286 = arith.constant 16 : index
        %get3A_287 = tpu.vector_load %arg10[%get3A_285, %get3A_286] {strides = array<i32>} : memref<512x64xf32, #tpu.memory_space<vmem>>, vector<1x16xf32>,
        %get3A_288 = vector.shape_cast %get3A_287 : vector<1x16xf32> to vector<16xf32>
        %mul3A_289 = arith.mulf %get3A_284, %get3A_288 : vector<16xf32>
        %swap3A_290 = arith.index_cast %add3A_280 : i32 to index
        %swap3A_291 = arith.constant 16 : index
        %swap3A_292 = tpu.vector_load %arg9[%swap3A_290, %swap3A_291] {strides = array<i32>} : memref<512x64xf32, #tpu.memory_space<vmem>>, vector<1x16xf32>,
        %swap3A_293 = vector.shape_cast %swap3A_292 : vector<1x16xf32> to vector<16xf32>
        %swap3A_294 = vector.shape_cast %mul3A_289 : vector<16xf32> to vector<1x16xf32>
        tpu.vector_store %arg9[%swap3A_290, %swap3A_291], %swap3A_294 {strides = array<i32>} : memref<512x64xf32, #tpu.memory_space<vmem>>, vector<1x16xf32>,
        %mul3A_295 = arith.constant 4 : i32
        %mul3A_296 = arith.muli %scan3A_44, %mul3A_295 : i32
        %add3A_297 = arith.constant 3 : i32
        %add3A_298 = arith.addi %mul3A_296, %add3A_297 : i32
        %get3A_299 = arith.index_cast %add3A_298 : i32 to index
        %get3A_300 = arith.constant 32 : index
        %get3A_301 = tpu.vector_load %arg9[%get3A_299, %get3A_300] {strides = array<i32>} : memref<512x64xf32, #tpu.memory_space<vmem>>, vector<1x16xf32>,
        %get3A_302 = vector.shape_cast %get3A_301 : vector<1x16xf32> to vector<16xf32>
        %get3A_303 = arith.index_cast %add3A_298 : i32 to index
        %get3A_304 = arith.constant 32 : index
        %get3A_305 = tpu.vector_load %arg10[%get3A_303, %get3A_304] {strides = array<i32>} : memref<512x64xf32, #tpu.memory_space<vmem>>, vector<1x16xf32>,
        %get3A_306 = vector.shape_cast %get3A_305 : vector<1x16xf32> to vector<16xf32>
        %mul3A_307 = arith.mulf %get3A_302, %get3A_306 : vector<16xf32>
        %swap3A_308 = arith.index_cast %add3A_298 : i32 to index
        %swap3A_309 = arith.constant 32 : index
        %swap3A_310 = tpu.vector_load %arg9[%swap3A_308, %swap3A_309] {strides = array<i32>} : memref<512x64xf32, #tpu.memory_space<vmem>>, vector<1x16xf32>,
        %swap3A_311 = vector.shape_cast %swap3A_310 : vector<1x16xf32> to vector<16xf32>
        %swap3A_312 = vector.shape_cast %mul3A_307 : vector<16xf32> to vector<1x16xf32>
        tpu.vector_store %arg9[%swap3A_308, %swap3A_309], %swap3A_312 {strides = array<i32>} : memref<512x64xf32, #tpu.memory_space<vmem>>, vector<1x16xf32>,
        %mul3A_313 = arith.constant 4 : i32
        %mul3A_314 = arith.muli %scan3A_44, %mul3A_313 : i32
        %add3A_315 = arith.constant 3 : i32
        %add3A_316 = arith.addi %mul3A_314, %add3A_315 : i32
        %get3A_317 = arith.index_cast %add3A_316 : i32 to index
        %get3A_318 = arith.constant 48 : index
        %get3A_319 = tpu.vector_load %arg9[%get3A_317, %get3A_318] {strides = array<i32>} : memref<512x64xf32, #tpu.memory_space<vmem>>, vector<1x16xf32>,
        %get3A_320 = vector.shape_cast %get3A_319 : vector<1x16xf32> to vector<16xf32>
        %get3A_321 = arith.index_cast %add3A_316 : i32 to index
        %get3A_322 = arith.constant 48 : index
        %get3A_323 = tpu.vector_load %arg10[%get3A_321, %get3A_322] {strides = array<i32>} : memref<512x64xf32, #tpu.memory_space<vmem>>, vector<1x16xf32>,
        %get3A_324 = vector.shape_cast %get3A_323 : vector<1x16xf32> to vector<16xf32>
        %mul3A_325 = arith.mulf %get3A_320, %get3A_324 : vector<16xf32>
        %swap3A_326 = arith.index_cast %add3A_316 : i32 to index
        %swap3A_327 = arith.constant 48 : index
        %swap3A_328 = tpu.vector_load %arg9[%swap3A_326, %swap3A_327] {strides = array<i32>} : memref<512x64xf32, #tpu.memory_space<vmem>>, vector<1x16xf32>,
        %swap3A_329 = vector.shape_cast %swap3A_328 : vector<1x16xf32> to vector<16xf32>
        %swap3A_330 = vector.shape_cast %mul3A_325 : vector<16xf32> to vector<1x16xf32>
        tpu.vector_store %arg9[%swap3A_326, %swap3A_327], %swap3A_330 {strides = array<i32>} : memref<512x64xf32, #tpu.memory_space<vmem>>, vector<1x16xf32>,
      }
      %scan3A_38 = arith.constant 128 : i32
      %mul3A_39 = arith.constant 11776 : i32
      %mul3A_40 = arith.muli %add3A, %mul3A_39 : i32
      %mul3A_41 = arith.constant 512 : i32
      %mul3A_42 = arith.muli %scan3A_10, %mul3A_41 : i32
      %add3A_43 = arith.addi %mul3A_40, %mul3A_42 : i32
      "tpu.region"() ({
        %run_scoped3A = tpu.sem_alloc : memref<!tpu.dma_semaphore, #tpu.memory_space<semaphore_mem>>
        %dma_start3A_44 = arith.constant 0 : i32
        %dma_start3A_45 = tpu.memref_slice %arg5[%add3A_43, %dma_start3A_44] : memref<376832x64xf32, #tpu.memory_space<hbm>> -> memref<512x64xf32, #tpu.memory_space<hbm>>
        %dma_start3A_46 = arith.constant 0 : i32
        %dma_start3A_47 = tpu.memref_slice %arg5[%add3A_43, %dma_start3A_46] : memref<376832x64xf32, #tpu.memory_space<hbm>> -> memref<512x64xf32, #tpu.memory_space<hbm>>
        tpu.enqueue_dma source(%arg9 : memref<512x64xf32, #tpu.memory_space<vmem>>) target(%dma_start3A_47 : memref<512x64xf32, #tpu.memory_space<hbm>>) target_semaphore(%run_scoped3A : memref<!tpu.dma_semaphore, #tpu.memory_space<semaphore_mem>>)
        %dma_wait3A_48 = arith.constant 0 : i32
        %dma_wait3A_49 = tpu.memref_slice %arg5[%add3A_43, %dma_wait3A_48] : memref<376832x64xf32, #tpu.memory_space<hbm>> -> memref<512x64xf32, #tpu.memory_space<hbm>>
        %dma_wait3A_50 = arith.constant 0 : i32
        %dma_wait3A_51 = tpu.memref_slice %arg5[%add3A_43, %dma_wait3A_50] : memref<376832x64xf32, #tpu.memory_space<hbm>> -> memref<512x64xf32, #tpu.memory_space<hbm>>
        tpu.wait_dma2 semaphore(%run_scoped3A : memref<!tpu.dma_semaphore, #tpu.memory_space<semaphore_mem>>) src(%arg9 : memref<512x64xf32, #tpu.memory_space<vmem>>) dst(%dma_wait3A_51 : memref<512x64xf32, #tpu.memory_space<hbm>>)
        tpu.yield
      }) : () -> ()
    }
    %scan3A_9 = arith.constant 23 : i32
    return
  }
}

#map = affine_map<(d0, d1) -> (0, 0)>
#map1 = affine_map<(d0, d1) -> (0, 0, 0)>
module attributes {stable_mosaic.version = 14 : i64} {
  func.func @_prop_kernel(%arg0: i32, %arg1: i32, %arg2: memref<10000x64xf32, #tpu.memory_space<hbm>>, %arg3: memref<32x22x512xi32, #tpu.memory_space<hbm>>, %arg4: memref<32x22x512xi32, #tpu.memory_space<hbm>>, %arg5: memref<10240x64xf32, #tpu.memory_space<hbm>>, %arg6: memref<2x10240x64xf32, #tpu.memory_space<hbm>>, %arg7: memref<10240x64xf32, #tpu.memory_space<vmem_shared>>, %arg8: memref<22x512xi32, #tpu.memory_space<vmem>>, %arg9: memref<22x512xi32, #tpu.memory_space<vmem>>, %arg10: memref<512x64xf32, #tpu.memory_space<vmem>>, %arg11: memref<512x64xf32, #tpu.memory_space<vmem>>, %arg12: memref<!tpu.dma_semaphore, #tpu.memory_space<semaphore_mem>>, %arg13: memref<!tpu.dma_semaphore, #tpu.memory_space<semaphore_mem>>) attributes {dimension_semantics = [#tpu.dimension_semantics<core_parallel>, #tpu.dimension_semantics<subcore_parallel>], iteration_bounds = array<i64: 2, 16>, scalar_prefetch = 0 : i64, scratch_operands = 7 : i64, tpu.core_type = #tpu.core_type<sc_vector_subcore>, window_params = [{transform_indices = #map}, {transform_indices = #map1}, {transform_indices = #map1}, {transform_indices = #map}, {transform_indices = #map1}]} {
    %mul3A = arith.constant 16 : i32
    %mul3A_0 = arith.muli %arg0, %mul3A : i32
    %add3A = arith.addi %mul3A_0, %arg1 : i32
    %mul3A_1 = arith.constant 640 : i32
    %mul3A_2 = arith.muli %arg1, %mul3A_1 : i32
    %mul3A_3 = arith.constant 640 : i32
    %mul3A_4 = arith.muli %arg1, %mul3A_3 : i32
    "tpu.region"() ({
      %run_scoped3A = tpu.sem_alloc : memref<!tpu.dma_semaphore, #tpu.memory_space<semaphore_mem>>
      %dma_start3A_27 = arith.constant 0 : i32
      %dma_start3A_28 = tpu.memref_slice %arg7[%mul3A_4, %dma_start3A_27] : memref<10240x64xf32, #tpu.memory_space<vmem_shared>> -> memref<640x64xf32, #tpu.memory_space<vmem_shared>>
      %dma_start3A_29 = arith.constant 0 : i32
      %dma_start3A_30 = tpu.memref_slice %arg5[%mul3A_2, %dma_start3A_29] : memref<10240x64xf32, #tpu.memory_space<hbm>> -> memref<640x64xf32, #tpu.memory_space<hbm>>
      tpu.enqueue_dma source(%dma_start3A_30 : memref<640x64xf32, #tpu.memory_space<hbm>>) target(%dma_start3A_28 : memref<640x64xf32, #tpu.memory_space<vmem_shared>>) target_semaphore(%run_scoped3A : memref<!tpu.dma_semaphore, #tpu.memory_space<semaphore_mem>>)
      %dma_wait3A_31 = arith.constant 0 : i32
      %dma_wait3A_32 = tpu.memref_slice %arg7[%mul3A_4, %dma_wait3A_31] : memref<10240x64xf32, #tpu.memory_space<vmem_shared>> -> memref<640x64xf32, #tpu.memory_space<vmem_shared>>
      %dma_wait3A_33 = arith.constant 0 : i32
      %dma_wait3A_34 = tpu.memref_slice %arg5[%mul3A_2, %dma_wait3A_33] : memref<10240x64xf32, #tpu.memory_space<hbm>> -> memref<640x64xf32, #tpu.memory_space<hbm>>
      tpu.wait_dma2 semaphore(%run_scoped3A : memref<!tpu.dma_semaphore, #tpu.memory_space<semaphore_mem>>) src(%dma_wait3A_34 : memref<640x64xf32, #tpu.memory_space<hbm>>) dst(%dma_wait3A_32 : memref<640x64xf32, #tpu.memory_space<vmem_shared>>)
      tpu.yield
    }) : () -> ()
    "tpu.region"() ({
      %run_scoped3A = tpu.sem_alloc : memref<!tpu.dma_semaphore, #tpu.memory_space<semaphore_mem>>
      %dma_start3A_27 = arith.constant 0 : i32
      %dma_start3A_28 = arith.constant 0 : i32
      %dma_start3A_29 = tpu.memref_slice %arg3[%add3A, %dma_start3A_27, %dma_start3A_28] : memref<32x22x512xi32, #tpu.memory_space<hbm>> -> memref<1x22x512xi32, #tpu.memory_space<hbm>>
      %dma_start3A_30 = tpu.memref_squeeze %dma_start3A_29 : memref<1x22x512xi32, #tpu.memory_space<hbm>> -> memref<22x512xi32, #tpu.memory_space<hbm>>
      %dma_start3A_31 = arith.constant 0 : i32
      %dma_start3A_32 = arith.constant 0 : i32
      %dma_start3A_33 = tpu.memref_slice %arg3[%add3A, %dma_start3A_31, %dma_start3A_32] : memref<32x22x512xi32, #tpu.memory_space<hbm>> -> memref<1x22x512xi32, #tpu.memory_space<hbm>>
      %dma_start3A_34 = tpu.memref_squeeze %dma_start3A_33 : memref<1x22x512xi32, #tpu.memory_space<hbm>> -> memref<22x512xi32, #tpu.memory_space<hbm>>
      tpu.enqueue_dma source(%dma_start3A_34 : memref<22x512xi32, #tpu.memory_space<hbm>>) target(%arg8 : memref<22x512xi32, #tpu.memory_space<vmem>>) target_semaphore(%run_scoped3A : memref<!tpu.dma_semaphore, #tpu.memory_space<semaphore_mem>>)
      %dma_wait3A_35 = arith.constant 0 : i32
      %dma_wait3A_36 = arith.constant 0 : i32
      %dma_wait3A_37 = tpu.memref_slice %arg3[%add3A, %dma_wait3A_35, %dma_wait3A_36] : memref<32x22x512xi32, #tpu.memory_space<hbm>> -> memref<1x22x512xi32, #tpu.memory_space<hbm>>
      %dma_wait3A_38 = tpu.memref_squeeze %dma_wait3A_37 : memref<1x22x512xi32, #tpu.memory_space<hbm>> -> memref<22x512xi32, #tpu.memory_space<hbm>>
      %dma_wait3A_39 = arith.constant 0 : i32
      %dma_wait3A_40 = arith.constant 0 : i32
      %dma_wait3A_41 = tpu.memref_slice %arg3[%add3A, %dma_wait3A_39, %dma_wait3A_40] : memref<32x22x512xi32, #tpu.memory_space<hbm>> -> memref<1x22x512xi32, #tpu.memory_space<hbm>>
      %dma_wait3A_42 = tpu.memref_squeeze %dma_wait3A_41 : memref<1x22x512xi32, #tpu.memory_space<hbm>> -> memref<22x512xi32, #tpu.memory_space<hbm>>
      tpu.wait_dma2 semaphore(%run_scoped3A : memref<!tpu.dma_semaphore, #tpu.memory_space<semaphore_mem>>) src(%dma_wait3A_42 : memref<22x512xi32, #tpu.memory_space<hbm>>) dst(%arg8 : memref<22x512xi32, #tpu.memory_space<vmem>>)
      tpu.yield
    }) : () -> ()
    "tpu.region"() ({
      %run_scoped3A = tpu.sem_alloc : memref<!tpu.dma_semaphore, #tpu.memory_space<semaphore_mem>>
      %dma_start3A_27 = arith.constant 0 : i32
      %dma_start3A_28 = arith.constant 0 : i32
      %dma_start3A_29 = tpu.memref_slice %arg4[%add3A, %dma_start3A_27, %dma_start3A_28] : memref<32x22x512xi32, #tpu.memory_space<hbm>> -> memref<1x22x512xi32, #tpu.memory_space<hbm>>
      %dma_start3A_30 = tpu.memref_squeeze %dma_start3A_29 : memref<1x22x512xi32, #tpu.memory_space<hbm>> -> memref<22x512xi32, #tpu.memory_space<hbm>>
      %dma_start3A_31 = arith.constant 0 : i32
      %dma_start3A_32 = arith.constant 0 : i32
      %dma_start3A_33 = tpu.memref_slice %arg4[%add3A, %dma_start3A_31, %dma_start3A_32] : memref<32x22x512xi32, #tpu.memory_space<hbm>> -> memref<1x22x512xi32, #tpu.memory_space<hbm>>
      %dma_start3A_34 = tpu.memref_squeeze %dma_start3A_33 : memref<1x22x512xi32, #tpu.memory_space<hbm>> -> memref<22x512xi32, #tpu.memory_space<hbm>>
      tpu.enqueue_dma source(%dma_start3A_34 : memref<22x512xi32, #tpu.memory_space<hbm>>) target(%arg9 : memref<22x512xi32, #tpu.memory_space<vmem>>) target_semaphore(%run_scoped3A : memref<!tpu.dma_semaphore, #tpu.memory_space<semaphore_mem>>)
      %dma_wait3A_35 = arith.constant 0 : i32
      %dma_wait3A_36 = arith.constant 0 : i32
      %dma_wait3A_37 = tpu.memref_slice %arg4[%add3A, %dma_wait3A_35, %dma_wait3A_36] : memref<32x22x512xi32, #tpu.memory_space<hbm>> -> memref<1x22x512xi32, #tpu.memory_space<hbm>>
      %dma_wait3A_38 = tpu.memref_squeeze %dma_wait3A_37 : memref<1x22x512xi32, #tpu.memory_space<hbm>> -> memref<22x512xi32, #tpu.memory_space<hbm>>
      %dma_wait3A_39 = arith.constant 0 : i32
      %dma_wait3A_40 = arith.constant 0 : i32
      %dma_wait3A_41 = tpu.memref_slice %arg4[%add3A, %dma_wait3A_39, %dma_wait3A_40] : memref<32x22x512xi32, #tpu.memory_space<hbm>> -> memref<1x22x512xi32, #tpu.memory_space<hbm>>
      %dma_wait3A_42 = tpu.memref_squeeze %dma_wait3A_41 : memref<1x22x512xi32, #tpu.memory_space<hbm>> -> memref<22x512xi32, #tpu.memory_space<hbm>>
      tpu.wait_dma2 semaphore(%run_scoped3A : memref<!tpu.dma_semaphore, #tpu.memory_space<semaphore_mem>>) src(%dma_wait3A_42 : memref<22x512xi32, #tpu.memory_space<hbm>>) dst(%arg9 : memref<22x512xi32, #tpu.memory_space<vmem>>)
      tpu.yield
    }) : () -> ()
    %barrier3A = arith.constant 0 : index
    tpu.barrier barrier_id(%barrier3A)
    %dma_start3A = arith.constant 0 : i32
    %dma_start3A_5 = arith.constant 0 : i32
    %dma_start3A_6 = tpu.memref_slice %arg8[%dma_start3A, %dma_start3A_5] : memref<22x512xi32, #tpu.memory_space<vmem>> -> memref<1x512xi32, #tpu.memory_space<vmem>>
    %dma_start3A_7 = tpu.memref_squeeze %dma_start3A_6 : memref<1x512xi32, #tpu.memory_space<vmem>> -> memref<512xi32, #tpu.memory_space<vmem>>
    %dma_start3A_8 = arith.constant 0 : i32
    %dma_start3A_9 = arith.constant 0 : i32
    %dma_start3A_10 = tpu.memref_slice %arg2[%dma_start3A_8, %dma_start3A_9] : memref<10000x64xf32, #tpu.memory_space<hbm>> -> memref<10000x64xf32, #tpu.memory_space<hbm>>
    tpu.enqueue_indirect_dma source(%dma_start3A_10 : memref<10000x64xf32, #tpu.memory_space<hbm>>) target(%arg10 : memref<512x64xf32, #tpu.memory_space<vmem>>) offsets(%dma_start3A_7 : memref<512xi32, #tpu.memory_space<vmem>>) semaphore(%arg12 : memref<!tpu.dma_semaphore, #tpu.memory_space<semaphore_mem>>)
    %scan3A = arith.constant 0 : i32
    %scan3A_11 = arith.constant 0 : i32
    %scan3A_12 = arith.constant 10 : i32
    %scan3A_13 = arith.addi %scan3A_11, %scan3A_12 : i32
    %scan3A_14 = arith.constant 1 : i32
    scf.for %scan3A_27 = %scan3A_11 to %scan3A_13 step %scan3A_14  : i32 {
      %mul3A_28 = arith.constant 2 : i32
      %mul3A_29 = arith.muli %scan3A_27, %mul3A_28 : i32
      %add3A_30 = arith.constant 1 : i32
      %add3A_31 = arith.addi %mul3A_29, %add3A_30 : i32
      %dma_start3A_32 = arith.constant 0 : i32
      %dma_start3A_33 = tpu.memref_slice %arg8[%add3A_31, %dma_start3A_32] : memref<22x512xi32, #tpu.memory_space<vmem>> -> memref<1x512xi32, #tpu.memory_space<vmem>>
      %dma_start3A_34 = tpu.memref_squeeze %dma_start3A_33 : memref<1x512xi32, #tpu.memory_space<vmem>> -> memref<512xi32, #tpu.memory_space<vmem>>
      %dma_start3A_35 = arith.constant 0 : i32
      %dma_start3A_36 = arith.constant 0 : i32
      %dma_start3A_37 = tpu.memref_slice %arg2[%dma_start3A_35, %dma_start3A_36] : memref<10000x64xf32, #tpu.memory_space<hbm>> -> memref<10000x64xf32, #tpu.memory_space<hbm>>
      tpu.enqueue_indirect_dma source(%dma_start3A_37 : memref<10000x64xf32, #tpu.memory_space<hbm>>) target(%arg11 : memref<512x64xf32, #tpu.memory_space<vmem>>) offsets(%dma_start3A_34 : memref<512xi32, #tpu.memory_space<vmem>>) semaphore(%arg13 : memref<!tpu.dma_semaphore, #tpu.memory_space<semaphore_mem>>)
      %dma_wait3A_38 = arith.constant 0 : i32
      %dma_wait3A_39 = tpu.memref_slice %arg8[%mul3A_29, %dma_wait3A_38] : memref<22x512xi32, #tpu.memory_space<vmem>> -> memref<1x512xi32, #tpu.memory_space<vmem>>
      %dma_wait3A_40 = tpu.memref_squeeze %dma_wait3A_39 : memref<1x512xi32, #tpu.memory_space<vmem>> -> memref<512xi32, #tpu.memory_space<vmem>>
      %dma_wait3A_41 = arith.constant 0 : i32
      %dma_wait3A_42 = arith.constant 0 : i32
      %dma_wait3A_43 = tpu.memref_slice %arg2[%dma_wait3A_41, %dma_wait3A_42] : memref<10000x64xf32, #tpu.memory_space<hbm>> -> memref<10000x64xf32, #tpu.memory_space<hbm>>
      tpu.wait_indirect_dma semaphore(%arg12 : memref<!tpu.dma_semaphore, #tpu.memory_space<semaphore_mem>>) src(%dma_wait3A_43 : memref<10000x64xf32, #tpu.memory_space<hbm>>) dst(%arg10 : memref<512x64xf32, #tpu.memory_space<vmem>>)
      "tpu.region"() ({
        %run_scoped3A = tpu.sem_alloc : memref<!tpu.dma_semaphore, #tpu.memory_space<semaphore_mem>>
        %dma_start3A_62 = arith.constant 0 : i32
        %dma_start3A_63 = tpu.memref_slice %arg9[%mul3A_29, %dma_start3A_62] : memref<22x512xi32, #tpu.memory_space<vmem>> -> memref<1x512xi32, #tpu.memory_space<vmem>>
        %dma_start3A_64 = tpu.memref_squeeze %dma_start3A_63 : memref<1x512xi32, #tpu.memory_space<vmem>> -> memref<512xi32, #tpu.memory_space<vmem>>
        %dma_start3A_65 = arith.constant 0 : i32
        %dma_start3A_66 = arith.constant 0 : i32
        %dma_start3A_67 = tpu.memref_slice %arg7[%dma_start3A_65, %dma_start3A_66] : memref<10240x64xf32, #tpu.memory_space<vmem_shared>> -> memref<10240x64xf32, #tpu.memory_space<vmem_shared>>
        tpu.enqueue_indirect_dma source(%arg10 : memref<512x64xf32, #tpu.memory_space<vmem>>) target(%dma_start3A_67 : memref<10240x64xf32, #tpu.memory_space<vmem_shared>>) offsets(%dma_start3A_64 : memref<512xi32, #tpu.memory_space<vmem>>) semaphore(%run_scoped3A : memref<!tpu.dma_semaphore, #tpu.memory_space<semaphore_mem>>) {add = true}
        %dma_wait3A_68 = arith.constant 0 : i32
        %dma_wait3A_69 = tpu.memref_slice %arg9[%mul3A_29, %dma_wait3A_68] : memref<22x512xi32, #tpu.memory_space<vmem>> -> memref<1x512xi32, #tpu.memory_space<vmem>>
        %dma_wait3A_70 = tpu.memref_squeeze %dma_wait3A_69 : memref<1x512xi32, #tpu.memory_space<vmem>> -> memref<512xi32, #tpu.memory_space<vmem>>
        %dma_wait3A_71 = arith.constant 0 : i32
        %dma_wait3A_72 = arith.constant 0 : i32
        %dma_wait3A_73 = tpu.memref_slice %arg7[%dma_wait3A_71, %dma_wait3A_72] : memref<10240x64xf32, #tpu.memory_space<vmem_shared>> -> memref<10240x64xf32, #tpu.memory_space<vmem_shared>>
        tpu.wait_indirect_dma semaphore(%run_scoped3A : memref<!tpu.dma_semaphore, #tpu.memory_space<semaphore_mem>>) src(%arg10 : memref<512x64xf32, #tpu.memory_space<vmem>>) dst(%dma_wait3A_73 : memref<10240x64xf32, #tpu.memory_space<vmem_shared>>)
        tpu.yield
      }) : () -> ()
      %add3A_44 = arith.constant 2 : i32
      %add3A_45 = arith.addi %mul3A_29, %add3A_44 : i32
      %dma_start3A_46 = arith.constant 0 : i32
      %dma_start3A_47 = tpu.memref_slice %arg8[%add3A_45, %dma_start3A_46] : memref<22x512xi32, #tpu.memory_space<vmem>> -> memref<1x512xi32, #tpu.memory_space<vmem>>
      %dma_start3A_48 = tpu.memref_squeeze %dma_start3A_47 : memref<1x512xi32, #tpu.memory_space<vmem>> -> memref<512xi32, #tpu.memory_space<vmem>>
      %dma_start3A_49 = arith.constant 0 : i32
      %dma_start3A_50 = arith.constant 0 : i32
      %dma_start3A_51 = tpu.memref_slice %arg2[%dma_start3A_49, %dma_start3A_50] : memref<10000x64xf32, #tpu.memory_space<hbm>> -> memref<10000x64xf32, #tpu.memory_space<hbm>>
      tpu.enqueue_indirect_dma source(%dma_start3A_51 : memref<10000x64xf32, #tpu.memory_space<hbm>>) target(%arg10 : memref<512x64xf32, #tpu.memory_space<vmem>>) offsets(%dma_start3A_48 : memref<512xi32, #tpu.memory_space<vmem>>) semaphore(%arg12 : memref<!tpu.dma_semaphore, #tpu.memory_space<semaphore_mem>>)
      %add3A_52 = arith.constant 1 : i32
      %add3A_53 = arith.addi %mul3A_29, %add3A_52 : i32
      %dma_wait3A_54 = arith.constant 0 : i32
      %dma_wait3A_55 = tpu.memref_slice %arg8[%add3A_53, %dma_wait3A_54] : memref<22x512xi32, #tpu.memory_space<vmem>> -> memref<1x512xi32, #tpu.memory_space<vmem>>
      %dma_wait3A_56 = tpu.memref_squeeze %dma_wait3A_55 : memref<1x512xi32, #tpu.memory_space<vmem>> -> memref<512xi32, #tpu.memory_space<vmem>>
      %dma_wait3A_57 = arith.constant 0 : i32
      %dma_wait3A_58 = arith.constant 0 : i32
      %dma_wait3A_59 = tpu.memref_slice %arg2[%dma_wait3A_57, %dma_wait3A_58] : memref<10000x64xf32, #tpu.memory_space<hbm>> -> memref<10000x64xf32, #tpu.memory_space<hbm>>
      tpu.wait_indirect_dma semaphore(%arg13 : memref<!tpu.dma_semaphore, #tpu.memory_space<semaphore_mem>>) src(%dma_wait3A_59 : memref<10000x64xf32, #tpu.memory_space<hbm>>) dst(%arg11 : memref<512x64xf32, #tpu.memory_space<vmem>>)
      %add3A_60 = arith.constant 1 : i32
      %add3A_61 = arith.addi %mul3A_29, %add3A_60 : i32
      "tpu.region"() ({
        %run_scoped3A = tpu.sem_alloc : memref<!tpu.dma_semaphore, #tpu.memory_space<semaphore_mem>>
        %dma_start3A_62 = arith.constant 0 : i32
        %dma_start3A_63 = tpu.memref_slice %arg9[%add3A_61, %dma_start3A_62] : memref<22x512xi32, #tpu.memory_space<vmem>> -> memref<1x512xi32, #tpu.memory_space<vmem>>
        %dma_start3A_64 = tpu.memref_squeeze %dma_start3A_63 : memref<1x512xi32, #tpu.memory_space<vmem>> -> memref<512xi32, #tpu.memory_space<vmem>>
        %dma_start3A_65 = arith.constant 0 : i32
        %dma_start3A_66 = arith.constant 0 : i32
        %dma_start3A_67 = tpu.memref_slice %arg7[%dma_start3A_65, %dma_start3A_66] : memref<10240x64xf32, #tpu.memory_space<vmem_shared>> -> memref<10240x64xf32, #tpu.memory_space<vmem_shared>>
        tpu.enqueue_indirect_dma source(%arg11 : memref<512x64xf32, #tpu.memory_space<vmem>>) target(%dma_start3A_67 : memref<10240x64xf32, #tpu.memory_space<vmem_shared>>) offsets(%dma_start3A_64 : memref<512xi32, #tpu.memory_space<vmem>>) semaphore(%run_scoped3A : memref<!tpu.dma_semaphore, #tpu.memory_space<semaphore_mem>>) {add = true}
        %dma_wait3A_68 = arith.constant 0 : i32
        %dma_wait3A_69 = tpu.memref_slice %arg9[%add3A_61, %dma_wait3A_68] : memref<22x512xi32, #tpu.memory_space<vmem>> -> memref<1x512xi32, #tpu.memory_space<vmem>>
        %dma_wait3A_70 = tpu.memref_squeeze %dma_wait3A_69 : memref<1x512xi32, #tpu.memory_space<vmem>> -> memref<512xi32, #tpu.memory_space<vmem>>
        %dma_wait3A_71 = arith.constant 0 : i32
        %dma_wait3A_72 = arith.constant 0 : i32
        %dma_wait3A_73 = tpu.memref_slice %arg7[%dma_wait3A_71, %dma_wait3A_72] : memref<10240x64xf32, #tpu.memory_space<vmem_shared>> -> memref<10240x64xf32, #tpu.memory_space<vmem_shared>>
        tpu.wait_indirect_dma semaphore(%run_scoped3A : memref<!tpu.dma_semaphore, #tpu.memory_space<semaphore_mem>>) src(%arg11 : memref<512x64xf32, #tpu.memory_space<vmem>>) dst(%dma_wait3A_73 : memref<10240x64xf32, #tpu.memory_space<vmem_shared>>)
        tpu.yield
      }) : () -> ()
    }
    %scan3A_15 = arith.constant 10 : i32
    %dma_wait3A = arith.constant 0 : i32
    %dma_wait3A_16 = arith.constant 0 : i32
    %dma_wait3A_17 = tpu.memref_slice %arg8[%dma_wait3A, %dma_wait3A_16] : memref<22x512xi32, #tpu.memory_space<vmem>> -> memref<1x512xi32, #tpu.memory_space<vmem>>
    %dma_wait3A_18 = tpu.memref_squeeze %dma_wait3A_17 : memref<1x512xi32, #tpu.memory_space<vmem>> -> memref<512xi32, #tpu.memory_space<vmem>>
    %dma_wait3A_19 = arith.constant 0 : i32
    %dma_wait3A_20 = arith.constant 0 : i32
    %dma_wait3A_21 = tpu.memref_slice %arg2[%dma_wait3A_19, %dma_wait3A_20] : memref<10000x64xf32, #tpu.memory_space<hbm>> -> memref<10000x64xf32, #tpu.memory_space<hbm>>
    tpu.wait_indirect_dma semaphore(%arg12 : memref<!tpu.dma_semaphore, #tpu.memory_space<semaphore_mem>>) src(%dma_wait3A_21 : memref<10000x64xf32, #tpu.memory_space<hbm>>) dst(%arg10 : memref<512x64xf32, #tpu.memory_space<vmem>>)
    %barrier3A_22 = arith.constant 0 : index
    tpu.barrier barrier_id(%barrier3A_22)
    %mul3A_23 = arith.constant 640 : i32
    %mul3A_24 = arith.muli %arg1, %mul3A_23 : i32
    %mul3A_25 = arith.constant 640 : i32
    %mul3A_26 = arith.muli %arg1, %mul3A_25 : i32
    "tpu.region"() ({
      %run_scoped3A = tpu.sem_alloc : memref<!tpu.dma_semaphore, #tpu.memory_space<semaphore_mem>>
      %dma_start3A_27 = arith.constant 0 : i32
      %dma_start3A_28 = arith.constant 0 : i32
      %dma_start3A_29 = tpu.memref_slice %arg6[%arg0, %dma_start3A_27, %dma_start3A_28] : memref<2x10240x64xf32, #tpu.memory_space<hbm>> -> memref<1x10240x64xf32, #tpu.memory_space<hbm>>
      %dma_start3A_30 = tpu.memref_squeeze %dma_start3A_29 : memref<1x10240x64xf32, #tpu.memory_space<hbm>> -> memref<10240x64xf32, #tpu.memory_space<hbm>>
      %dma_start3A_31 = arith.constant 0 : i32
      %dma_start3A_32 = tpu.memref_slice %dma_start3A_30[%mul3A_26, %dma_start3A_31] : memref<10240x64xf32, #tpu.memory_space<hbm>> -> memref<640x64xf32, #tpu.memory_space<hbm>>
      %dma_start3A_33 = arith.constant 0 : i32
      %dma_start3A_34 = tpu.memref_slice %arg7[%mul3A_24, %dma_start3A_33] : memref<10240x64xf32, #tpu.memory_space<vmem_shared>> -> memref<640x64xf32, #tpu.memory_space<vmem_shared>>
      tpu.enqueue_dma source(%dma_start3A_34 : memref<640x64xf32, #tpu.memory_space<vmem_shared>>) target(%dma_start3A_32 : memref<640x64xf32, #tpu.memory_space<hbm>>) target_semaphore(%run_scoped3A : memref<!tpu.dma_semaphore, #tpu.memory_space<semaphore_mem>>)
      %dma_wait3A_35 = arith.constant 0 : i32
      %dma_wait3A_36 = arith.constant 0 : i32
      %dma_wait3A_37 = tpu.memref_slice %arg6[%arg0, %dma_wait3A_35, %dma_wait3A_36] : memref<2x10240x64xf32, #tpu.memory_space<hbm>> -> memref<1x10240x64xf32, #tpu.memory_space<hbm>>
      %dma_wait3A_38 = tpu.memref_squeeze %dma_wait3A_37 : memref<1x10240x64xf32, #tpu.memory_space<hbm>> -> memref<10240x64xf32, #tpu.memory_space<hbm>>
      %dma_wait3A_39 = arith.constant 0 : i32
      %dma_wait3A_40 = tpu.memref_slice %dma_wait3A_38[%mul3A_26, %dma_wait3A_39] : memref<10240x64xf32, #tpu.memory_space<hbm>> -> memref<640x64xf32, #tpu.memory_space<hbm>>
      %dma_wait3A_41 = arith.constant 0 : i32
      %dma_wait3A_42 = tpu.memref_slice %arg7[%mul3A_24, %dma_wait3A_41] : memref<10240x64xf32, #tpu.memory_space<vmem_shared>> -> memref<640x64xf32, #tpu.memory_space<vmem_shared>>
      tpu.wait_dma2 semaphore(%run_scoped3A : memref<!tpu.dma_semaphore, #tpu.memory_space<semaphore_mem>>) src(%dma_wait3A_42 : memref<640x64xf32, #tpu.memory_space<vmem_shared>>) dst(%dma_wait3A_40 : memref<640x64xf32, #tpu.memory_space<hbm>>)
      tpu.yield
    }) : () -> ()
    return
  }
}

#map = affine_map<(d0, d1) -> (0, 0)>
#map1 = affine_map<(d0, d1) -> (0, 0, 0)>
module attributes {stable_mosaic.version = 14 : i64} {
  func.func @_prop_kernel(%arg0: i32, %arg1: i32, %arg2: memref<10000x64xf32, #tpu.memory_space<hbm>>, %arg3: memref<32x22x512xi32, #tpu.memory_space<hbm>>, %arg4: memref<32x22x512xi32, #tpu.memory_space<hbm>>, %arg5: memref<10240x64xf32, #tpu.memory_space<hbm>>, %arg6: memref<2x10240x64xf32, #tpu.memory_space<hbm>>, %arg7: memref<10240x64xf32, #tpu.memory_space<vmem_shared>>, %arg8: memref<22x512xi32, #tpu.memory_space<vmem>>, %arg9: memref<22x512xi32, #tpu.memory_space<vmem>>, %arg10: memref<512x64xf32, #tpu.memory_space<vmem>>, %arg11: memref<512x64xf32, #tpu.memory_space<vmem>>, %arg12: memref<!tpu.dma_semaphore, #tpu.memory_space<semaphore_mem>>, %arg13: memref<!tpu.dma_semaphore, #tpu.memory_space<semaphore_mem>>) attributes {dimension_semantics = [#tpu.dimension_semantics<core_parallel>, #tpu.dimension_semantics<subcore_parallel>], iteration_bounds = array<i64: 2, 16>, scalar_prefetch = 0 : i64, scratch_operands = 7 : i64, tpu.core_type = #tpu.core_type<sc_vector_subcore>, window_params = [{transform_indices = #map}, {transform_indices = #map1}, {transform_indices = #map1}, {transform_indices = #map}, {transform_indices = #map1}]} {
    %mul3A = arith.constant 16 : i32
    %mul3A_0 = arith.muli %arg0, %mul3A : i32
    %add3A = arith.addi %mul3A_0, %arg1 : i32
    %mul3A_1 = arith.constant 640 : i32
    %mul3A_2 = arith.muli %arg1, %mul3A_1 : i32
    %mul3A_3 = arith.constant 640 : i32
    %mul3A_4 = arith.muli %arg1, %mul3A_3 : i32
    "tpu.region"() ({
      %run_scoped3A = tpu.sem_alloc : memref<!tpu.dma_semaphore, #tpu.memory_space<semaphore_mem>>
      %dma_start3A_27 = arith.constant 0 : i32
      %dma_start3A_28 = tpu.memref_slice %arg7[%mul3A_4, %dma_start3A_27] : memref<10240x64xf32, #tpu.memory_space<vmem_shared>> -> memref<640x64xf32, #tpu.memory_space<vmem_shared>>
      %dma_start3A_29 = arith.constant 0 : i32
      %dma_start3A_30 = tpu.memref_slice %arg5[%mul3A_2, %dma_start3A_29] : memref<10240x64xf32, #tpu.memory_space<hbm>> -> memref<640x64xf32, #tpu.memory_space<hbm>>
      tpu.enqueue_dma source(%dma_start3A_30 : memref<640x64xf32, #tpu.memory_space<hbm>>) target(%dma_start3A_28 : memref<640x64xf32, #tpu.memory_space<vmem_shared>>) target_semaphore(%run_scoped3A : memref<!tpu.dma_semaphore, #tpu.memory_space<semaphore_mem>>)
      %dma_wait3A_31 = arith.constant 0 : i32
      %dma_wait3A_32 = tpu.memref_slice %arg7[%mul3A_4, %dma_wait3A_31] : memref<10240x64xf32, #tpu.memory_space<vmem_shared>> -> memref<640x64xf32, #tpu.memory_space<vmem_shared>>
      %dma_wait3A_33 = arith.constant 0 : i32
      %dma_wait3A_34 = tpu.memref_slice %arg5[%mul3A_2, %dma_wait3A_33] : memref<10240x64xf32, #tpu.memory_space<hbm>> -> memref<640x64xf32, #tpu.memory_space<hbm>>
      tpu.wait_dma2 semaphore(%run_scoped3A : memref<!tpu.dma_semaphore, #tpu.memory_space<semaphore_mem>>) src(%dma_wait3A_34 : memref<640x64xf32, #tpu.memory_space<hbm>>) dst(%dma_wait3A_32 : memref<640x64xf32, #tpu.memory_space<vmem_shared>>)
      tpu.yield
    }) : () -> ()
    "tpu.region"() ({
      %run_scoped3A = tpu.sem_alloc : memref<!tpu.dma_semaphore, #tpu.memory_space<semaphore_mem>>
      %dma_start3A_27 = arith.constant 0 : i32
      %dma_start3A_28 = arith.constant 0 : i32
      %dma_start3A_29 = tpu.memref_slice %arg3[%add3A, %dma_start3A_27, %dma_start3A_28] : memref<32x22x512xi32, #tpu.memory_space<hbm>> -> memref<1x22x512xi32, #tpu.memory_space<hbm>>
      %dma_start3A_30 = tpu.memref_squeeze %dma_start3A_29 : memref<1x22x512xi32, #tpu.memory_space<hbm>> -> memref<22x512xi32, #tpu.memory_space<hbm>>
      %dma_start3A_31 = arith.constant 0 : i32
      %dma_start3A_32 = arith.constant 0 : i32
      %dma_start3A_33 = tpu.memref_slice %arg3[%add3A, %dma_start3A_31, %dma_start3A_32] : memref<32x22x512xi32, #tpu.memory_space<hbm>> -> memref<1x22x512xi32, #tpu.memory_space<hbm>>
      %dma_start3A_34 = tpu.memref_squeeze %dma_start3A_33 : memref<1x22x512xi32, #tpu.memory_space<hbm>> -> memref<22x512xi32, #tpu.memory_space<hbm>>
      tpu.enqueue_dma source(%dma_start3A_34 : memref<22x512xi32, #tpu.memory_space<hbm>>) target(%arg8 : memref<22x512xi32, #tpu.memory_space<vmem>>) target_semaphore(%run_scoped3A : memref<!tpu.dma_semaphore, #tpu.memory_space<semaphore_mem>>)
      %dma_wait3A_35 = arith.constant 0 : i32
      %dma_wait3A_36 = arith.constant 0 : i32
      %dma_wait3A_37 = tpu.memref_slice %arg3[%add3A, %dma_wait3A_35, %dma_wait3A_36] : memref<32x22x512xi32, #tpu.memory_space<hbm>> -> memref<1x22x512xi32, #tpu.memory_space<hbm>>
      %dma_wait3A_38 = tpu.memref_squeeze %dma_wait3A_37 : memref<1x22x512xi32, #tpu.memory_space<hbm>> -> memref<22x512xi32, #tpu.memory_space<hbm>>
      %dma_wait3A_39 = arith.constant 0 : i32
      %dma_wait3A_40 = arith.constant 0 : i32
      %dma_wait3A_41 = tpu.memref_slice %arg3[%add3A, %dma_wait3A_39, %dma_wait3A_40] : memref<32x22x512xi32, #tpu.memory_space<hbm>> -> memref<1x22x512xi32, #tpu.memory_space<hbm>>
      %dma_wait3A_42 = tpu.memref_squeeze %dma_wait3A_41 : memref<1x22x512xi32, #tpu.memory_space<hbm>> -> memref<22x512xi32, #tpu.memory_space<hbm>>
      tpu.wait_dma2 semaphore(%run_scoped3A : memref<!tpu.dma_semaphore, #tpu.memory_space<semaphore_mem>>) src(%dma_wait3A_42 : memref<22x512xi32, #tpu.memory_space<hbm>>) dst(%arg8 : memref<22x512xi32, #tpu.memory_space<vmem>>)
      tpu.yield
    }) : () -> ()
    "tpu.region"() ({
      %run_scoped3A = tpu.sem_alloc : memref<!tpu.dma_semaphore, #tpu.memory_space<semaphore_mem>>
      %dma_start3A_27 = arith.constant 0 : i32
      %dma_start3A_28 = arith.constant 0 : i32
      %dma_start3A_29 = tpu.memref_slice %arg4[%add3A, %dma_start3A_27, %dma_start3A_28] : memref<32x22x512xi32, #tpu.memory_space<hbm>> -> memref<1x22x512xi32, #tpu.memory_space<hbm>>
      %dma_start3A_30 = tpu.memref_squeeze %dma_start3A_29 : memref<1x22x512xi32, #tpu.memory_space<hbm>> -> memref<22x512xi32, #tpu.memory_space<hbm>>
      %dma_start3A_31 = arith.constant 0 : i32
      %dma_start3A_32 = arith.constant 0 : i32
      %dma_start3A_33 = tpu.memref_slice %arg4[%add3A, %dma_start3A_31, %dma_start3A_32] : memref<32x22x512xi32, #tpu.memory_space<hbm>> -> memref<1x22x512xi32, #tpu.memory_space<hbm>>
      %dma_start3A_34 = tpu.memref_squeeze %dma_start3A_33 : memref<1x22x512xi32, #tpu.memory_space<hbm>> -> memref<22x512xi32, #tpu.memory_space<hbm>>
      tpu.enqueue_dma source(%dma_start3A_34 : memref<22x512xi32, #tpu.memory_space<hbm>>) target(%arg9 : memref<22x512xi32, #tpu.memory_space<vmem>>) target_semaphore(%run_scoped3A : memref<!tpu.dma_semaphore, #tpu.memory_space<semaphore_mem>>)
      %dma_wait3A_35 = arith.constant 0 : i32
      %dma_wait3A_36 = arith.constant 0 : i32
      %dma_wait3A_37 = tpu.memref_slice %arg4[%add3A, %dma_wait3A_35, %dma_wait3A_36] : memref<32x22x512xi32, #tpu.memory_space<hbm>> -> memref<1x22x512xi32, #tpu.memory_space<hbm>>
      %dma_wait3A_38 = tpu.memref_squeeze %dma_wait3A_37 : memref<1x22x512xi32, #tpu.memory_space<hbm>> -> memref<22x512xi32, #tpu.memory_space<hbm>>
      %dma_wait3A_39 = arith.constant 0 : i32
      %dma_wait3A_40 = arith.constant 0 : i32
      %dma_wait3A_41 = tpu.memref_slice %arg4[%add3A, %dma_wait3A_39, %dma_wait3A_40] : memref<32x22x512xi32, #tpu.memory_space<hbm>> -> memref<1x22x512xi32, #tpu.memory_space<hbm>>
      %dma_wait3A_42 = tpu.memref_squeeze %dma_wait3A_41 : memref<1x22x512xi32, #tpu.memory_space<hbm>> -> memref<22x512xi32, #tpu.memory_space<hbm>>
      tpu.wait_dma2 semaphore(%run_scoped3A : memref<!tpu.dma_semaphore, #tpu.memory_space<semaphore_mem>>) src(%dma_wait3A_42 : memref<22x512xi32, #tpu.memory_space<hbm>>) dst(%arg9 : memref<22x512xi32, #tpu.memory_space<vmem>>)
      tpu.yield
    }) : () -> ()
    %barrier3A = arith.constant 0 : index
    tpu.barrier barrier_id(%barrier3A)
    %dma_start3A = arith.constant 0 : i32
    %dma_start3A_5 = arith.constant 0 : i32
    %dma_start3A_6 = tpu.memref_slice %arg8[%dma_start3A, %dma_start3A_5] : memref<22x512xi32, #tpu.memory_space<vmem>> -> memref<1x512xi32, #tpu.memory_space<vmem>>
    %dma_start3A_7 = tpu.memref_squeeze %dma_start3A_6 : memref<1x512xi32, #tpu.memory_space<vmem>> -> memref<512xi32, #tpu.memory_space<vmem>>
    %dma_start3A_8 = arith.constant 0 : i32
    %dma_start3A_9 = arith.constant 0 : i32
    %dma_start3A_10 = tpu.memref_slice %arg2[%dma_start3A_8, %dma_start3A_9] : memref<10000x64xf32, #tpu.memory_space<hbm>> -> memref<10000x64xf32, #tpu.memory_space<hbm>>
    tpu.enqueue_indirect_dma source(%dma_start3A_10 : memref<10000x64xf32, #tpu.memory_space<hbm>>) target(%arg10 : memref<512x64xf32, #tpu.memory_space<vmem>>) offsets(%dma_start3A_7 : memref<512xi32, #tpu.memory_space<vmem>>) semaphore(%arg12 : memref<!tpu.dma_semaphore, #tpu.memory_space<semaphore_mem>>)
    %scan3A = arith.constant 0 : i32
    %scan3A_11 = arith.constant 0 : i32
    %scan3A_12 = arith.constant 10 : i32
    %scan3A_13 = arith.addi %scan3A_11, %scan3A_12 : i32
    %scan3A_14 = arith.constant 1 : i32
    scf.for %scan3A_27 = %scan3A_11 to %scan3A_13 step %scan3A_14  : i32 {
      %mul3A_28 = arith.constant 2 : i32
      %mul3A_29 = arith.muli %scan3A_27, %mul3A_28 : i32
      %add3A_30 = arith.constant 1 : i32
      %add3A_31 = arith.addi %mul3A_29, %add3A_30 : i32
      %dma_start3A_32 = arith.constant 0 : i32
      %dma_start3A_33 = tpu.memref_slice %arg8[%add3A_31, %dma_start3A_32] : memref<22x512xi32, #tpu.memory_space<vmem>> -> memref<1x512xi32, #tpu.memory_space<vmem>>
      %dma_start3A_34 = tpu.memref_squeeze %dma_start3A_33 : memref<1x512xi32, #tpu.memory_space<vmem>> -> memref<512xi32, #tpu.memory_space<vmem>>
      %dma_start3A_35 = arith.constant 0 : i32
      %dma_start3A_36 = arith.constant 0 : i32
      %dma_start3A_37 = tpu.memref_slice %arg2[%dma_start3A_35, %dma_start3A_36] : memref<10000x64xf32, #tpu.memory_space<hbm>> -> memref<10000x64xf32, #tpu.memory_space<hbm>>
      tpu.enqueue_indirect_dma source(%dma_start3A_37 : memref<10000x64xf32, #tpu.memory_space<hbm>>) target(%arg11 : memref<512x64xf32, #tpu.memory_space<vmem>>) offsets(%dma_start3A_34 : memref<512xi32, #tpu.memory_space<vmem>>) semaphore(%arg13 : memref<!tpu.dma_semaphore, #tpu.memory_space<semaphore_mem>>)
      %dma_wait3A_38 = arith.constant 0 : i32
      %dma_wait3A_39 = tpu.memref_slice %arg8[%mul3A_29, %dma_wait3A_38] : memref<22x512xi32, #tpu.memory_space<vmem>> -> memref<1x512xi32, #tpu.memory_space<vmem>>
      %dma_wait3A_40 = tpu.memref_squeeze %dma_wait3A_39 : memref<1x512xi32, #tpu.memory_space<vmem>> -> memref<512xi32, #tpu.memory_space<vmem>>
      %dma_wait3A_41 = arith.constant 0 : i32
      %dma_wait3A_42 = arith.constant 0 : i32
      %dma_wait3A_43 = tpu.memref_slice %arg2[%dma_wait3A_41, %dma_wait3A_42] : memref<10000x64xf32, #tpu.memory_space<hbm>> -> memref<10000x64xf32, #tpu.memory_space<hbm>>
      tpu.wait_indirect_dma semaphore(%arg12 : memref<!tpu.dma_semaphore, #tpu.memory_space<semaphore_mem>>) src(%dma_wait3A_43 : memref<10000x64xf32, #tpu.memory_space<hbm>>) dst(%arg10 : memref<512x64xf32, #tpu.memory_space<vmem>>)
      "tpu.region"() ({
        %run_scoped3A = tpu.sem_alloc : memref<!tpu.dma_semaphore, #tpu.memory_space<semaphore_mem>>
        %dma_start3A_62 = arith.constant 0 : i32
        %dma_start3A_63 = tpu.memref_slice %arg9[%mul3A_29, %dma_start3A_62] : memref<22x512xi32, #tpu.memory_space<vmem>> -> memref<1x512xi32, #tpu.memory_space<vmem>>
        %dma_start3A_64 = tpu.memref_squeeze %dma_start3A_63 : memref<1x512xi32, #tpu.memory_space<vmem>> -> memref<512xi32, #tpu.memory_space<vmem>>
        %dma_start3A_65 = arith.constant 0 : i32
        %dma_start3A_66 = arith.constant 0 : i32
        %dma_start3A_67 = tpu.memref_slice %arg7[%dma_start3A_65, %dma_start3A_66] : memref<10240x64xf32, #tpu.memory_space<vmem_shared>> -> memref<10240x64xf32, #tpu.memory_space<vmem_shared>>
        tpu.enqueue_indirect_dma source(%arg10 : memref<512x64xf32, #tpu.memory_space<vmem>>) target(%dma_start3A_67 : memref<10240x64xf32, #tpu.memory_space<vmem_shared>>) offsets(%dma_start3A_64 : memref<512xi32, #tpu.memory_space<vmem>>) semaphore(%run_scoped3A : memref<!tpu.dma_semaphore, #tpu.memory_space<semaphore_mem>>) {add = true}
        %dma_wait3A_68 = arith.constant 0 : i32
        %dma_wait3A_69 = tpu.memref_slice %arg9[%mul3A_29, %dma_wait3A_68] : memref<22x512xi32, #tpu.memory_space<vmem>> -> memref<1x512xi32, #tpu.memory_space<vmem>>
        %dma_wait3A_70 = tpu.memref_squeeze %dma_wait3A_69 : memref<1x512xi32, #tpu.memory_space<vmem>> -> memref<512xi32, #tpu.memory_space<vmem>>
        %dma_wait3A_71 = arith.constant 0 : i32
        %dma_wait3A_72 = arith.constant 0 : i32
        %dma_wait3A_73 = tpu.memref_slice %arg7[%dma_wait3A_71, %dma_wait3A_72] : memref<10240x64xf32, #tpu.memory_space<vmem_shared>> -> memref<10240x64xf32, #tpu.memory_space<vmem_shared>>
        tpu.wait_indirect_dma semaphore(%run_scoped3A : memref<!tpu.dma_semaphore, #tpu.memory_space<semaphore_mem>>) src(%arg10 : memref<512x64xf32, #tpu.memory_space<vmem>>) dst(%dma_wait3A_73 : memref<10240x64xf32, #tpu.memory_space<vmem_shared>>)
        tpu.yield
      }) : () -> ()
      %add3A_44 = arith.constant 2 : i32
      %add3A_45 = arith.addi %mul3A_29, %add3A_44 : i32
      %dma_start3A_46 = arith.constant 0 : i32
      %dma_start3A_47 = tpu.memref_slice %arg8[%add3A_45, %dma_start3A_46] : memref<22x512xi32, #tpu.memory_space<vmem>> -> memref<1x512xi32, #tpu.memory_space<vmem>>
      %dma_start3A_48 = tpu.memref_squeeze %dma_start3A_47 : memref<1x512xi32, #tpu.memory_space<vmem>> -> memref<512xi32, #tpu.memory_space<vmem>>
      %dma_start3A_49 = arith.constant 0 : i32
      %dma_start3A_50 = arith.constant 0 : i32
      %dma_start3A_51 = tpu.memref_slice %arg2[%dma_start3A_49, %dma_start3A_50] : memref<10000x64xf32, #tpu.memory_space<hbm>> -> memref<10000x64xf32, #tpu.memory_space<hbm>>
      tpu.enqueue_indirect_dma source(%dma_start3A_51 : memref<10000x64xf32, #tpu.memory_space<hbm>>) target(%arg10 : memref<512x64xf32, #tpu.memory_space<vmem>>) offsets(%dma_start3A_48 : memref<512xi32, #tpu.memory_space<vmem>>) semaphore(%arg12 : memref<!tpu.dma_semaphore, #tpu.memory_space<semaphore_mem>>)
      %add3A_52 = arith.constant 1 : i32
      %add3A_53 = arith.addi %mul3A_29, %add3A_52 : i32
      %dma_wait3A_54 = arith.constant 0 : i32
      %dma_wait3A_55 = tpu.memref_slice %arg8[%add3A_53, %dma_wait3A_54] : memref<22x512xi32, #tpu.memory_space<vmem>> -> memref<1x512xi32, #tpu.memory_space<vmem>>
      %dma_wait3A_56 = tpu.memref_squeeze %dma_wait3A_55 : memref<1x512xi32, #tpu.memory_space<vmem>> -> memref<512xi32, #tpu.memory_space<vmem>>
      %dma_wait3A_57 = arith.constant 0 : i32
      %dma_wait3A_58 = arith.constant 0 : i32
      %dma_wait3A_59 = tpu.memref_slice %arg2[%dma_wait3A_57, %dma_wait3A_58] : memref<10000x64xf32, #tpu.memory_space<hbm>> -> memref<10000x64xf32, #tpu.memory_space<hbm>>
      tpu.wait_indirect_dma semaphore(%arg13 : memref<!tpu.dma_semaphore, #tpu.memory_space<semaphore_mem>>) src(%dma_wait3A_59 : memref<10000x64xf32, #tpu.memory_space<hbm>>) dst(%arg11 : memref<512x64xf32, #tpu.memory_space<vmem>>)
      %add3A_60 = arith.constant 1 : i32
      %add3A_61 = arith.addi %mul3A_29, %add3A_60 : i32
      "tpu.region"() ({
        %run_scoped3A = tpu.sem_alloc : memref<!tpu.dma_semaphore, #tpu.memory_space<semaphore_mem>>
        %dma_start3A_62 = arith.constant 0 : i32
        %dma_start3A_63 = tpu.memref_slice %arg9[%add3A_61, %dma_start3A_62] : memref<22x512xi32, #tpu.memory_space<vmem>> -> memref<1x512xi32, #tpu.memory_space<vmem>>
        %dma_start3A_64 = tpu.memref_squeeze %dma_start3A_63 : memref<1x512xi32, #tpu.memory_space<vmem>> -> memref<512xi32, #tpu.memory_space<vmem>>
        %dma_start3A_65 = arith.constant 0 : i32
        %dma_start3A_66 = arith.constant 0 : i32
        %dma_start3A_67 = tpu.memref_slice %arg7[%dma_start3A_65, %dma_start3A_66] : memref<10240x64xf32, #tpu.memory_space<vmem_shared>> -> memref<10240x64xf32, #tpu.memory_space<vmem_shared>>
        tpu.enqueue_indirect_dma source(%arg11 : memref<512x64xf32, #tpu.memory_space<vmem>>) target(%dma_start3A_67 : memref<10240x64xf32, #tpu.memory_space<vmem_shared>>) offsets(%dma_start3A_64 : memref<512xi32, #tpu.memory_space<vmem>>) semaphore(%run_scoped3A : memref<!tpu.dma_semaphore, #tpu.memory_space<semaphore_mem>>) {add = true}
        %dma_wait3A_68 = arith.constant 0 : i32
        %dma_wait3A_69 = tpu.memref_slice %arg9[%add3A_61, %dma_wait3A_68] : memref<22x512xi32, #tpu.memory_space<vmem>> -> memref<1x512xi32, #tpu.memory_space<vmem>>
        %dma_wait3A_70 = tpu.memref_squeeze %dma_wait3A_69 : memref<1x512xi32, #tpu.memory_space<vmem>> -> memref<512xi32, #tpu.memory_space<vmem>>
        %dma_wait3A_71 = arith.constant 0 : i32
        %dma_wait3A_72 = arith.constant 0 : i32
        %dma_wait3A_73 = tpu.memref_slice %arg7[%dma_wait3A_71, %dma_wait3A_72] : memref<10240x64xf32, #tpu.memory_space<vmem_shared>> -> memref<10240x64xf32, #tpu.memory_space<vmem_shared>>
        tpu.wait_indirect_dma semaphore(%run_scoped3A : memref<!tpu.dma_semaphore, #tpu.memory_space<semaphore_mem>>) src(%arg11 : memref<512x64xf32, #tpu.memory_space<vmem>>) dst(%dma_wait3A_73 : memref<10240x64xf32, #tpu.memory_space<vmem_shared>>)
        tpu.yield
      }) : () -> ()
    }
    %scan3A_15 = arith.constant 10 : i32
    %dma_wait3A = arith.constant 0 : i32
    %dma_wait3A_16 = arith.constant 0 : i32
    %dma_wait3A_17 = tpu.memref_slice %arg8[%dma_wait3A, %dma_wait3A_16] : memref<22x512xi32, #tpu.memory_space<vmem>> -> memref<1x512xi32, #tpu.memory_space<vmem>>
    %dma_wait3A_18 = tpu.memref_squeeze %dma_wait3A_17 : memref<1x512xi32, #tpu.memory_space<vmem>> -> memref<512xi32, #tpu.memory_space<vmem>>
    %dma_wait3A_19 = arith.constant 0 : i32
    %dma_wait3A_20 = arith.constant 0 : i32
    %dma_wait3A_21 = tpu.memref_slice %arg2[%dma_wait3A_19, %dma_wait3A_20] : memref<10000x64xf32, #tpu.memory_space<hbm>> -> memref<10000x64xf32, #tpu.memory_space<hbm>>
    tpu.wait_indirect_dma semaphore(%arg12 : memref<!tpu.dma_semaphore, #tpu.memory_space<semaphore_mem>>) src(%dma_wait3A_21 : memref<10000x64xf32, #tpu.memory_space<hbm>>) dst(%arg10 : memref<512x64xf32, #tpu.memory_space<vmem>>)
    %barrier3A_22 = arith.constant 0 : index
    tpu.barrier barrier_id(%barrier3A_22)
    %mul3A_23 = arith.constant 640 : i32
    %mul3A_24 = arith.muli %arg1, %mul3A_23 : i32
    %mul3A_25 = arith.constant 640 : i32
    %mul3A_26 = arith.muli %arg1, %mul3A_25 : i32
    "tpu.region"() ({
      %run_scoped3A = tpu.sem_alloc : memref<!tpu.dma_semaphore, #tpu.memory_space<semaphore_mem>>
      %dma_start3A_27 = arith.constant 0 : i32
      %dma_start3A_28 = arith.constant 0 : i32
      %dma_start3A_29 = tpu.memref_slice %arg6[%arg0, %dma_start3A_27, %dma_start3A_28] : memref<2x10240x64xf32, #tpu.memory_space<hbm>> -> memref<1x10240x64xf32, #tpu.memory_space<hbm>>
      %dma_start3A_30 = tpu.memref_squeeze %dma_start3A_29 : memref<1x10240x64xf32, #tpu.memory_space<hbm>> -> memref<10240x64xf32, #tpu.memory_space<hbm>>
      %dma_start3A_31 = arith.constant 0 : i32
      %dma_start3A_32 = tpu.memref_slice %dma_start3A_30[%mul3A_26, %dma_start3A_31] : memref<10240x64xf32, #tpu.memory_space<hbm>> -> memref<640x64xf32, #tpu.memory_space<hbm>>
      %dma_start3A_33 = arith.constant 0 : i32
      %dma_start3A_34 = tpu.memref_slice %arg7[%mul3A_24, %dma_start3A_33] : memref<10240x64xf32, #tpu.memory_space<vmem_shared>> -> memref<640x64xf32, #tpu.memory_space<vmem_shared>>
      tpu.enqueue_dma source(%dma_start3A_34 : memref<640x64xf32, #tpu.memory_space<vmem_shared>>) target(%dma_start3A_32 : memref<640x64xf32, #tpu.memory_space<hbm>>) target_semaphore(%run_scoped3A : memref<!tpu.dma_semaphore, #tpu.memory_space<semaphore_mem>>)
      %dma_wait3A_35 = arith.constant 0 : i32
      %dma_wait3A_36 = arith.constant 0 : i32
      %dma_wait3A_37 = tpu.memref_slice %arg6[%arg0, %dma_wait3A_35, %dma_wait3A_36] : memref<2x10240x64xf32, #tpu.memory_space<hbm>> -> memref<1x10240x64xf32, #tpu.memory_space<hbm>>
      %dma_wait3A_38 = tpu.memref_squeeze %dma_wait3A_37 : memref<1x10240x64xf32, #tpu.memory_space<hbm>> -> memref<10240x64xf32, #tpu.memory_space<hbm>>
      %dma_wait3A_39 = arith.constant 0 : i32
      %dma_wait3A_40 = tpu.memref_slice %dma_wait3A_38[%mul3A_26, %dma_wait3A_39] : memref<10240x64xf32, #tpu.memory_space<hbm>> -> memref<640x64xf32, #tpu.memory_space<hbm>>
      %dma_wait3A_41 = arith.constant 0 : i32
      %dma_wait3A_42 = tpu.memref_slice %arg7[%mul3A_24, %dma_wait3A_41] : memref<10240x64xf32, #tpu.memory_space<vmem_shared>> -> memref<640x64xf32, #tpu.memory_space<vmem_shared>>
      tpu.wait_dma2 semaphore(%run_scoped3A : memref<!tpu.dma_semaphore, #tpu.memory_space<semaphore_mem>>) src(%dma_wait3A_42 : memref<640x64xf32, #tpu.memory_space<vmem_shared>>) dst(%dma_wait3A_40 : memref<640x64xf32, #tpu.memory_space<hbm>>)
      tpu.yield
    }) : () -> ()
    return
  }
}

module attributes {stable_mosaic.version = 14 : i64} {
  func.func @_tc1_body(%arg0: i32, %arg1: memref<1000x128xf32, #tpu.memory_space<vmem>>, %arg2: memref<128x64xf32, #tpu.memory_space<vmem>>, %arg3: memref<1000x8xf32, #tpu.memory_space<vmem>>, %arg4: memref<1000x8xf32, #tpu.memory_space<vmem>>, %arg5: memref<1000x64xf32, #tpu.memory_space<vmem>>, %arg6: memref<1000x8xf32, #tpu.memory_space<vmem>>) attributes {dimension_semantics = [#tpu.dimension_semantics<arbitrary>], iteration_bounds = array<i64: 10>, scalar_prefetch = 0 : i64, scratch_operands = 0 : i64, tpu.core_type = #tpu.core_type<tc>, window_params = [{transform_indices = @transform_0, window_bounds = array<i64: 1000, 128>}, {pipeline_mode = #tpu.pipeline_mode<synchronous>, transform_indices = @transform_1, window_bounds = array<i64: 128, 64>}, {transform_indices = @transform_2, window_bounds = array<i64: 1000, 8>}, {transform_indices = @transform_3, window_bounds = array<i64: 1000, 8>}, {transform_indices = @transform_4, window_bounds = array<i64: 1000, 64>}, {transform_indices = @transform_5, window_bounds = array<i64: 1000, 8>}]} {
    %get3A = arith.constant 0 : index
    %get3A_0 = arith.constant 0 : index
    %get3A_1 = vector.load %arg3[%get3A, %get3A_0] : memref<1000x8xf32, #tpu.memory_space<vmem>>, vector<1000x1xf32>
    %get3A_2 = arith.constant 0 : index
    %get3A_3 = arith.constant 0 : index
    %get3A_4 = vector.load %arg4[%get3A_2, %get3A_3] : memref<1000x8xf32, #tpu.memory_space<vmem>>, vector<1000x1xf32>
    %add3A = arith.addf %get3A_1, %get3A_4 : vector<1000x1xf32>
    %add3A_5 = arith.constant 1.000000e+00 : f32
    %add3A_6 = vector.broadcast %add3A_5 : f32 to vector<1000x1xf32>
    %add3A_7 = arith.addf %add3A, %add3A_6 : vector<1000x1xf32>
    %rsqrt3A = math.rsqrt %add3A_7 : vector<1000x1xf32>
    %get3A_8 = arith.constant 0 : index
    %get3A_9 = arith.constant 0 : index
    %get3A_10 = vector.load %arg1[%get3A_8, %get3A_9] : memref<1000x128xf32, #tpu.memory_space<vmem>>, vector<1000x128xf32>
    %get3A_11 = arith.constant 0 : index
    %get3A_12 = arith.constant 0 : index
    %get3A_13 = vector.load %arg2[%get3A_11, %get3A_12] : memref<128x64xf32, #tpu.memory_space<vmem>>, vector<128x64xf32>
    %dot_general3A = arith.constant dense<0.000000e+00> : vector<1000x64xf32>
    %dot_general3A_14 = tpu.matmul %get3A_10, %get3A_13, %dot_general3A {dimension_numbers = #tpu.dot_dimension_numbers<[1], [0], [0], [1], [0, 0, 1, 1], [], []>, transpose_lhs_hint = false} : vector<1000x128xf32>, vector<128x64xf32>, vector<1000x64xf32> -> vector<1000x64xf32>
    %mul3A = vector.broadcast %rsqrt3A : vector<1000x1xf32> to vector<1000x64xf32>
    %mul3A_15 = arith.mulf %mul3A, %dot_general3A_14 : vector<1000x64xf32>
    %swap3A = arith.constant 0 : index
    %swap3A_16 = arith.constant 0 : index
    %swap3A_17 = vector.load %arg5[%swap3A, %swap3A_16] : memref<1000x64xf32, #tpu.memory_space<vmem>>, vector<1000x64xf32>
    tpu.vector_store %arg5[%swap3A, %swap3A_16], %mul3A_15 {strides = array<i32>} : memref<1000x64xf32, #tpu.memory_space<vmem>>, vector<1000x64xf32>,
    %broadcast_in_dim3A = vector.shape_cast %rsqrt3A : vector<1000x1xf32> to vector<1000x1xf32>
    %broadcast_in_dim3A_18 = vector.broadcast %broadcast_in_dim3A : vector<1000x1xf32> to vector<1000x8xf32>
    %swap3A_19 = arith.constant 0 : index
    %swap3A_20 = arith.constant 0 : index
    %swap3A_21 = vector.load %arg6[%swap3A_19, %swap3A_20] : memref<1000x8xf32, #tpu.memory_space<vmem>>, vector<1000x8xf32>
    tpu.vector_store %arg6[%swap3A_19, %swap3A_20], %broadcast_in_dim3A_18 {strides = array<i32>} : memref<1000x8xf32, #tpu.memory_space<vmem>>, vector<1000x8xf32>,
    return
  }
  func.func @transform_0(%arg0: i32) -> (i32, i32) {
    %c0_i32 = arith.constant 0 : i32
    %c0_i32_0 = arith.constant 0 : i32
    return %arg0, %c0_i32 : i32, i32
  }
  func.func @transform_1(%arg0: i32) -> (i32, i32) {
    %c0_i32 = arith.constant 0 : i32
    %c0_i32_0 = arith.constant 0 : i32
    %c0_i32_1 = arith.constant 0 : i32
    return %c0_i32, %c0_i32_0 : i32, i32
  }
  func.func @transform_2(%arg0: i32) -> (i32, i32) {
    %c0_i32 = arith.constant 0 : i32
    %c0_i32_0 = arith.constant 0 : i32
    return %arg0, %c0_i32 : i32, i32
  }
  func.func @transform_3(%arg0: i32) -> (i32, i32) {
    %c0_i32 = arith.constant 0 : i32
    %c0_i32_0 = arith.constant 0 : i32
    return %arg0, %c0_i32 : i32, i32
  }
  func.func @transform_4(%arg0: i32) -> (i32, i32) {
    %c0_i32 = arith.constant 0 : i32
    %c0_i32_0 = arith.constant 0 : i32
    return %arg0, %c0_i32 : i32, i32
  }
  func.func @transform_5(%arg0: i32) -> (i32, i32) {
    %c0_i32 = arith.constant 0 : i32
    %c0_i32_0 = arith.constant 0 : i32
    return %arg0, %c0_i32 : i32, i32
  }
}

module attributes {stable_mosaic.version = 14 : i64} {
  func.func @_tc2_body(%arg0: i32, %arg1: memref<1000x64xf32, #tpu.memory_space<vmem>>, %arg2: memref<1000x64xf32, #tpu.memory_space<vmem>>, %arg3: memref<1000x64xf32, #tpu.memory_space<vmem>>, %arg4: memref<1000x8xf32, #tpu.memory_space<vmem>>, %arg5: memref<1x64xf32, #tpu.memory_space<vmem>>, %arg6: memref<64x64xf32, #tpu.memory_space<vmem>>, %arg7: memref<1000x64xf32, #tpu.memory_space<vmem>>) attributes {dimension_semantics = [#tpu.dimension_semantics<arbitrary>], iteration_bounds = array<i64: 10>, scalar_prefetch = 0 : i64, scratch_operands = 0 : i64, tpu.core_type = #tpu.core_type<tc>, window_params = [{transform_indices = @transform_0, window_bounds = array<i64: 1000, 64>}, {transform_indices = @transform_1, window_bounds = array<i64: 1000, 64>}, {transform_indices = @transform_2, window_bounds = array<i64: 1000, 64>}, {transform_indices = @transform_3, window_bounds = array<i64: 1000, 8>}, {pipeline_mode = #tpu.pipeline_mode<synchronous>, transform_indices = @transform_4, window_bounds = array<i64: 1, 64>}, {pipeline_mode = #tpu.pipeline_mode<synchronous>, transform_indices = @transform_5, window_bounds = array<i64: 64, 64>}, {transform_indices = @transform_6, window_bounds = array<i64: 1000, 64>}]} {
    %get3A = arith.constant 0 : index
    %get3A_0 = arith.constant 0 : index
    %get3A_1 = vector.load %arg4[%get3A, %get3A_0] : memref<1000x8xf32, #tpu.memory_space<vmem>>, vector<1000x1xf32>
    %get3A_2 = arith.constant 0 : index
    %get3A_3 = arith.constant 0 : index
    %get3A_4 = vector.load %arg1[%get3A_2, %get3A_3] : memref<1000x64xf32, #tpu.memory_space<vmem>>, vector<1000x64xf32>
    %get3A_5 = arith.constant 0 : index
    %get3A_6 = arith.constant 0 : index
    %get3A_7 = vector.load %arg2[%get3A_5, %get3A_6] : memref<1000x64xf32, #tpu.memory_space<vmem>>, vector<1000x64xf32>
    %add3A = arith.addf %get3A_4, %get3A_7 : vector<1000x64xf32>
    %get3A_8 = arith.constant 0 : index
    %get3A_9 = arith.constant 0 : index
    %get3A_10 = vector.load %arg3[%get3A_8, %get3A_9] : memref<1000x64xf32, #tpu.memory_space<vmem>>, vector<1000x64xf32>
    %add3A_11 = arith.addf %add3A, %get3A_10 : vector<1000x64xf32>
    %mul3A = vector.broadcast %get3A_1 : vector<1000x1xf32> to vector<1000x64xf32>
    %mul3A_12 = arith.mulf %mul3A, %add3A_11 : vector<1000x64xf32>
    %get3A_13 = arith.constant 0 : index
    %get3A_14 = arith.constant 0 : index
    %get3A_15 = vector.load %arg5[%get3A_13, %get3A_14] : memref<1x64xf32, #tpu.memory_space<vmem>>, vector<1x64xf32>
    %add3A_16 = vector.broadcast %get3A_15 : vector<1x64xf32> to vector<1000x64xf32>
    %add3A_17 = arith.addf %mul3A_12, %add3A_16 : vector<1000x64xf32>
    %max3A = arith.constant 0.000000e+00 : f32
    %max3A_18 = vector.broadcast %max3A : f32 to vector<1000x64xf32>
    %max3A_19 = arith.maximumf %add3A_17, %max3A_18 : vector<1000x64xf32>
    %get3A_20 = arith.constant 0 : index
    %get3A_21 = arith.constant 0 : index
    %get3A_22 = vector.load %arg6[%get3A_20, %get3A_21] : memref<64x64xf32, #tpu.memory_space<vmem>>, vector<64x64xf32>
    %dot_general3A = arith.constant dense<0.000000e+00> : vector<1000x64xf32>
    %dot_general3A_23 = tpu.matmul %max3A_19, %get3A_22, %dot_general3A {dimension_numbers = #tpu.dot_dimension_numbers<[1], [0], [0], [1], [0, 0, 1, 1], [], []>, transpose_lhs_hint = false} : vector<1000x64xf32>, vector<64x64xf32>, vector<1000x64xf32> -> vector<1000x64xf32>
    %mul3A_24 = vector.broadcast %get3A_1 : vector<1000x1xf32> to vector<1000x64xf32>
    %mul3A_25 = arith.mulf %mul3A_24, %dot_general3A_23 : vector<1000x64xf32>
    %swap3A = arith.constant 0 : index
    %swap3A_26 = arith.constant 0 : index
    %swap3A_27 = vector.load %arg7[%swap3A, %swap3A_26] : memref<1000x64xf32, #tpu.memory_space<vmem>>, vector<1000x64xf32>
    tpu.vector_store %arg7[%swap3A, %swap3A_26], %mul3A_25 {strides = array<i32>} : memref<1000x64xf32, #tpu.memory_space<vmem>>, vector<1000x64xf32>,
    return
  }
  func.func @transform_0(%arg0: i32) -> (i32, i32) {
    %c0_i32 = arith.constant 0 : i32
    %c0_i32_0 = arith.constant 0 : i32
    return %arg0, %c0_i32 : i32, i32
  }
  func.func @transform_1(%arg0: i32) -> (i32, i32) {
    %c0_i32 = arith.constant 0 : i32
    %c0_i32_0 = arith.constant 0 : i32
    return %arg0, %c0_i32 : i32, i32
  }
  func.func @transform_2(%arg0: i32) -> (i32, i32) {
    %c0_i32 = arith.constant 0 : i32
    %c0_i32_0 = arith.constant 0 : i32
    return %arg0, %c0_i32 : i32, i32
  }
  func.func @transform_3(%arg0: i32) -> (i32, i32) {
    %c0_i32 = arith.constant 0 : i32
    %c0_i32_0 = arith.constant 0 : i32
    return %arg0, %c0_i32 : i32, i32
  }
  func.func @transform_4(%arg0: i32) -> (i32, i32) {
    %c0_i32 = arith.constant 0 : i32
    %c0_i32_0 = arith.constant 0 : i32
    %c0_i32_1 = arith.constant 0 : i32
    return %c0_i32, %c0_i32_0 : i32, i32
  }
  func.func @transform_5(%arg0: i32) -> (i32, i32) {
    %c0_i32 = arith.constant 0 : i32
    %c0_i32_0 = arith.constant 0 : i32
    %c0_i32_1 = arith.constant 0 : i32
    return %c0_i32, %c0_i32_0 : i32, i32
  }
  func.func @transform_6(%arg0: i32) -> (i32, i32) {
    %c0_i32 = arith.constant 0 : i32
    %c0_i32_0 = arith.constant 0 : i32
    return %arg0, %c0_i32 : i32, i32
  }
}

module attributes {stable_mosaic.version = 14 : i64} {
  func.func @_tc3_body(%arg0: i32, %arg1: memref<1000x64xf32, #tpu.memory_space<vmem>>, %arg2: memref<1000x64xf32, #tpu.memory_space<vmem>>, %arg3: memref<1000x64xf32, #tpu.memory_space<vmem>>, %arg4: memref<1000x8xf32, #tpu.memory_space<vmem>>, %arg5: memref<1x64xf32, #tpu.memory_space<vmem>>, %arg6: memref<1000x64xf32, #tpu.memory_space<vmem>>) attributes {dimension_semantics = [#tpu.dimension_semantics<arbitrary>], iteration_bounds = array<i64: 10>, scalar_prefetch = 0 : i64, scratch_operands = 0 : i64, tpu.core_type = #tpu.core_type<tc>, window_params = [{transform_indices = @transform_0, window_bounds = array<i64: 1000, 64>}, {transform_indices = @transform_1, window_bounds = array<i64: 1000, 64>}, {transform_indices = @transform_2, window_bounds = array<i64: 1000, 64>}, {transform_indices = @transform_3, window_bounds = array<i64: 1000, 8>}, {pipeline_mode = #tpu.pipeline_mode<synchronous>, transform_indices = @transform_4, window_bounds = array<i64: 1, 64>}, {transform_indices = @transform_5, window_bounds = array<i64: 1000, 64>}]} {
    %get3A = arith.constant 0 : index
    %get3A_0 = arith.constant 0 : index
    %get3A_1 = vector.load %arg4[%get3A, %get3A_0] : memref<1000x8xf32, #tpu.memory_space<vmem>>, vector<1000x1xf32>
    %get3A_2 = arith.constant 0 : index
    %get3A_3 = arith.constant 0 : index
    %get3A_4 = vector.load %arg1[%get3A_2, %get3A_3] : memref<1000x64xf32, #tpu.memory_space<vmem>>, vector<1000x64xf32>
    %get3A_5 = arith.constant 0 : index
    %get3A_6 = arith.constant 0 : index
    %get3A_7 = vector.load %arg2[%get3A_5, %get3A_6] : memref<1000x64xf32, #tpu.memory_space<vmem>>, vector<1000x64xf32>
    %add3A = arith.addf %get3A_4, %get3A_7 : vector<1000x64xf32>
    %get3A_8 = arith.constant 0 : index
    %get3A_9 = arith.constant 0 : index
    %get3A_10 = vector.load %arg3[%get3A_8, %get3A_9] : memref<1000x64xf32, #tpu.memory_space<vmem>>, vector<1000x64xf32>
    %add3A_11 = arith.addf %add3A, %get3A_10 : vector<1000x64xf32>
    %mul3A = vector.broadcast %get3A_1 : vector<1000x1xf32> to vector<1000x64xf32>
    %mul3A_12 = arith.mulf %mul3A, %add3A_11 : vector<1000x64xf32>
    %get3A_13 = arith.constant 0 : index
    %get3A_14 = arith.constant 0 : index
    %get3A_15 = vector.load %arg5[%get3A_13, %get3A_14] : memref<1x64xf32, #tpu.memory_space<vmem>>, vector<1x64xf32>
    %add3A_16 = vector.broadcast %get3A_15 : vector<1x64xf32> to vector<1000x64xf32>
    %add3A_17 = arith.addf %mul3A_12, %add3A_16 : vector<1000x64xf32>
    %swap3A = arith.constant 0 : index
    %swap3A_18 = arith.constant 0 : index
    %swap3A_19 = vector.load %arg6[%swap3A, %swap3A_18] : memref<1000x64xf32, #tpu.memory_space<vmem>>, vector<1000x64xf32>
    tpu.vector_store %arg6[%swap3A, %swap3A_18], %add3A_17 {strides = array<i32>} : memref<1000x64xf32, #tpu.memory_space<vmem>>, vector<1000x64xf32>,
    return
  }
  func.func @transform_0(%arg0: i32) -> (i32, i32) {
    %c0_i32 = arith.constant 0 : i32
    %c0_i32_0 = arith.constant 0 : i32
    return %arg0, %c0_i32 : i32, i32
  }
  func.func @transform_1(%arg0: i32) -> (i32, i32) {
    %c0_i32 = arith.constant 0 : i32
    %c0_i32_0 = arith.constant 0 : i32
    return %arg0, %c0_i32 : i32, i32
  }
  func.func @transform_2(%arg0: i32) -> (i32, i32) {
    %c0_i32 = arith.constant 0 : i32
    %c0_i32_0 = arith.constant 0 : i32
    return %arg0, %c0_i32 : i32, i32
  }
  func.func @transform_3(%arg0: i32) -> (i32, i32) {
    %c0_i32 = arith.constant 0 : i32
    %c0_i32_0 = arith.constant 0 : i32
    return %arg0, %c0_i32 : i32, i32
  }
  func.func @transform_4(%arg0: i32) -> (i32, i32) {
    %c0_i32 = arith.constant 0 : i32
    %c0_i32_0 = arith.constant 0 : i32
    %c0_i32_1 = arith.constant 0 : i32
    return %c0_i32, %c0_i32_0 : i32, i32
  }
  func.func @transform_5(%arg0: i32) -> (i32, i32) {
    %c0_i32 = arith.constant 0 : i32
    %c0_i32_0 = arith.constant 0 : i32
    return %arg0, %c0_i32 : i32, i32
  }
}

module attributes {stable_mosaic.version = 14 : i64} {
  func.func @_score_body(%arg0: i32, %arg1: memref<2048x64xf32, #tpu.memory_space<vmem>>, %arg2: memref<2048x1xi32, #tpu.memory_space<vmem>>, %arg3: memref<2048x1xi32, #tpu.memory_space<vmem>>, %arg4: memref<2048x1xf32, #tpu.memory_space<vmem>>, %arg5: memref<1x1xf32, #tpu.memory_space<smem>>, %arg6: memref<1x1xf32, #tpu.memory_space<smem>>, %arg7: memref<2xf32, #tpu.memory_space<smem>>) attributes {dimension_semantics = [#tpu.dimension_semantics<arbitrary>], iteration_bounds = array<i64: 184>, scalar_prefetch = 0 : i64, scratch_operands = 1 : i64, tpu.core_type = #tpu.core_type<tc>, window_params = [{transform_indices = @transform_0, window_bounds = array<i64: 2048, 64>}, {transform_indices = @transform_1, window_bounds = array<i64: 2048, 1>}, {transform_indices = @transform_2, window_bounds = array<i64: 2048, 1>}, {transform_indices = @transform_3, window_bounds = array<i64: 2048, 1>}, {transform_indices = @transform_4, window_bounds = array<i64: 1, 1>}, {transform_indices = @transform_5, window_bounds = array<i64: 1, 1>}]} {
    %eq3A = arith.constant 0 : i32
    %eq3A_0 = arith.cmpi eq, %arg0, %eq3A : i32
    %convert_element_type3A = arith.extui %eq3A_0 : i1 to i32
    %cond3A = arith.constant 0 : i32
    %cond3A_1 = arith.cmpi ne, %convert_element_type3A, %cond3A : i32
    scf.if %cond3A_1 {
      %swap3A_40 = arith.constant 0.000000e+00 : f32
      %swap3A_41 = arith.constant 0 : index
      %swap3A_42 = memref.load %arg7[%swap3A_41] : memref<2xf32, #tpu.memory_space<smem>>
      memref.store %swap3A_40, %arg7[%swap3A_41] : memref<2xf32, #tpu.memory_space<smem>>
      %swap3A_43 = arith.constant 0.000000e+00 : f32
      %swap3A_44 = arith.constant 1 : index
      %swap3A_45 = memref.load %arg7[%swap3A_44] : memref<2xf32, #tpu.memory_space<smem>>
      memref.store %swap3A_43, %arg7[%swap3A_44] : memref<2xf32, #tpu.memory_space<smem>>
    } else {
    }
    %get3A = arith.constant 0 : index
    %get3A_2 = arith.constant 0 : index
    %get3A_3 = vector.load %arg1[%get3A, %get3A_2] : memref<2048x64xf32, #tpu.memory_space<vmem>>, vector<2048x64xf32>
    %reduce_sum3A = arith.constant dense<0.000000e+00> : vector<2048xf32>
    %reduce_sum3A_4 = vector.multi_reduction <add>, %get3A_3, %reduce_sum3A [1] : vector<2048x64xf32> to vector<2048xf32>
    %broadcast_in_dim3A = vector.shape_cast %reduce_sum3A_4 : vector<2048xf32> to vector<2048x1xf32>
    %get3A_5 = arith.constant 0 : index
    %get3A_6 = arith.constant 0 : index
    %get3A_7 = vector.load %arg2[%get3A_5, %get3A_6] : memref<2048x1xi32, #tpu.memory_space<vmem>>, vector<2048x1xi32>
    %get3A_8 = arith.constant 0 : index
    %get3A_9 = arith.constant 0 : index
    %get3A_10 = vector.load %arg3[%get3A_8, %get3A_9] : memref<2048x1xi32, #tpu.memory_space<vmem>>, vector<2048x1xi32>
    %lt3A = arith.cmpi slt, %get3A_7, %get3A_10 : vector<2048x1xi32>
    %get3A_11 = arith.constant 0 : index
    %get3A_12 = memref.load %arg7[%get3A_11] : memref<2xf32, #tpu.memory_space<smem>>
    %get3A_13 = arith.constant 0 : index
    %get3A_14 = arith.constant 0 : index
    %get3A_15 = vector.load %arg4[%get3A_13, %get3A_14] : memref<2048x1xf32, #tpu.memory_space<vmem>>, vector<2048x1xf32>
    %sub3A = arith.subf %broadcast_in_dim3A, %get3A_15 : vector<2048x1xf32>
    %integer_pow3A = arith.mulf %sub3A, %sub3A : vector<2048x1xf32>
    %jit3A = arith.constant 0.000000e+00 : f32
    %broadcast_in_dim3A_16 = vector.broadcast %jit3A : f32 to vector<2048x1xf32>
    %select_n3A = arith.select %lt3A, %integer_pow3A, %broadcast_in_dim3A_16 : vector<2048x1xi1>, vector<2048x1xf32>
    %reduce_sum3A_17 = vector.shape_cast %select_n3A : vector<2048x1xf32> to vector<1x2048x1xf32>
    %reduce_sum3A_18 = arith.constant dense<0.000000e+00> : vector<1xf32>
    %reduce_sum3A_19 = vector.multi_reduction <add>, %reduce_sum3A_17, %reduce_sum3A_18 [1, 2] : vector<1x2048x1xf32> to vector<1xf32>
    %reduce_sum3A_20 = vector.shape_cast %reduce_sum3A_19 : vector<1xf32> to vector<1x1x1xf32>
    %reduce_sum3A_21 = vector.extract %reduce_sum3A_20[0, 0, 0] : f32 from vector<1x1x1xf32>
    %add3A = arith.addf %get3A_12, %reduce_sum3A_21 : f32
    %swap3A = arith.constant 0 : index
    %swap3A_22 = memref.load %arg7[%swap3A] : memref<2xf32, #tpu.memory_space<smem>>
    memref.store %add3A, %arg7[%swap3A] : memref<2xf32, #tpu.memory_space<smem>>
    %get3A_23 = arith.constant 1 : index
    %get3A_24 = memref.load %arg7[%get3A_23] : memref<2xf32, #tpu.memory_space<smem>>
    %convert_element_type3A_25 = arith.extui %lt3A : vector<2048x1xi1> to vector<2048x1xi32>
    %convert_element_type3A_26 = arith.sitofp %convert_element_type3A_25 : vector<2048x1xi32> to vector<2048x1xf32>
    %reduce_sum3A_27 = vector.shape_cast %convert_element_type3A_26 : vector<2048x1xf32> to vector<1x2048x1xf32>
    %reduce_sum3A_28 = arith.constant dense<0.000000e+00> : vector<1xf32>
    %reduce_sum3A_29 = vector.multi_reduction <add>, %reduce_sum3A_27, %reduce_sum3A_28 [1, 2] : vector<1x2048x1xf32> to vector<1xf32>
    %reduce_sum3A_30 = vector.shape_cast %reduce_sum3A_29 : vector<1xf32> to vector<1x1x1xf32>
    %reduce_sum3A_31 = vector.extract %reduce_sum3A_30[0, 0, 0] : f32 from vector<1x1x1xf32>
    %add3A_32 = arith.addf %get3A_24, %reduce_sum3A_31 : f32
    %swap3A_33 = arith.constant 1 : index
    %swap3A_34 = memref.load %arg7[%swap3A_33] : memref<2xf32, #tpu.memory_space<smem>>
    memref.store %add3A_32, %arg7[%swap3A_33] : memref<2xf32, #tpu.memory_space<smem>>
    %eq3A_35 = arith.constant 183 : i32
    %eq3A_36 = arith.cmpi eq, %arg0, %eq3A_35 : i32
    %convert_element_type3A_37 = arith.extui %eq3A_36 : i1 to i32
    %cond3A_38 = arith.constant 0 : i32
    %cond3A_39 = arith.cmpi ne, %convert_element_type3A_37, %cond3A_38 : i32
    scf.if %cond3A_39 {
      %get3A_40 = arith.constant 0 : index
      %get3A_41 = memref.load %arg7[%get3A_40] : memref<2xf32, #tpu.memory_space<smem>>
      %swap3A_42 = arith.constant 0 : index
      %swap3A_43 = arith.constant 0 : index
      %swap3A_44 = memref.load %arg5[%swap3A_42, %swap3A_43] : memref<1x1xf32, #tpu.memory_space<smem>>
      memref.store %get3A_41, %arg5[%swap3A_42, %swap3A_43] : memref<1x1xf32, #tpu.memory_space<smem>>
      %get3A_45 = arith.constant 1 : index
      %get3A_46 = memref.load %arg7[%get3A_45] : memref<2xf32, #tpu.memory_space<smem>>
      %swap3A_47 = arith.constant 0 : index
      %swap3A_48 = arith.constant 0 : index
      %swap3A_49 = memref.load %arg6[%swap3A_47, %swap3A_48] : memref<1x1xf32, #tpu.memory_space<smem>>
      memref.store %get3A_46, %arg6[%swap3A_47, %swap3A_48] : memref<1x1xf32, #tpu.memory_space<smem>>
    } else {
    }
    return
  }
  func.func @transform_0(%arg0: i32) -> (i32, i32) {
    %c0_i32 = arith.constant 0 : i32
    %c0_i32_0 = arith.constant 0 : i32
    return %arg0, %c0_i32 : i32, i32
  }
  func.func @transform_1(%arg0: i32) -> (i32, i32) {
    %c0_i32 = arith.constant 0 : i32
    %c0_i32_0 = arith.constant 0 : i32
    return %arg0, %c0_i32 : i32, i32
  }
  func.func @transform_2(%arg0: i32) -> (i32, i32) {
    %c0_i32 = arith.constant 0 : i32
    %c0_i32_0 = arith.constant 0 : i32
    return %arg0, %c0_i32 : i32, i32
  }
  func.func @transform_3(%arg0: i32) -> (i32, i32) {
    %c0_i32 = arith.constant 0 : i32
    %c0_i32_0 = arith.constant 0 : i32
    return %arg0, %c0_i32 : i32, i32
  }
  func.func @transform_4(%arg0: i32) -> (i32, i32) {
    %c0_i32 = arith.constant 0 : i32
    %c0_i32_0 = arith.constant 0 : i32
    %c0_i32_1 = arith.constant 0 : i32
    return %c0_i32, %c0_i32_0 : i32, i32
  }
  func.func @transform_5(%arg0: i32) -> (i32, i32) {
    %c0_i32 = arith.constant 0 : i32
    %c0_i32_0 = arith.constant 0 : i32
    %c0_i32_1 = arith.constant 0 : i32
    return %c0_i32, %c0_i32_0 : i32, i32
  }
}

</mosaic_0001>

<sc_bundles>
// kernel: kernel.10.cloned.1.call-start
scs
__scs_entry_jumppad:
0x0: {  	(pc) =	sbr.rel $0x88, $3  }
0x1: {  	(tag) =	ssettag $0x0;
	lr =	simm.s32 $0x1  }
0x2: {  	[smem:$0x3F9A] =	sst lr;
	_ =	strace $0xD0000000  }
0x3: {  	_ = 	snop  }
0x4: {  	_ = 	snop  }
0x5: {  	_ = 	snop  }
0x6: {  	_ = 	snop  }
0x7: {  	_ = 	snop  }
__scs_overlays_trampoline_lowered:
0x8: {  	[smem:$0x3FA9] =	sst s0  }
0x9: {  	[smem:$0x3FAA] =	sst s1  }
0xa: {  	[smem:$0x3FAB] =	sst s2  }
0xb: {  	[smem:$0x3FAC] =	sst s3  }
0xc: {  	[smem:$0x3FAD] =	sst s4  }
0xd: {  	[smem:$0x3FAE] =	sst s5  }
0xe: {  	[smem:$0x3FAF] =	sst s6  }
0xf: {  	[smem:$0x3FB0] =	sst s7  }
0x10: {  	[smem:$0x3FB1] =	sst s8  }
0x11: {  	[smem:$0x3FB2] =	sst s9;
	s0 =	simm.s32 @!p0 $0x0  }
0x12: {  	s1 =	sld [smem:$0x3F98];
	s0 =	simm.s32 @p0 $0x1  }
0x13: {  	[smem:$0x3FB3] =	sst s0;
	s0 =	simm.s32 @!p1 $0x0  }
0x14: {  	s2 =	sld [smem:$0x3F97];
	s0 =	simm.s32 @p1 $0x1  }
0x15: {  	[smem:$0x3FB4] =	sst s0;
	s0 =	simm.s32 @!p2 $0x0  }
0x16: {  	s3 =	sld [smem:$0x3FDB];
	s0 =	simm.s32 @p2 $0x1  }
0x17: {  	s4 =	simm.s32 $0x1BF5;
	[smem:$0x3FB6] =	sst s0  }
0x18: {  	s0 =	sld [smem:$0x3F99];
	_ =	swait.ge [sflag:s4], $0x0  }
0x19: {  	s7 =	sld [smem:$0x3F9A]  }
0x1a: {  	s8 =	sadd.s32 $0xFFFFE003, lr  }
0x1b: {  	s9 =	sadd.s32 $0xFFFFFEF7, lr;
	s5 =	simm.s32 $0xFFFFFFFF;
	p2 =	slt.u32 s8, $0xFFFFF086  }
0x1c: {  	p1 =	slt.u32 s9, $0xF7A;
	s5 =	simm.s32 @!p2 $0x0  }
0x1d: {  	s5 =	simm.s32 @p1 $0x1;
	p0 =	seq.s32 s7, s2  }
0x1e: {  	s7 =	smul.u32 @!p0 $0xF7A, s2;
	p2 =	seq.s32 @!p0 s5, $0x0  }
0x1f: {  	s9 =	smul.u32 $0xF7A, s1;
	s8 =	simm.s32 @!p0 $0x1BF5;
	p2 =	por !p2, p0  }
0x20: {  	[sflag:s8] =	ssyncset.s32 @!p0 $0xFFFFF086;
	s6 =	sadd.s32 @!p0 s3, s7;
	s7 =	simm.s32 @!p0 $0x108  }
0x21: {  	s3 =	sadd.s32 s3, s9;
	s6 =	sadd.s32 @!p0 $0x88, s6;
	s7 =	simm.s32 @p2 $0x1082  }
0x22: {  	[simem:s7], [sflag:s8] =	dma.local @!p0 [hbm:s6], $0xF7A  }
0x23: {  	s9 =	sor.u32 $0xD0000000, s2;
	s6 =	simm.s32 $0x108;
	_ =	swait.ge @!p0 [sflag:s8], $0x0  }
0x24: {  	s3 =	sadd.s32 $0x88, s3;
	s6 =	simm.s32 @!p1 $0x1082;
	[sflag:s4] =	ssyncset.s32 $0xFFFFF086  }
0x25: {  	[simem:s6], [sflag:s4] =	dma.local [hbm:s3], $0xF7A  }
0x26: {  	[smem:$0x3F9A] =	sst s1;
	(tag) =	ssettag s2;
	_ =	strace s9  }
0x27: {  	s1 =	sld [smem:$0x3FAA]  }
0x28: {  	s2 =	sld [smem:$0x3FAB]  }
0x29: {  	s4 =	sld [smem:$0x3FAD]  }
0x2a: {  	p0 =	seq.s32 s5, $0x0;
	s5 =	sld [smem:$0x3FAE]  }
0x2b: {  	s6 =	sld [smem:$0x3FAF]  }
0x2c: {  	s7 =	sld [smem:$0x3FB0]  }
0x2d: {  	s3 =	simm.s32 $0x108;
	s8 =	sld [smem:$0x3FB1]  }
0x2e: {  	s3 =	simm.s32 @!p0 $0x1082;
	s9 =	sld [smem:$0x3FB2]  }
0x2f: {  	lr =	sadd.s32 s0, s3;
	s0 =	sld [smem:$0x3FA9]  }
0x30: {  	s3 =	sld [smem:$0x3FAC]  }
0x31: {  	[smem:$0x3FB5] =	sst s10  }
0x32: {  	s10 =	sld [smem:$0x3FB3];
	_ =	sdelay $0x3  }
0x33: {  	p0 =	seq.s32 s10, $0x1;
	s10 =	sld [smem:$0x3FB5];
	_ =	sdelay $0x3  }
0x34: {  	[smem:$0x3FB5] =	sst s10  }
0x35: {  	s10 =	sld [smem:$0x3FB4];
	_ =	sdelay $0x3  }
0x36: {  	p1 =	seq.s32 s10, $0x1;
	s10 =	sld [smem:$0x3FB5];
	_ =	sdelay $0x3  }
0x37: {  	[smem:$0x3FB5] =	sst s10  }
0x38: {  	s10 =	sld [smem:$0x3FB6]  }
0x39: {  	_ = 	snop;
	(pc) =	sbr.ind lr, $3  }
0x3a: {  	_ = 	snop  }
0x3b: {  	_ = 	snop  }
0x3c: {  	p2 =	seq.s32 s10, $0x1;
	s10 =	sld [smem:$0x3FB5]  }
0x3d: {  	_ =	shalt  }
0x3e: {  	_ =	shalt  }
0x3f: {  	_ =	shalt  }
0x40: {  	_ =	shalt  }
0x41: {  	_ =	shalt  }
0x42: {  	_ =	shalt  }
0x43: {  	_ =	shalt  }
0x44: {  	_ =	shalt  }
0x45: {  	_ =	shalt  }
0x46: {  	_ =	shalt  }
0x47: {  	_ =	shalt  }
0x48: {  	_ =	shalt  }
0x49: {  	_ =	shalt  }
0x4a: {  	_ =	shalt  }
0x4b: {  	_ =	shalt  }
0x4c: {  	_ =	shalt  }
0x4d: {  	_ =	shalt  }
0x4e: {  	_ =	shalt  }
0x4f: {  	_ =	shalt  }
0x50: {  	_ =	shalt  }
0x51: {  	_ =	shalt  }
0x52: {  	_ =	shalt  }
0x53: {  	_ =	shalt  }
0x54: {  	_ =	shalt  }
0x55: {  	_ =	shalt  }
0x56: {  	_ =	shalt  }
0x57: {  	_ =	shalt  }
0x58: {  	_ =	shalt  }
0x59: {  	_ =	shalt  }
0x5a: {  	_ =	shalt  }
0x5b: {  	_ =	shalt  }
0x5c: {  	_ =	shalt  }
0x5d: {  	_ =	shalt  }
0x5e: {  	_ =	shalt  }
0x5f: {  	_ =	shalt  }
0x60: {  	_ =	shalt  }
0x61: {  	_ =	shalt  }
0x62: {  	_ =	shalt  }
0x63: {  	_ =	shalt  }
0x64: {  	_ =	shalt  }
0x65: {  	_ =	shalt  }
0x66: {  	_ =	shalt  }
0x67: {  	_ =	shalt  }
0x68: {  	_ =	shalt  }
0x69: {  	_ =	shalt  }
0x6a: {  	_ =	shalt  }
0x6b: {  	_ =	shalt  }
0x6c: {  	_ =	shalt  }
0x6d: {  	_ =	shalt  }
0x6e: {  	_ =	shalt  }
0x6f: {  	_ =	shalt  }
0x70: {  	_ =	shalt  }
0x71: {  	_ =	shalt  }
0x72: {  	_ =	shalt  }
0x73: {  	_ =	shalt  }
0x74: {  	_ =	shalt  }
0x75: {  	_ =	shalt  }
0x76: {  	_ =	shalt  }
0x77: {  	_ =	shalt  }
0x78: {  	_ =	shalt  }
0x79: {  	_ =	shalt  }
0x7a: {  	_ =	shalt  }
0x7b: {  	_ =	shalt  }
0x7c: {  	_ =	shalt  }
0x7d: {  	_ =	shalt  }
0x7e: {  	_ =	shalt  }
0x7f: {  	_ =	shalt  }
0x80: {  	_ =	shalt  }
0x81: {  	_ =	shalt  }
0x82: {  	_ =	shalt  }
0x83: {  	_ =	shalt  }
0x84: {  	_ =	shalt  }
0x85: {  	_ =	shalt  }
0x86: {  	_ =	shalt  }
0x87: {  	_ =	shalt  }
.Lfunc_end0:
.L_simem_size_0:
called_computation_lowered:
.L_overlay_start_0:
0x88: {  	s2 =	sld [smem:$0x3FD9]  }
0x89: {  	s3 =	sld [smem:$0x3FFE];
	_ =	sdelay $0x1  }
0x8a: {  	s1 =	srdreg.scid  }
0x8b: {  	s0 =	sand.u32 $0x1, s1  }
0x8c: {  	s14 =	sshll.u32 s0, $0xA;
	s2 =	sadd.s32 s3, s2  }
0x8d: {  	s2 =	sadd.s32 s2, s14  }
0x8e: {  	[smem:$0x3FC1] =	sst s2  }
0x8f: {  	_ = 	snop  }
0x90: {  	s2 =	sld [smem:$0x3FD0];
	_ =	sdelay $0x2  }
0x91: {  	s15 =	simm.s32 $0xA;
	s4 =	simm.s32 $0x10  }
0x92: {  	[smem:s4], [sflag:s15] =	dma.local [hbm:s2], $0x1  }
0x93: {  	_ =	swait.eq [sflag:s15], $0x1  }
0x94: {  	[sflag:s15] =	ssyncset.done $0x0  }
0x95: {  	[sflag:s15] =	ssyncadd.s32 $0xFFFFFFFF  }
0x96: {  	s16 =	sld [smem:$0x10];
	(tm) =	ssettm $0x1  }
0x97: {  	s17 =	sld [smem:$0x3FFB];
	_ =	sdelay $0x3  }
0x98: {  	_ =	strace s17  }
0x99: {  	s3 =	sld [smem:$0x3FFC];
	_ =	sdelay $0x3  }
0x9a: {  	_ =	strace s3  }
0x9b: {  	s3 =	sld [smem:$0x3FFD];
	_ =	sdelay $0x3  }
0x9c: {  	_ =	strace s3  }
0x9d: {  	_ =	strace $0x8FFFFFFF  }
0x9e: {  	s18 =	sld [smem:$0x3FDB];
	_ =	sdelay $0x1  }
0x9f: {  	s19 =	simm.s32 $_scs_section_size  }
0xa0: {  	s5 =	simm.s32 $_size__tile_overlayer_lowered;
	s6 =	simm.s32 $_tile_overlayer_lowered  }
0xa1: {  	s22 =	simm.s32 $0x1BFF;
	s21 =	sshll.u32 s6, $0x1;
	s3 =	sadd.s32 s19, s18  }
0xa2: {  	s7 =	simm.s32 $0x0;
	s20 =	sshll.u32 s5, $0x1;
	s5 =	sadd.s32 s21, s3  }
0xa3: {  	[timem:s7], [sflag:s22] =	dma.local [hbm:s5], s20  }
0xa4: {  	_ =	swait.ge [sflag:s22], s20  }
0xa5: {  	s4 =	ssub.s32 $0x0, s20;
	[sflag:s22] =	ssyncset.done $0x0  }
0xa6: {  	[sflag:s22] =	ssyncadd.s32 s4;
	_ =	sdelay $0x1  }
0xa7: {  	s23 =	simm.s32 $0x1B8B  }
0xa8: {  	_ =	swait.ge [sflag:s23], $0x1  }
0xa9: {  	[sflag:s23] =	ssyncset.done $0x0  }
0xaa: {  	s25 =	simm.s32 $0x1B8E;
	s24 =	sld [smem:$0x3FFE];
	[sflag:s23] =	ssyncadd.s32 $0xFFFFFFFF  }
0xab: {  	s26 =	simm.s32 $execute0_lowered;
	[smem:$0x3FD2] =	sst s25  }
0xac: {  	s5 =	sshll.u32 s26, $0x1;
	_ =	strace $0x80000046;
	[dreg:$0x1] =	wrdreg $0xFFFFFFFF  }
0xad: {  	s28 =	simm.s32 $_size_execute0_lowered;
	s3 =	sadd.s32 s3, s5;
	[dreg:$0x0] =	wrdreg $0x0  }
0xae: {  	s5 =	sshll.u32 s28, $0x1;
	[dreg:$0x2] =	wrdreg s3  }
0xaf: {  	[dreg:$0x3] =	wrdreg s5  }
0xb0: {  	[dreg:$0x4] =	wrdreg $0xC0  }
0xb1: {  	_ =	task [dreg:s7], $0x5FFFF  }
0xb2: {  	[dreg:$0x1] =	wrdreg $0xFFFFFFFF  }
0xb3: {  	[dreg:$0x0] =	wrdreg $0x60  }
0xb4: {  	[dreg:$0x2] =	wrdreg s24  }
0xb5: {  	[dreg:$0x3] =	wrdreg s16  }
0xb6: {  	[dreg:$0x4] =	wrdreg $0x0  }
0xb7: {  	[dreg:$0x5] =	wrdreg $0x9  }
0xb8: {  	_ =	task.clear_ibuf [dreg:s7], $0x6FFFF;
	_ =	strace $0x90000046  }
0xb9: {  	s29 =	simm.s32 $0x9;
	_ =	strace $0x80000048  }
0xba: {  	_ =	swait.ge [sflag:s29], $0x1  }
0xbb: {  	[sflag:s29] =	ssyncadd.s32 $0xFFFFFFFF  }
0xbc: {  	_ =	strace $0x90000048  }
0xbd: {  	_ =	sfence  }
0xbe: {  	s30 =	sld [smem:$0x0];
	_ =	sdelay $0x2  }
0xbf: {  	s31 =	sshll.u32 s1, $0xD;
	s1 =	sshrl.u32 s1, $0x2  }
0xc0: {  	s3 =	sand.u32 $0x4000, s31;
	s1 =	sadd.s32 s1, s30  }
0xc1: {  	s0 =	sor.u32 s3, s0;
	s1 =	sshll.u32 s1, $0x11  }
0xc2: {  	s0 =	sor.u32 s1, s0  }
0xc3: {  	s0 =	sadd.s32 $0x8F2B, s0  }
0xc4: {  	[sflag:s0] =	ssyncadd.remote.s32 $0x1  }
0xc5: {  	_ =	sfence.sel $0xFFFF  }
0xc6: {  	[dreg:$0x0] =	wrdreg $0xFFFFFFFF;
	(pc) =	sbr.abs _section_cstart, $3  }
0xc7: {  	[dreg:$0x1] =	wrdreg $0xFFFFFFFF  }
0xc8: {  	_ =	task.clear_ibuf [dreg:s7], $0x2FFFF;
	_ =	strace $0x9FFFFFFF  }
0xc9: {  	(tm) =	ssettm $0x7FFFFFFF  }
tec
execute0_lowered:
.L_overlay_start_1:
0x0: {  	(tag) =	ssettag $0x1  }
0x1: {  	s8 =	rddreg [dreg:$0x0];
	s10 =	stileid.u32  }
0x2: {  	s2 =	rddreg [dreg:$0x2];
	s3 =	simm.s32 $0x0;
	s0 =	smul.u32 $0x1400, s10  }
0x3: {  	s7 =	srdreg.scid;
	[smem:$0x7FF] =	sst s3;
	s25 =	sshll.u32 s10, $0x6  }
0x4: {  	s24 =	sadd.s32 $0x17C00, s8;
	s5 =	sor.u32 $0x1C01, s25;
	s1 =	sshrl.u32 s0, $0x3  }
0x5: {  	s0 =	sadd.s32 s0, s2;
	[dreg:$0x6] =	wrdreg s1;
	s4 =	sadd.s32 s1, s8  }
0x6: {  	_ =	strace $0x80000047;
	s4 =	sadd.s32 $0x17E00, s4;
	[dreg:$0x4] =	wrdreg s24  }
0x7: {  	s6 =	sshrl.u32 s0, $0x3;
	s1 =	sand.u32 $0x1, s7;
	[dreg:$0x5] =	wrdreg s4  }
0x8: {  	s7 =	sshll.u32 s1, $0x4;
	s4 =	simm.s32 $0x1;
	s9 =	rddreg [dreg:$0x5]  }
0x9: {  	[spmem:s6], [sflag:s5] =	dma.local [hbm:s9], $0x280  }
0xa: {  	s7 =	sor.u32 s10, s7;
	_ =	swait.ge [sflag:s4], $0x280  }
0xb: {  	s10 =	smul.u32 $0x580, s7;
	[sflag:s4] =	ssyncset.done $0x0  }
0xc: {  	s7 =	simm.s32 $0x4000;
	s26 =	rddreg [dreg:$0x4];
	[sflag:s4] =	ssyncadd.s32 $0xFFFFFD80  }
0xd: {  	[tilespmem:s7], [sflag:$0x1] =	stream.linear.gather [hbm4b:s26+s3], $0x1000, $0x38;
	[tilespmem:$0x5000] =	vst v63  }
0xe: {  	_ =	swait.ge [sflag:s4], $0x1000  }
0xf: {  	s8 =	sadd.s32 s10, s8;
	[sflag:s4] =	ssyncset.done $0x0  }
0x10: {  	s9 =	simm.s32 $0x1400;
	s8 =	sadd.s32 $0xCC00, s8;
	[sflag:s4] =	ssyncadd.s32 $0xFFFFF000  }
0x11: {  	[tilespmem:s9], [sflag:$0x1] =	stream.linear.gather [hbm4b:s8+s3], $0x2C00, $0x38;
	[tilespmem:$0x5000] =	vst v63  }
0x12: {  	_ =	swait.ge [sflag:s4], $0x2C00  }
0x13: {  	[sflag:s4] =	ssyncset.done $0x0  }
0x14: {  	[sflag:s4] =	ssyncadd.s32 $0xFFFFD400  }
0x15: {  	s10 =	simm.s32 $0x200;
	[bflag:$0x0] =	sbarrier.arrive $0xFFFF  }
0x16: {  	[spmem:s2] =	stream.indirect.scatter.add.f32 [tilespmem:s7], [sflag:$0x1], $0x8, s9, s10, $0xb8;
	[tilespmem:$0x5000] =	vst v63  }
0x17: {  	_ =	swait.ge [sflag:s4], $0x1000  }
0x18: {  	[sflag:s4] =	ssyncset.done $0x0  }
0x19: {  	s11 =	simm.s32 $0x1600;
	[sflag:s4] =	ssyncadd.s32 $0xFFFFF000  }
0x1a: {  	[spmem:s2] =	stream.indirect.scatter.add.f32 [tilespmem:s7], [sflag:$0x1], $0x8, s11, s10, $0xb8;
	[tilespmem:$0x5000] =	vst v63  }
0x1b: {  	_ =	swait.ge [sflag:s4], $0x1000  }
0x1c: {  	[sflag:s4] =	ssyncset.done $0x0  }
0x1d: {  	s12 =	simm.s32 $0x1800;
	[sflag:s4] =	ssyncadd.s32 $0xFFFFF000  }
0x1e: {  	[spmem:s2] =	stream.indirect.scatter.add.f32 [tilespmem:s7], [sflag:$0x1], $0x8, s12, s10, $0xb8;
	[tilespmem:$0x5000] =	vst v63  }
0x1f: {  	_ =	swait.ge [sflag:s4], $0x1000  }
0x20: {  	[sflag:s4] =	ssyncset.done $0x0  }
0x21: {  	s13 =	simm.s32 $0x1A00;
	[sflag:s4] =	ssyncadd.s32 $0xFFFFF000  }
0x22: {  	[spmem:s2] =	stream.indirect.scatter.add.f32 [tilespmem:s7], [sflag:$0x1], $0x8, s13, s10, $0xb8;
	[tilespmem:$0x5000] =	vst v63  }
0x23: {  	_ =	swait.ge [sflag:s4], $0x1000  }
0x24: {  	[sflag:s4] =	ssyncset.done $0x0  }
0x25: {  	s14 =	simm.s32 $0x1C00;
	[sflag:s4] =	ssyncadd.s32 $0xFFFFF000  }
0x26: {  	[spmem:s2] =	stream.indirect.scatter.add.f32 [tilespmem:s7], [sflag:$0x1], $0x8, s14, s10, $0xb8;
	[tilespmem:$0x5000] =	vst v63  }
0x27: {  	_ =	swait.ge [sflag:s4], $0x1000  }
0x28: {  	[sflag:s4] =	ssyncset.done $0x0  }
0x29: {  	s15 =	simm.s32 $0x1E00;
	[sflag:s4] =	ssyncadd.s32 $0xFFFFF000  }
0x2a: {  	[spmem:s2] =	stream.indirect.scatter.add.f32 [tilespmem:s7], [sflag:$0x1], $0x8, s15, s10, $0xb8;
	[tilespmem:$0x5000] =	vst v63  }
0x2b: {  	_ =	swait.ge [sflag:s4], $0x1000  }
0x2c: {  	[sflag:s4] =	ssyncset.done $0x0  }
0x2d: {  	s16 =	simm.s32 $0x2000;
	[sflag:s4] =	ssyncadd.s32 $0xFFFFF000  }
0x2e: {  	[spmem:s2] =	stream.indirect.scatter.add.f32 [tilespmem:s7], [sflag:$0x1], $0x8, s16, s10, $0xb8;
	[tilespmem:$0x5000] =	vst v63  }
0x2f: {  	_ =	swait.ge [sflag:s4], $0x1000  }
0x30: {  	[sflag:s4] =	ssyncset.done $0x0  }
0x31: {  	s17 =	simm.s32 $0x2200;
	[sflag:s4] =	ssyncadd.s32 $0xFFFFF000  }
0x32: {  	[spmem:s2] =	stream.indirect.scatter.add.f32 [tilespmem:s7], [sflag:$0x1], $0x8, s17, s10, $0xb8;
	[tilespmem:$0x5000] =	vst v63  }
0x33: {  	_ =	swait.ge [sflag:s4], $0x1000  }
0x34: {  	[sflag:s4] =	ssyncset.done $0x0  }
0x35: {  	s18 =	simm.s32 $0x2400;
	[sflag:s4] =	ssyncadd.s32 $0xFFFFF000  }
0x36: {  	[spmem:s2] =	stream.indirect.scatter.add.f32 [tilespmem:s7], [sflag:$0x1], $0x8, s18, s10, $0xb8;
	[tilespmem:$0x5000] =	vst v63  }
0x37: {  	_ =	swait.ge [sflag:s4], $0x1000  }
0x38: {  	[sflag:s4] =	ssyncset.done $0x0  }
0x39: {  	s19 =	simm.s32 $0x2600;
	[sflag:s4] =	ssyncadd.s32 $0xFFFFF000  }
0x3a: {  	[spmem:s2] =	stream.indirect.scatter.add.f32 [tilespmem:s7], [sflag:$0x1], $0x8, s19, s10, $0xb8;
	[tilespmem:$0x5000] =	vst v63  }
0x3b: {  	_ =	swait.ge [sflag:s4], $0x1000  }
0x3c: {  	[sflag:s4] =	ssyncset.done $0x0  }
0x3d: {  	s20 =	simm.s32 $0x2800;
	[sflag:s4] =	ssyncadd.s32 $0xFFFFF000  }
0x3e: {  	[spmem:s2] =	stream.indirect.scatter.add.f32 [tilespmem:s7], [sflag:$0x1], $0x8, s20, s10, $0xb8;
	[tilespmem:$0x5000] =	vst v63  }
0x3f: {  	_ =	swait.ge [sflag:s4], $0x1000  }
0x40: {  	[sflag:s4] =	ssyncset.done $0x0  }
0x41: {  	s21 =	simm.s32 $0x2A00;
	[sflag:s4] =	ssyncadd.s32 $0xFFFFF000  }
0x42: {  	[spmem:s2] =	stream.indirect.scatter.add.f32 [tilespmem:s7], [sflag:$0x1], $0x8, s21, s10, $0xb8;
	[tilespmem:$0x5000] =	vst v63  }
0x43: {  	_ =	swait.ge [sflag:s4], $0x1000  }
0x44: {  	[sflag:s4] =	ssyncset.done $0x0  }
0x45: {  	s22 =	simm.s32 $0x2C00;
	[sflag:s4] =	ssyncadd.s32 $0xFFFFF000  }
0x46: {  	[spmem:s2] =	stream.indirect.scatter.add.f32 [tilespmem:s7], [sflag:$0x1], $0x8, s22, s10, $0xb8;
	[tilespmem:$0x5000] =	vst v63  }
0x47: {  	_ =	swait.ge [sflag:s4], $0x1000  }
0x48: {  	[sflag:s4] =	ssyncset.done $0x0  }
0x49: {  	s23 =	simm.s32 $0x2E00;
	[sflag:s4] =	ssyncadd.s32 $0xFFFFF000  }
0x4a: {  	[spmem:s2] =	stream.indirect.scatter.add.f32 [tilespmem:s7], [sflag:$0x1], $0x8, s23, s10, $0xb8;
	[tilespmem:$0x5000] =	vst v63  }
0x4b: {  	_ =	swait.ge [sflag:s4], $0x1000  }
0x4c: {  	[sflag:s4] =	ssyncset.done $0x0  }
0x4d: {  	s24 =	simm.s32 $0x3000;
	[sflag:s4] =	ssyncadd.s32 $0xFFFFF000  }
0x4e: {  	[spmem:s2] =	stream.indirect.scatter.add.f32 [tilespmem:s7], [sflag:$0x1], $0x8, s24, s10, $0xb8;
	[tilespmem:$0x5000] =	vst v63  }
0x4f: {  	_ =	swait.ge [sflag:s4], $0x1000  }
0x50: {  	[sflag:s4] =	ssyncset.done $0x0  }
0x51: {  	s25 =	simm.s32 $0x3200;
	[sflag:s4] =	ssyncadd.s32 $0xFFFFF000  }
0x52: {  	[spmem:s2] =	stream.indirect.scatter.add.f32 [tilespmem:s7], [sflag:$0x1], $0x8, s25, s10, $0xb8;
	[tilespmem:$0x5000] =	vst v63  }
0x53: {  	_ =	swait.ge [sflag:s4], $0x1000  }
0x54: {  	[sflag:s4] =	ssyncset.done $0x0  }
0x55: {  	s26 =	simm.s32 $0x3400;
	[sflag:s4] =	ssyncadd.s32 $0xFFFFF000  }
0x56: {  	[spmem:s2] =	stream.indirect.scatter.add.f32 [tilespmem:s7], [sflag:$0x1], $0x8, s26, s10, $0xb8;
	[tilespmem:$0x5000] =	vst v63  }
0x57: {  	_ =	swait.ge [sflag:s4], $0x1000  }
0x58: {  	[sflag:s4] =	ssyncset.done $0x0  }
0x59: {  	s28 =	simm.s32 $0x3600;
	[sflag:s4] =	ssyncadd.s32 $0xFFFFF000  }
0x5a: {  	[spmem:s2] =	stream.indirect.scatter.add.f32 [tilespmem:s7], [sflag:$0x1], $0x8, s28, s10, $0xb8;
	[tilespmem:$0x5000] =	vst v63  }
0x5b: {  	_ =	swait.ge [sflag:s4], $0x1000  }
0x5c: {  	[sflag:s4] =	ssyncset.done $0x0  }
0x5d: {  	s29 =	simm.s32 $0x3800;
	[sflag:s4] =	ssyncadd.s32 $0xFFFFF000  }
0x5e: {  	[spmem:s2] =	stream.indirect.scatter.add.f32 [tilespmem:s7], [sflag:$0x1], $0x8, s29, s10, $0xb8;
	[tilespmem:$0x5000] =	vst v63  }
0x5f: {  	s0 =	ssub.s32 $0x2, s1;
	_ =	swait.ge [sflag:s4], $0x1000  }
0x60: {  	s31 =	sshrl.u32 s0, $0x1;
	[sflag:s4] =	ssyncset.done $0x0  }
0x61: {  	s30 =	simm.s32 $0x3A00;
	s0 =	ssub.s32 s0, s31;
	[sflag:s4] =	ssyncadd.s32 $0xFFFFF000  }
0x62: {  	[spmem:s2] =	stream.indirect.scatter.add.f32 [tilespmem:s7], [sflag:$0x1], $0x8, s30, s10, $0xb8;
	[tilespmem:$0x5000] =	vst v63  }
0x63: {  	s0 =	smax.u32 s0, $0x1;
	_ =	swait.ge [sflag:s4], $0x1000  }
0x64: {  	s1 =	smul.u32 $0x2800, s1;
	p0 =	sne.s32 s0, $0x1;
	[sflag:s4] =	ssyncset.done $0x0  }
.Ltmp0:
0x65: {  	s31 =	rddreg [dreg:$0x1];
	(pc) =	sbr.rel @!p0 .LBB2_2-.Ltmp0, $4  }
0x66: {  	[sflag:s4] =	ssyncadd.s32 $0xFFFFF000;
	s1 =	sadd.s32 s31, s1;
	s31 =	rddreg [dreg:$0x6]  }
0x67: {  	[bflag:$0x0] =	sbarrier.arrive $0xFFFF;
	s31 =	sadd.s32 s31, s1  }
0x68: {  	[hbm:s31], [sflag:s5] =	dma.local [spmem:s6], $0x280  }
0x69: {  	s1 =	sadd.s32 $0xFFFFFFFF, s0;
	_ =	swait.ge [sflag:s4], $0x280  }
.LBB2_1:
0x6a: {  	[sflag:s4] =	ssyncset.done $0x0  }
0x6b: {  	s0 =	rddreg [dreg:$0x5];
	[sflag:s4] =	ssyncadd.s32 $0xFFFFFD80  }
0x6c: {  	[spmem:s6], [sflag:s5] =	dma.local [hbm:s0], $0x280  }
0x6d: {  	_ =	swait.ge [sflag:s4], $0x280  }
0x6e: {  	[sflag:s4] =	ssyncset.done $0x0  }
0x6f: {  	s0 =	rddreg [dreg:$0x4];
	[sflag:s4] =	ssyncadd.s32 $0xFFFFFD80  }
0x70: {  	[tilespmem:s7], [sflag:$0x1] =	stream.linear.gather [hbm4b:s0+s3], $0x1000, $0x38;
	[tilespmem:$0x5000] =	vst v63  }
0x71: {  	_ =	swait.ge [sflag:s4], $0x1000  }
0x72: {  	[sflag:s4] =	ssyncset.done $0x0  }
0x73: {  	[sflag:s4] =	ssyncadd.s32 $0xFFFFF000  }
0x74: {  	[tilespmem:s9], [sflag:$0x1] =	stream.linear.gather [hbm4b:s8+s3], $0x2C00, $0x38;
	[tilespmem:$0x5000] =	vst v63  }
0x75: {  	_ =	swait.ge [sflag:s4], $0x2C00  }
0x76: {  	[sflag:s4] =	ssyncset.done $0x0  }
0x77: {  	[sflag:s4] =	ssyncadd.s32 $0xFFFFD400  }
0x78: {  	[bflag:$0x0] =	sbarrier.arrive $0xFFFF  }
0x79: {  	[spmem:s2] =	stream.indirect.scatter.add.f32 [tilespmem:s7], [sflag:$0x1], $0x8, s9, s10, $0xb8;
	[tilespmem:$0x5000] =	vst v63  }
0x7a: {  	_ =	swait.ge [sflag:s4], $0x1000  }
0x7b: {  	[sflag:s4] =	ssyncset.done $0x0  }
0x7c: {  	[sflag:s4] =	ssyncadd.s32 $0xFFFFF000  }
0x7d: {  	[spmem:s2] =	stream.indirect.scatter.add.f32 [tilespmem:s7], [sflag:$0x1], $0x8, s11, s10, $0xb8;
	[tilespmem:$0x5000] =	vst v63  }
0x7e: {  	_ =	swait.ge [sflag:s4], $0x1000  }
0x7f: {  	[sflag:s4] =	ssyncset.done $0x0  }
0x80: {  	[sflag:s4] =	ssyncadd.s32 $0xFFFFF000  }
0x81: {  	[spmem:s2] =	stream.indirect.scatter.add.f32 [tilespmem:s7], [sflag:$0x1], $0x8, s12, s10, $0xb8;
	[tilespmem:$0x5000] =	vst v63  }
0x82: {  	_ =	swait.ge [sflag:s4], $0x1000  }
0x83: {  	[sflag:s4] =	ssyncset.done $0x0  }
0x84: {  	[sflag:s4] =	ssyncadd.s32 $0xFFFFF000  }
0x85: {  	[spmem:s2] =	stream.indirect.scatter.add.f32 [tilespmem:s7], [sflag:$0x1], $0x8, s13, s10, $0xb8;
	[tilespmem:$0x5000] =	vst v63  }
0x86: {  	_ =	swait.ge [sflag:s4], $0x1000  }
0x87: {  	[sflag:s4] =	ssyncset.done $0x0  }
0x88: {  	[sflag:s4] =	ssyncadd.s32 $0xFFFFF000  }
0x89: {  	[spmem:s2] =	stream.indirect.scatter.add.f32 [tilespmem:s7], [sflag:$0x1], $0x8, s14, s10, $0xb8;
	[tilespmem:$0x5000] =	vst v63  }
0x8a: {  	_ =	swait.ge [sflag:s4], $0x1000  }
0x8b: {  	[sflag:s4] =	ssyncset.done $0x0  }
0x8c: {  	[sflag:s4] =	ssyncadd.s32 $0xFFFFF000  }
0x8d: {  	[spmem:s2] =	stream.indirect.scatter.add.f32 [tilespmem:s7], [sflag:$0x1], $0x8, s15, s10, $0xb8;
	[tilespmem:$0x5000] =	vst v63  }
0x8e: {  	_ =	swait.ge [sflag:s4], $0x1000  }
0x8f: {  	[sflag:s4] =	ssyncset.done $0x0  }
0x90: {  	[sflag:s4] =	ssyncadd.s32 $0xFFFFF000  }
0x91: {  	[spmem:s2] =	stream.indirect.scatter.add.f32 [tilespmem:s7], [sflag:$0x1], $0x8, s16, s10, $0xb8;
	[tilespmem:$0x5000] =	vst v63  }
0x92: {  	_ =	swait.ge [sflag:s4], $0x1000  }
0x93: {  	[sflag:s4] =	ssyncset.done $0x0  }
0x94: {  	[sflag:s4] =	ssyncadd.s32 $0xFFFFF000  }
0x95: {  	[spmem:s2] =	stream.indirect.scatter.add.f32 [tilespmem:s7], [sflag:$0x1], $0x8, s17, s10, $0xb8;
	[tilespmem:$0x5000] =	vst v63  }
0x96: {  	_ =	swait.ge [sflag:s4], $0x1000  }
0x97: {  	[sflag:s4] =	ssyncset.done $0x0  }
0x98: {  	[sflag:s4] =	ssyncadd.s32 $0xFFFFF000  }
0x99: {  	[spmem:s2] =	stream.indirect.scatter.add.f32 [tilespmem:s7], [sflag:$0x1], $0x8, s18, s10, $0xb8;
	[tilespmem:$0x5000] =	vst v63  }
0x9a: {  	_ =	swait.ge [sflag:s4], $0x1000  }
0x9b: {  	[sflag:s4] =	ssyncset.done $0x0  }
0x9c: {  	[sflag:s4] =	ssyncadd.s32 $0xFFFFF000  }
0x9d: {  	[spmem:s2] =	stream.indirect.scatter.add.f32 [tilespmem:s7], [sflag:$0x1], $0x8, s19, s10, $0xb8;
	[tilespmem:$0x5000] =	vst v63  }
0x9e: {  	_ =	swait.ge [sflag:s4], $0x1000  }
0x9f: {  	[sflag:s4] =	ssyncset.done $0x0  }
0xa0: {  	[sflag:s4] =	ssyncadd.s32 $0xFFFFF000  }
0xa1: {  	[spmem:s2] =	stream.indirect.scatter.add.f32 [tilespmem:s7], [sflag:$0x1], $0x8, s20, s10, $0xb8;
	[tilespmem:$0x5000] =	vst v63  }
0xa2: {  	_ =	swait.ge [sflag:s4], $0x1000  }
0xa3: {  	[sflag:s4] =	ssyncset.done $0x0  }
0xa4: {  	[sflag:s4] =	ssyncadd.s32 $0xFFFFF000  }
0xa5: {  	[spmem:s2] =	stream.indirect.scatter.add.f32 [tilespmem:s7], [sflag:$0x1], $0x8, s21, s10, $0xb8;
	[tilespmem:$0x5000] =	vst v63  }
0xa6: {  	_ =	swait.ge [sflag:s4], $0x1000  }
0xa7: {  	[sflag:s4] =	ssyncset.done $0x0  }
0xa8: {  	[sflag:s4] =	ssyncadd.s32 $0xFFFFF000  }
0xa9: {  	[spmem:s2] =	stream.indirect.scatter.add.f32 [tilespmem:s7], [sflag:$0x1], $0x8, s22, s10, $0xb8;
	[tilespmem:$0x5000] =	vst v63  }
0xaa: {  	_ =	swait.ge [sflag:s4], $0x1000  }
0xab: {  	[sflag:s4] =	ssyncset.done $0x0  }
0xac: {  	[sflag:s4] =	ssyncadd.s32 $0xFFFFF000  }
0xad: {  	[spmem:s2] =	stream.indirect.scatter.add.f32 [tilespmem:s7], [sflag:$0x1], $0x8, s23, s10, $0xb8;
	[tilespmem:$0x5000] =	vst v63  }
0xae: {  	_ =	swait.ge [sflag:s4], $0x1000  }
0xaf: {  	[sflag:s4] =	ssyncset.done $0x0  }
0xb0: {  	[sflag:s4] =	ssyncadd.s32 $0xFFFFF000  }
0xb1: {  	[spmem:s2] =	stream.indirect.scatter.add.f32 [tilespmem:s7], [sflag:$0x1], $0x8, s24, s10, $0xb8;
	[tilespmem:$0x5000] =	vst v63  }
0xb2: {  	_ =	swait.ge [sflag:s4], $0x1000  }
0xb3: {  	[sflag:s4] =	ssyncset.done $0x0  }
0xb4: {  	[sflag:s4] =	ssyncadd.s32 $0xFFFFF000  }
0xb5: {  	[spmem:s2] =	stream.indirect.scatter.add.f32 [tilespmem:s7], [sflag:$0x1], $0x8, s25, s10, $0xb8;
	[tilespmem:$0x5000] =	vst v63  }
0xb6: {  	_ =	swait.ge [sflag:s4], $0x1000  }
0xb7: {  	[sflag:s4] =	ssyncset.done $0x0  }
0xb8: {  	[sflag:s4] =	ssyncadd.s32 $0xFFFFF000  }
0xb9: {  	[spmem:s2] =	stream.indirect.scatter.add.f32 [tilespmem:s7], [sflag:$0x1], $0x8, s26, s10, $0xb8;
	[tilespmem:$0x5000] =	vst v63  }
0xba: {  	_ =	swait.ge [sflag:s4], $0x1000  }
0xbb: {  	[sflag:s4] =	ssyncset.done $0x0  }
0xbc: {  	[sflag:s4] =	ssyncadd.s32 $0xFFFFF000  }
0xbd: {  	[spmem:s2] =	stream.indirect.scatter.add.f32 [tilespmem:s7], [sflag:$0x1], $0x8, s28, s10, $0xb8;
	[tilespmem:$0x5000] =	vst v63  }
0xbe: {  	_ =	swait.ge [sflag:s4], $0x1000  }
0xbf: {  	[sflag:s4] =	ssyncset.done $0x0  }
0xc0: {  	[sflag:s4] =	ssyncadd.s32 $0xFFFFF000  }
0xc1: {  	[spmem:s2] =	stream.indirect.scatter.add.f32 [tilespmem:s7], [sflag:$0x1], $0x8, s29, s10, $0xb8;
	[tilespmem:$0x5000] =	vst v63  }
0xc2: {  	_ =	swait.ge [sflag:s4], $0x1000  }
0xc3: {  	[sflag:s4] =	ssyncset.done $0x0  }
0xc4: {  	[sflag:s4] =	ssyncadd.s32 $0xFFFFF000  }
0xc5: {  	[spmem:s2] =	stream.indirect.scatter.add.f32 [tilespmem:s7], [sflag:$0x1], $0x8, s30, s10, $0xb8;
	[tilespmem:$0x5000] =	vst v63  }
0xc6: {  	p0 =	sne.s32 s1, $0x1;
	_ =	swait.ge [sflag:s4], $0x1000  }
.Ltmp1:
0xc7: {  	[sflag:s4] =	ssyncset.done $0x0;
	(pc) =	sbr.rel @p0 .LBB2_1-.Ltmp1, $4  }
0xc8: {  	[sflag:s4] =	ssyncadd.s32 $0xFFFFF000  }
0xc9: {  	[bflag:$0x0] =	sbarrier.arrive $0xFFFF  }
0xca: {  	[hbm:s31], [sflag:s5] =	dma.local [spmem:s6], $0x280  }
0xcb: {  	s1 =	sadd.s32 $0xFFFFFFFF, s1;
	_ =	swait.ge [sflag:s4], $0x280  }
.LBB2_2:
0xcc: {  	[sflag:s4] =	ssyncset.done $0x0  }
0xcd: {  	[sflag:s4] =	ssyncadd.s32 $0xFFFFFD80  }
0xce: {  	_ =	sfence.sel $0x180000  }
0xcf: {  	[bflag:$0x0] =	sbarrier.arrive $0xFFFF  }
0xd0: {  	_ =	strace $0x90000047  }
0xd1: {  	s0 =	stileid.u32;
	[bflag:$0x2] =	sbarrier.arrive $0xFFFF  }
0xd2: {  	p0 =	sne.s32 s0, $0x0;
	s0 =	rddreg [dreg:$0x3]  }
0xd3: {  	s0 =	sadd.s32 @!p0 $0x100000, s0  }
0xd4: {  	[sflag:s0] =	ssyncadd.tile.s32 @!p0 $0x1;
	_ =	shalt  }
.Lfunc_end2:
_tile_overlayer_lowered:
.L_overlay_start_2:
0xd5: {  	(tag) =	ssettag $0x2  }
0xd6: {  	s0 =	rddreg [dreg:$0x0];
	s2 =	stileid.u32  }
0xd7: {  	s1 =	rddreg [dreg:$0x1];
	p0 =	sne.s32 s2, $0x0  }
0xd8: {  	s3 =	rddreg [dreg:$0x2];
	[bflag:$0x3] =	sbarrier.arrive $0xFFFF;
	s2 =	simm.s32 @!p0 $0x1C01  }
0xd9: {  	[timem:s3], [sflag:s2] =	dma.local @!p0 [hbm:s0], s1  }
0xda: {  	s0 =	simm.s32 @!p0 $0x1  }
0xdb: {  	_ =	swait.ge @!p0 [sflag:s0], s1  }
0xdc: {  	s1 =	ssub.s32 @!p0 $0x0, s1;
	[sflag:s0] =	ssyncset.done @!p0 $0x0  }
0xdd: {  	[sflag:s0] =	ssyncadd.s32 @!p0 s1  }
0xde: {  	[bflag:$0x3] =	sbarrier.arrive $0xFFFF  }
0xdf: {  	_ =	shalt  }

// kernel: kernel.13.cloned.1.call-start
scs
__scs_entry_jumppad:
0x0: {  	(pc) =	sbr.rel $0x88, $3  }
0x1: {  	(tag) =	ssettag $0x0;
	lr =	simm.s32 $0x1  }
0x2: {  	[smem:$0x3F9A] =	sst lr;
	_ =	strace $0xD0000000  }
0x3: {  	_ = 	snop  }
0x4: {  	_ = 	snop  }
0x5: {  	_ = 	snop  }
0x6: {  	_ = 	snop  }
0x7: {  	_ = 	snop  }
__scs_overlays_trampoline_lowered:
0x8: {  	[smem:$0x3FA9] =	sst s0  }
0x9: {  	[smem:$0x3FAA] =	sst s1  }
0xa: {  	[smem:$0x3FAB] =	sst s2  }
0xb: {  	[smem:$0x3FAC] =	sst s3  }
0xc: {  	[smem:$0x3FAD] =	sst s4  }
0xd: {  	[smem:$0x3FAE] =	sst s5  }
0xe: {  	[smem:$0x3FAF] =	sst s6  }
0xf: {  	[smem:$0x3FB0] =	sst s7  }
0x10: {  	[smem:$0x3FB1] =	sst s8  }
0x11: {  	[smem:$0x3FB2] =	sst s9;
	s0 =	simm.s32 @!p0 $0x0  }
0x12: {  	s1 =	sld [smem:$0x3F98];
	s0 =	simm.s32 @p0 $0x1  }
0x13: {  	[smem:$0x3FB3] =	sst s0;
	s0 =	simm.s32 @!p1 $0x0  }
0x14: {  	s2 =	sld [smem:$0x3F97];
	s0 =	simm.s32 @p1 $0x1  }
0x15: {  	[smem:$0x3FB4] =	sst s0;
	s0 =	simm.s32 @!p2 $0x0  }
0x16: {  	s3 =	sld [smem:$0x3FDB];
	s0 =	simm.s32 @p2 $0x1  }
0x17: {  	s4 =	simm.s32 $0x1BF5;
	[smem:$0x3FB6] =	sst s0  }
0x18: {  	s0 =	sld [smem:$0x3F99];
	_ =	swait.ge [sflag:s4], $0x0  }
0x19: {  	s7 =	sld [smem:$0x3F9A]  }
0x1a: {  	s8 =	sadd.s32 $0xFFFFE003, lr  }
0x1b: {  	s9 =	sadd.s32 $0xFFFFFEF7, lr;
	s5 =	simm.s32 $0xFFFFFFFF;
	p2 =	slt.u32 s8, $0xFFFFF086  }
0x1c: {  	p1 =	slt.u32 s9, $0xF7A;
	s5 =	simm.s32 @!p2 $0x0  }
0x1d: {  	s5 =	simm.s32 @p1 $0x1;
	p0 =	seq.s32 s7, s2  }
0x1e: {  	s7 =	smul.u32 @!p0 $0xF7A, s2;
	p2 =	seq.s32 @!p0 s5, $0x0  }
0x1f: {  	s9 =	smul.u32 $0xF7A, s1;
	s8 =	simm.s32 @!p0 $0x1BF5;
	p2 =	por !p2, p0  }
0x20: {  	[sflag:s8] =	ssyncset.s32 @!p0 $0xFFFFF086;
	s6 =	sadd.s32 @!p0 s3, s7;
	s7 =	simm.s32 @!p0 $0x108  }
0x21: {  	s3 =	sadd.s32 s3, s9;
	s6 =	sadd.s32 @!p0 $0x88, s6;
	s7 =	simm.s32 @p2 $0x1082  }
0x22: {  	[simem:s7], [sflag:s8] =	dma.local @!p0 [hbm:s6], $0xF7A  }
0x23: {  	s9 =	sor.u32 $0xD0000000, s2;
	s6 =	simm.s32 $0x108;
	_ =	swait.ge @!p0 [sflag:s8], $0x0  }
0x24: {  	s3 =	sadd.s32 $0x88, s3;
	s6 =	simm.s32 @!p1 $0x1082;
	[sflag:s4] =	ssyncset.s32 $0xFFFFF086  }
0x25: {  	[simem:s6], [sflag:s4] =	dma.local [hbm:s3], $0xF7A  }
0x26: {  	[smem:$0x3F9A] =	sst s1;
	(tag) =	ssettag s2;
	_ =	strace s9  }
0x27: {  	s1 =	sld [smem:$0x3FAA]  }
0x28: {  	s2 =	sld [smem:$0x3FAB]  }
0x29: {  	s4 =	sld [smem:$0x3FAD]  }
0x2a: {  	p0 =	seq.s32 s5, $0x0;
	s5 =	sld [smem:$0x3FAE]  }
0x2b: {  	s6 =	sld [smem:$0x3FAF]  }
0x2c: {  	s7 =	sld [smem:$0x3FB0]  }
0x2d: {  	s3 =	simm.s32 $0x108;
	s8 =	sld [smem:$0x3FB1]  }
0x2e: {  	s3 =	simm.s32 @!p0 $0x1082;
	s9 =	sld [smem:$0x3FB2]  }
0x2f: {  	lr =	sadd.s32 s0, s3;
	s0 =	sld [smem:$0x3FA9]  }
0x30: {  	s3 =	sld [smem:$0x3FAC]  }
0x31: {  	[smem:$0x3FB5] =	sst s10  }
0x32: {  	s10 =	sld [smem:$0x3FB3];
	_ =	sdelay $0x3  }
0x33: {  	p0 =	seq.s32 s10, $0x1;
	s10 =	sld [smem:$0x3FB5];
	_ =	sdelay $0x3  }
0x34: {  	[smem:$0x3FB5] =	sst s10  }
0x35: {  	s10 =	sld [smem:$0x3FB4];
	_ =	sdelay $0x3  }
0x36: {  	p1 =	seq.s32 s10, $0x1;
	s10 =	sld [smem:$0x3FB5];
	_ =	sdelay $0x3  }
0x37: {  	[smem:$0x3FB5] =	sst s10  }
0x38: {  	s10 =	sld [smem:$0x3FB6]  }
0x39: {  	_ = 	snop;
	(pc) =	sbr.ind lr, $3  }
0x3a: {  	_ = 	snop  }
0x3b: {  	_ = 	snop  }
0x3c: {  	p2 =	seq.s32 s10, $0x1;
	s10 =	sld [smem:$0x3FB5]  }
0x3d: {  	_ =	shalt  }
0x3e: {  	_ =	shalt  }
0x3f: {  	_ =	shalt  }
0x40: {  	_ =	shalt  }
0x41: {  	_ =	shalt  }
0x42: {  	_ =	shalt  }
0x43: {  	_ =	shalt  }
0x44: {  	_ =	shalt  }
0x45: {  	_ =	shalt  }
0x46: {  	_ =	shalt  }
0x47: {  	_ =	shalt  }
0x48: {  	_ =	shalt  }
0x49: {  	_ =	shalt  }
0x4a: {  	_ =	shalt  }
0x4b: {  	_ =	shalt  }
0x4c: {  	_ =	shalt  }
0x4d: {  	_ =	shalt  }
0x4e: {  	_ =	shalt  }
0x4f: {  	_ =	shalt  }
0x50: {  	_ =	shalt  }
0x51: {  	_ =	shalt  }
0x52: {  	_ =	shalt  }
0x53: {  	_ =	shalt  }
0x54: {  	_ =	shalt  }
0x55: {  	_ =	shalt  }
0x56: {  	_ =	shalt  }
0x57: {  	_ =	shalt  }
0x58: {  	_ =	shalt  }
0x59: {  	_ =	shalt  }
0x5a: {  	_ =	shalt  }
0x5b: {  	_ =	shalt  }
0x5c: {  	_ =	shalt  }
0x5d: {  	_ =	shalt  }
0x5e: {  	_ =	shalt  }
0x5f: {  	_ =	shalt  }
0x60: {  	_ =	shalt  }
0x61: {  	_ =	shalt  }
0x62: {  	_ =	shalt  }
0x63: {  	_ =	shalt  }
0x64: {  	_ =	shalt  }
0x65: {  	_ =	shalt  }
0x66: {  	_ =	shalt  }
0x67: {  	_ =	shalt  }
0x68: {  	_ =	shalt  }
0x69: {  	_ =	shalt  }
0x6a: {  	_ =	shalt  }
0x6b: {  	_ =	shalt  }
0x6c: {  	_ =	shalt  }
0x6d: {  	_ =	shalt  }
0x6e: {  	_ =	shalt  }
0x6f: {  	_ =	shalt  }
0x70: {  	_ =	shalt  }
0x71: {  	_ =	shalt  }
0x72: {  	_ =	shalt  }
0x73: {  	_ =	shalt  }
0x74: {  	_ =	shalt  }
0x75: {  	_ =	shalt  }
0x76: {  	_ =	shalt  }
0x77: {  	_ =	shalt  }
0x78: {  	_ =	shalt  }
0x79: {  	_ =	shalt  }
0x7a: {  	_ =	shalt  }
0x7b: {  	_ =	shalt  }
0x7c: {  	_ =	shalt  }
0x7d: {  	_ =	shalt  }
0x7e: {  	_ =	shalt  }
0x7f: {  	_ =	shalt  }
0x80: {  	_ =	shalt  }
0x81: {  	_ =	shalt  }
0x82: {  	_ =	shalt  }
0x83: {  	_ =	shalt  }
0x84: {  	_ =	shalt  }
0x85: {  	_ =	shalt  }
0x86: {  	_ =	shalt  }
0x87: {  	_ =	shalt  }
.Lfunc_end0:
.L_simem_size_0:
called_computation.1_lowered:
.L_overlay_start_0:
0x88: {  	s2 =	sld [smem:$0x3FD9]  }
0x89: {  	s3 =	sld [smem:$0x3FFE];
	_ =	sdelay $0x1  }
0x8a: {  	s1 =	srdreg.scid  }
0x8b: {  	s0 =	sand.u32 $0x1, s1  }
0x8c: {  	s14 =	sshll.u32 s0, $0xA;
	s2 =	sadd.s32 s3, s2  }
0x8d: {  	s2 =	sadd.s32 s2, s14  }
0x8e: {  	[smem:$0x3FC1] =	sst s2  }
0x8f: {  	_ = 	snop  }
0x90: {  	s2 =	sld [smem:$0x3FD0];
	_ =	sdelay $0x2  }
0x91: {  	s15 =	simm.s32 $0xA;
	s4 =	simm.s32 $0x10  }
0x92: {  	[smem:s4], [sflag:s15] =	dma.local [hbm:s2], $0x1  }
0x93: {  	_ =	swait.eq [sflag:s15], $0x1  }
0x94: {  	[sflag:s15] =	ssyncset.done $0x0  }
0x95: {  	[sflag:s15] =	ssyncadd.s32 $0xFFFFFFFF  }
0x96: {  	s16 =	sld [smem:$0x10];
	(tm) =	ssettm $0x1  }
0x97: {  	s17 =	sld [smem:$0x3FFB];
	_ =	sdelay $0x3  }
0x98: {  	_ =	strace s17  }
0x99: {  	s3 =	sld [smem:$0x3FFC];
	_ =	sdelay $0x3  }
0x9a: {  	_ =	strace s3  }
0x9b: {  	s3 =	sld [smem:$0x3FFD];
	_ =	sdelay $0x3  }
0x9c: {  	_ =	strace s3  }
0x9d: {  	_ =	strace $0x8FFFFFFF  }
0x9e: {  	s18 =	sld [smem:$0x3FDB];
	_ =	sdelay $0x1  }
0x9f: {  	s19 =	simm.s32 $_scs_section_size  }
0xa0: {  	s5 =	simm.s32 $_size__tile_overlayer_lowered;
	s6 =	simm.s32 $_tile_overlayer_lowered  }
0xa1: {  	s22 =	simm.s32 $0x1BFF;
	s21 =	sshll.u32 s6, $0x1;
	s3 =	sadd.s32 s19, s18  }
0xa2: {  	s7 =	simm.s32 $0x0;
	s20 =	sshll.u32 s5, $0x1;
	s5 =	sadd.s32 s21, s3  }
0xa3: {  	[timem:s7], [sflag:s22] =	dma.local [hbm:s5], s20  }
0xa4: {  	_ =	swait.ge [sflag:s22], s20  }
0xa5: {  	s4 =	ssub.s32 $0x0, s20;
	[sflag:s22] =	ssyncset.done $0x0  }
0xa6: {  	[sflag:s22] =	ssyncadd.s32 s4;
	_ =	sdelay $0x1  }
0xa7: {  	s23 =	simm.s32 $0x1B8B  }
0xa8: {  	_ =	swait.ge [sflag:s23], $0x1  }
0xa9: {  	[sflag:s23] =	ssyncset.done $0x0  }
0xaa: {  	s25 =	simm.s32 $0x1B8E;
	s24 =	sld [smem:$0x3FFE];
	[sflag:s23] =	ssyncadd.s32 $0xFFFFFFFF  }
0xab: {  	s26 =	simm.s32 $execute0_lowered;
	[smem:$0x3FD2] =	sst s25  }
0xac: {  	s5 =	sshll.u32 s26, $0x1;
	_ =	strace $0x80000049;
	[dreg:$0x1] =	wrdreg $0xFFFFFFFF  }
0xad: {  	s28 =	simm.s32 $_size_execute0_lowered;
	s3 =	sadd.s32 s3, s5;
	[dreg:$0x0] =	wrdreg $0x0  }
0xae: {  	s5 =	sshll.u32 s28, $0x1;
	[dreg:$0x2] =	wrdreg s3  }
0xaf: {  	[dreg:$0x3] =	wrdreg s5  }
0xb0: {  	[dreg:$0x4] =	wrdreg $0xC0  }
0xb1: {  	_ =	task [dreg:s7], $0x5FFFF  }
0xb2: {  	[dreg:$0x1] =	wrdreg $0xFFFFFFFF  }
0xb3: {  	[dreg:$0x0] =	wrdreg $0x60  }
0xb4: {  	[dreg:$0x2] =	wrdreg s16  }
0xb5: {  	[dreg:$0x3] =	wrdreg s24  }
0xb6: {  	[dreg:$0x4] =	wrdreg $0x0  }
0xb7: {  	[dreg:$0x5] =	wrdreg $0x9  }
0xb8: {  	_ =	task.clear_ibuf [dreg:s7], $0x6FFFF;
	_ =	strace $0x90000049  }
0xb9: {  	s29 =	simm.s32 $0x9;
	_ =	strace $0x8000004B  }
0xba: {  	_ =	swait.ge [sflag:s29], $0x1  }
0xbb: {  	[sflag:s29] =	ssyncadd.s32 $0xFFFFFFFF  }
0xbc: {  	_ =	strace $0x9000004B  }
0xbd: {  	_ =	sfence  }
0xbe: {  	s30 =	sld [smem:$0x0];
	_ =	sdelay $0x2  }
0xbf: {  	s31 =	sshll.u32 s1, $0xD;
	s1 =	sshrl.u32 s1, $0x2  }
0xc0: {  	s3 =	sand.u32 $0x4000, s31;
	s1 =	sadd.s32 s1, s30  }
0xc1: {  	s0 =	sor.u32 s3, s0;
	s1 =	sshll.u32 s1, $0x11  }
0xc2: {  	s0 =	sor.u32 s1, s0  }
0xc3: {  	s0 =	sadd.s32 $0x8F2B, s0  }
0xc4: {  	[sflag:s0] =	ssyncadd.remote.s32 $0x1  }
0xc5: {  	_ =	sfence.sel $0xFFFF  }
0xc6: {  	[dreg:$0x0] =	wrdreg $0xFFFFFFFF;
	(pc) =	sbr.abs _section_cstart, $3  }
0xc7: {  	[dreg:$0x1] =	wrdreg $0xFFFFFFFF  }
0xc8: {  	_ =	task.clear_ibuf [dreg:s7], $0x2FFFF;
	_ =	strace $0x9FFFFFFF  }
0xc9: {  	(tm) =	ssettm $0x7FFFFFFF  }
tec
execute0_lowered:
.L_overlay_start_1:
0x0: {  	(tag) =	ssettag $0x1  }
0x1: {  	s2 =	rddreg [dreg:$0x0]  }
0x2: {  	s4 =	rddreg [dreg:$0x1]  }
0x3: {  	s3 =	rddreg [dreg:$0x2];
	s29 =	simm.s32 $0x0  }
0x4: {  	s20 =	simm.s32 $0xA200;
	[smem:$0x7FF] =	sst s29  }
0x5: {  	s21 =	simm.s32 $0xA400;
	_ =	strace $0x8000004A;
	[dreg:$0x7] =	wrdreg s20  }
0x6: {  	s22 =	simm.s32 $0xCE00;
	[dreg:$0x8] =	wrdreg s21  }
0x7: {  	s0 =	srdreg.scid;
	s23 =	simm.s32 $0xA600;
	[dreg:$0x9] =	wrdreg s22  }
0x8: {  	s8 =	stileid.u32;
	s25 =	simm.s32 $0xD000;
	[dreg:$0xa] =	wrdreg s23  }
0x9: {  	s26 =	simm.s32 $0xA800;
	s9 =	simm.s32 $0xD200;
	[dreg:$0xb] =	wrdreg s25  }
0xa: {  	s10 =	simm.s32 $0xAA00;
	s12 =	simm.s32 $0xD400;
	[dreg:$0xc] =	wrdreg s26  }
0xb: {  	s13 =	simm.s32 $0xAC00;
	s14 =	simm.s32 $0xD600;
	[dreg:$0xd] =	wrdreg s9  }
0xc: {  	s16 =	simm.s32 $0xAE00;
	s17 =	simm.s32 $0xD800;
	[dreg:$0xe] =	wrdreg s10  }
0xd: {  	s18 =	simm.s32 $0xB000;
	s31 =	simm.s32 $0xA000;
	[dreg:$0xf] =	wrdreg s12  }
0xe: {  	s30 =	simm.s32 $0xCC00;
	s28 =	simm.s32 $0xE400;
	[dreg:$0x10] =	wrdreg s13  }
0xf: {  	p0 =	por $0x0, $0x0;
	s0 =	sand.u32 $0x1, s0;
	[dreg:$0x11] =	wrdreg s14  }
0x10: {  	s5 =	smul.u32 $0xA000, s8;
	s15 =	sshll.u32 s8, $0x6;
	[dreg:$0x12] =	wrdreg s16  }
0x11: {  	s1 =	sshll.u32 s0, $0x4;
	s24 =	smul.u32 $0x14000, s0;
	[dreg:$0x13] =	wrdreg s17  }
0x12: {  	s0 =	ssub.s32 $0x2, s0;
	[dreg:$0x14] =	wrdreg s18;
	s20 =	simm.s32 $0xB200  }
0x13: {  	s21 =	simm.s32 $0xDC00;
	s22 =	simm.s32 $0xB400;
	s23 =	simm.s32 $0xDE00  }
0x14: {  	s10 =	simm.s32 $0xF800;
	s25 =	simm.s32 $0xE000;
	[dreg:$0x16] =	wrdreg s20  }
0x15: {  	s9 =	simm.s32 $0x17800;
	s13 =	simm.s32 $0xE200;
	[dreg:$0x17] =	wrdreg s21  }
0x16: {  	s26 =	simm.s32 $0xBA00;
	s18 =	simm.s32 $0xEC00;
	[dreg:$0x18] =	wrdreg s22  }
0x17: {  	s17 =	simm.s32 $0xEE00;
	s16 =	simm.s32 $0xC600;
	[dreg:$0x19] =	wrdreg s23  }
0x18: {  	s14 =	simm.s32 $0xC800;
	s1 =	sor.u32 s8, s1;
	[dreg:$0x1b] =	wrdreg s25  }
0x19: {  	s11 =	sshrl.u32 s0, $0x1;
	s8 =	simm.s32 $0x1;
	[dreg:$0x1d] =	wrdreg s13  }
0x1a: {  	[dreg:$0x1e] =	wrdreg s26;
	s26 =	simm.s32 $0xBC00;
	s25 =	simm.s32 $0xE600  }
0x1b: {  	s23 =	simm.s32 $0xE800;
	s22 =	simm.s32 $0xC000;
	s21 =	simm.s32 $0xEA00  }
0x1c: {  	s20 =	simm.s32 $0xC200;
	s13 =	simm.s32 $0xF200;
	s6 =	smul.u32 $0x580, s1  }
0x1d: {  	s1 =	sshrl.u32 s5, $0x3;
	s0 =	ssub.s32 s0, s11;
	s5 =	sadd.s32 s5, s3  }
0x1e: {  	s11 =	simm.s32 $0xB800;
	s7 =	sadd.s32 s1, s4;
	s0 =	smax.u32 s0, $0x1  }
0x1f: {  	s5 =	sshrl.u32 s5, $0x3;
	[dreg:$0x1c] =	wrdreg s11;
	s11 =	simm.s32 $0x2  }
0x20: {  	s6 =	sadd.s32 s6, s4;
	s7 =	sadd.s32 $0x4C800, s7;
	p1 =	sne.s32 s0, $0x1  }
0x21: {  	[dreg:$0x4] =	wrdreg s7;
	s19 =	sadd.s32 $0x1A600, s6;
	s6 =	sadd.s32 $0xCC00, s6  }
0x22: {  	s7 =	sadd.s32 s24, s4;
	s4 =	sor.u32 $0x1C03, s15;
	s24 =	simm.s32 $0xB600  }
.Ltmp0:
0x23: {  	s15 =	simm.s32 $0xF000;
	[dreg:$0x5] =	wrdreg s19;
	(pc) =	sbr.rel @!p1 .LBB2_3-.Ltmp0, $4  }
0x24: {  	[dreg:$0x6] =	wrdreg s6;
	s12 =	sadd.s32 $0x60800, s7;
	s19 =	simm.s32 $0xDA00  }
0x25: {  	s6 =	simm.s32 $0x3;
	s7 =	simm.s32 $0x200;
	[dreg:$0x1a] =	wrdreg s24  }
0x26: {  	s24 =	simm.s32 $0xBE00;
	[dreg:$0x15] =	wrdreg s19;
	s12 =	sadd.s32 s1, s12  }
0x27: {  	s1 =	sadd.s32 $0xFFFFFFFF, s0;
	s19 =	simm.s32 $0xC400;
	s0 =	rddreg [dreg:$0x4]  }
0x28: {  	[spmem:s5], [sflag:s4] =	dma.local [hbm:s0], $0x1400  }
0x29: {  	_ =	swait.ge [sflag:s6], $0x1400  }
0x2a: {  	[sflag:s6] =	ssyncset.done $0x0  }
0x2b: {  	s0 =	rddreg [dreg:$0x5];
	[sflag:s6] =	ssyncadd.s32 $0xFFFFEC00  }
0x2c: {  	[tilespmem:s31], [sflag:$0x3] =	stream.linear.gather [hbm4b:s0+s29], $0x2C00, $0x38;
	[tilespmem:$0x1F800] =	vst v63  }
0x2d: {  	_ =	swait.ge [sflag:s6], $0x2C00  }
0x2e: {  	[sflag:s6] =	ssyncset.done $0x0  }
0x2f: {  	s0 =	rddreg [dreg:$0x6];
	[sflag:s6] =	ssyncadd.s32 $0xFFFFD400  }
0x30: {  	[tilespmem:s30], [sflag:$0x3] =	stream.linear.gather [hbm4b:s0+s29], $0x2C00, $0x38;
	[tilespmem:$0x1F800] =	vst v63  }
0x31: {  	_ =	swait.ge [sflag:s6], $0x2C00  }
0x32: {  	[sflag:s6] =	ssyncset.done $0x0  }
0x33: {  	[sflag:s6] =	ssyncadd.s32 $0xFFFFD400  }
0x34: {  	[bflag:$0x0] =	sbarrier.arrive $0xFFFF  }
0x35: {  	[tilespmem:s10], [sflag:$0x1] =	stream.indirect.gather [hbm4b:s2+s7], $0x40, s31, s7, $0xb8;
	[tilespmem:$0x1F800] =	vst v63  }
0x36: {  	s0 =	rddreg [dreg:$0x7]  }
0x37: {  	[tilespmem:s9], [sflag:$0x2] =	stream.indirect.gather [hbm4b:s2+s7], $0x40, s0, s7, $0xb8;
	[tilespmem:$0x1F800] =	vst v63  }
0x38: {  	_ =	swait.ge [sflag:s8], $0x8000  }
0x39: {  	[sflag:s8] =	ssyncset.done $0x0  }
0x3a: {  	[sflag:s8] =	ssyncadd.s32 $0xFFFF8000  }
0x3b: {  	[spmem:s3] =	stream.indirect.scatter.add.f32 [tilespmem:s10], [sflag:$0x3], $0x40, s30, s7, $0xb8;
	[tilespmem:$0x1F800] =	vst v63  }
0x3c: {  	_ =	swait.ge [sflag:s6], $0x8000  }
0x3d: {  	[sflag:s6] =	ssyncset.done $0x0  }
0x3e: {  	s0 =	rddreg [dreg:$0x8];
	[sflag:s6] =	ssyncadd.s32 $0xFFFF8000  }
0x3f: {  	[tilespmem:s10], [sflag:$0x1] =	stream.indirect.gather [hbm4b:s2+s7], $0x40, s0, s7, $0xb8;
	[tilespmem:$0x1F800] =	vst v63  }
0x40: {  	_ =	swait.ge [sflag:s11], $0x8000  }
0x41: {  	[sflag:s11] =	ssyncset.done $0x0  }
0x42: {  	s0 =	rddreg [dreg:$0x9];
	[sflag:s11] =	ssyncadd.s32 $0xFFFF8000  }
0x43: {  	[spmem:s3] =	stream.indirect.scatter.add.f32 [tilespmem:s9], [sflag:$0x3], $0x40, s0, s7, $0xb8;
	[tilespmem:$0x1F800] =	vst v63  }
0x44: {  	_ =	swait.ge [sflag:s6], $0x8000  }
0x45: {  	[sflag:s6] =	ssyncset.done $0x0  }
0x46: {  	s0 =	rddreg [dreg:$0xa];
	[sflag:s6] =	ssyncadd.s32 $0xFFFF8000  }
0x47: {  	[tilespmem:s9], [sflag:$0x2] =	stream.indirect.gather [hbm4b:s2+s7], $0x40, s0, s7, $0xb8;
	[tilespmem:$0x1F800] =	vst v63  }
0x48: {  	_ =	swait.ge [sflag:s8], $0x8000  }
0x49: {  	[sflag:s8] =	ssyncset.done $0x0  }
0x4a: {  	s0 =	rddreg [dreg:$0xb];
	[sflag:s8] =	ssyncadd.s32 $0xFFFF8000  }
0x4b: {  	[spmem:s3] =	stream.indirect.scatter.add.f32 [tilespmem:s10], [sflag:$0x3], $0x40, s0, s7, $0xb8;
	[tilespmem:$0x1F800] =	vst v63  }
0x4c: {  	_ =	swait.ge [sflag:s6], $0x8000  }
0x4d: {  	[sflag:s6] =	ssyncset.done $0x0  }
0x4e: {  	s0 =	rddreg [dreg:$0xc];
	[sflag:s6] =	ssyncadd.s32 $0xFFFF8000  }
0x4f: {  	[tilespmem:s10], [sflag:$0x1] =	stream.indirect.gather [hbm4b:s2+s7], $0x40, s0, s7, $0xb8;
	[tilespmem:$0x1F800] =	vst v63  }
0x50: {  	_ =	swait.ge [sflag:s11], $0x8000  }
0x51: {  	[sflag:s11] =	ssyncset.done $0x0  }
0x52: {  	s0 =	rddreg [dreg:$0xd];
	[sflag:s11] =	ssyncadd.s32 $0xFFFF8000  }
0x53: {  	[spmem:s3] =	stream.indirect.scatter.add.f32 [tilespmem:s9], [sflag:$0x3], $0x40, s0, s7, $0xb8;
	[tilespmem:$0x1F800] =	vst v63  }
0x54: {  	_ =	swait.ge [sflag:s6], $0x8000  }
0x55: {  	[sflag:s6] =	ssyncset.done $0x0  }
0x56: {  	s0 =	rddreg [dreg:$0xe];
	[sflag:s6] =	ssyncadd.s32 $0xFFFF8000  }
0x57: {  	[tilespmem:s9], [sflag:$0x2] =	stream.indirect.gather [hbm4b:s2+s7], $0x40, s0, s7, $0xb8;
	[tilespmem:$0x1F800] =	vst v63  }
0x58: {  	_ =	swait.ge [sflag:s8], $0x8000  }
0x59: {  	[sflag:s8] =	ssyncset.done $0x0  }
0x5a: {  	s0 =	rddreg [dreg:$0xf];
	[sflag:s8] =	ssyncadd.s32 $0xFFFF8000  }
0x5b: {  	[spmem:s3] =	stream.indirect.scatter.add.f32 [tilespmem:s10], [sflag:$0x3], $0x40, s0, s7, $0xb8;
	[tilespmem:$0x1F800] =	vst v63  }
0x5c: {  	_ =	swait.ge [sflag:s6], $0x8000  }
0x5d: {  	[sflag:s6] =	ssyncset.done $0x0  }
0x5e: {  	s0 =	rddreg [dreg:$0x10];
	[sflag:s6] =	ssyncadd.s32 $0xFFFF8000  }
0x5f: {  	[tilespmem:s10], [sflag:$0x1] =	stream.indirect.gather [hbm4b:s2+s7], $0x40, s0, s7, $0xb8;
	[tilespmem:$0x1F800] =	vst v63  }
0x60: {  	_ =	swait.ge [sflag:s11], $0x8000  }
0x61: {  	[sflag:s11] =	ssyncset.done $0x0  }
0x62: {  	s0 =	rddreg [dreg:$0x11];
	[sflag:s11] =	ssyncadd.s32 $0xFFFF8000  }
0x63: {  	[spmem:s3] =	stream.indirect.scatter.add.f32 [tilespmem:s9], [sflag:$0x3], $0x40, s0, s7, $0xb8;
	[tilespmem:$0x1F800] =	vst v63  }
0x64: {  	_ =	swait.ge [sflag:s6], $0x8000  }
0x65: {  	[sflag:s6] =	ssyncset.done $0x0  }
0x66: {  	s0 =	rddreg [dreg:$0x12];
	[sflag:s6] =	ssyncadd.s32 $0xFFFF8000  }
0x67: {  	[tilespmem:s9], [sflag:$0x2] =	stream.indirect.gather [hbm4b:s2+s7], $0x40, s0, s7, $0xb8;
	[tilespmem:$0x1F800] =	vst v63  }
0x68: {  	_ =	swait.ge [sflag:s8], $0x8000  }
0x69: {  	[sflag:s8] =	ssyncset.done $0x0  }
0x6a: {  	s0 =	rddreg [dreg:$0x13];
	[sflag:s8] =	ssyncadd.s32 $0xFFFF8000  }
0x6b: {  	[spmem:s3] =	stream.indirect.scatter.add.f32 [tilespmem:s10], [sflag:$0x3], $0x40, s0, s7, $0xb8;
	[tilespmem:$0x1F800] =	vst v63  }
0x6c: {  	_ =	swait.ge [sflag:s6], $0x8000  }
0x6d: {  	[sflag:s6] =	ssyncset.done $0x0  }
0x6e: {  	s0 =	rddreg [dreg:$0x14];
	[sflag:s6] =	ssyncadd.s32 $0xFFFF8000  }
0x6f: {  	[tilespmem:s10], [sflag:$0x1] =	stream.indirect.gather [hbm4b:s2+s7], $0x40, s0, s7, $0xb8;
	[tilespmem:$0x1F800] =	vst v63  }
0x70: {  	_ =	swait.ge [sflag:s11], $0x8000  }
0x71: {  	[sflag:s11] =	ssyncset.done $0x0  }
0x72: {  	s0 =	rddreg [dreg:$0x15];
	[sflag:s11] =	ssyncadd.s32 $0xFFFF8000  }
0x73: {  	[spmem:s3] =	stream.indirect.scatter.add.f32 [tilespmem:s9], [sflag:$0x3], $0x40, s0, s7, $0xb8;
	[tilespmem:$0x1F800] =	vst v63  }
0x74: {  	_ =	swait.ge [sflag:s6], $0x8000  }
0x75: {  	[sflag:s6] =	ssyncset.done $0x0  }
0x76: {  	s0 =	rddreg [dreg:$0x16];
	[sflag:s6] =	ssyncadd.s32 $0xFFFF8000  }
0x77: {  	[tilespmem:s9], [sflag:$0x2] =	stream.indirect.gather [hbm4b:s2+s7], $0x40, s0, s7, $0xb8;
	[tilespmem:$0x1F800] =	vst v63  }
0x78: {  	_ =	swait.ge [sflag:s8], $0x8000  }
0x79: {  	[sflag:s8] =	ssyncset.done $0x0  }
0x7a: {  	s0 =	rddreg [dreg:$0x17];
	[sflag:s8] =	ssyncadd.s32 $0xFFFF8000  }
0x7b: {  	[spmem:s3] =	stream.indirect.scatter.add.f32 [tilespmem:s10], [sflag:$0x3], $0x40, s0, s7, $0xb8;
	[tilespmem:$0x1F800] =	vst v63  }
0x7c: {  	_ =	swait.ge [sflag:s6], $0x8000  }
0x7d: {  	[sflag:s6] =	ssyncset.done $0x0  }
0x7e: {  	s0 =	rddreg [dreg:$0x18];
	[sflag:s6] =	ssyncadd.s32 $0xFFFF8000  }
0x7f: {  	[tilespmem:s10], [sflag:$0x1] =	stream.indirect.gather [hbm4b:s2+s7], $0x40, s0, s7, $0xb8;
	[tilespmem:$0x1F800] =	vst v63  }
0x80: {  	_ =	swait.ge [sflag:s11], $0x8000  }
0x81: {  	[sflag:s11] =	ssyncset.done $0x0  }
0x82: {  	s0 =	rddreg [dreg:$0x19];
	[sflag:s11] =	ssyncadd.s32 $0xFFFF8000  }
0x83: {  	[spmem:s3] =	stream.indirect.scatter.add.f32 [tilespmem:s9], [sflag:$0x3], $0x40, s0, s7, $0xb8;
	[tilespmem:$0x1F800] =	vst v63  }
0x84: {  	_ =	swait.ge [sflag:s6], $0x8000  }
0x85: {  	[sflag:s6] =	ssyncset.done $0x0  }
0x86: {  	s0 =	rddreg [dreg:$0x1a];
	[sflag:s6] =	ssyncadd.s32 $0xFFFF8000  }
0x87: {  	[tilespmem:s9], [sflag:$0x2] =	stream.indirect.gather [hbm4b:s2+s7], $0x40, s0, s7, $0xb8;
	[tilespmem:$0x1F800] =	vst v63  }
0x88: {  	_ =	swait.ge [sflag:s8], $0x8000  }
0x89: {  	[sflag:s8] =	ssyncset.done $0x0  }
0x8a: {  	s0 =	rddreg [dreg:$0x1b];
	[sflag:s8] =	ssyncadd.s32 $0xFFFF8000  }
0x8b: {  	[spmem:s3] =	stream.indirect.scatter.add.f32 [tilespmem:s10], [sflag:$0x3], $0x40, s0, s7, $0xb8;
	[tilespmem:$0x1F800] =	vst v63  }
0x8c: {  	_ =	swait.ge [sflag:s6], $0x8000  }
0x8d: {  	[sflag:s6] =	ssyncset.done $0x0  }
0x8e: {  	s0 =	rddreg [dreg:$0x1c];
	[sflag:s6] =	ssyncadd.s32 $0xFFFF8000  }
0x8f: {  	[tilespmem:s10], [sflag:$0x1] =	stream.indirect.gather [hbm4b:s2+s7], $0x40, s0, s7, $0xb8;
	[tilespmem:$0x1F800] =	vst v63  }
0x90: {  	_ =	swait.ge [sflag:s11], $0x8000  }
0x91: {  	[sflag:s11] =	ssyncset.done $0x0  }
0x92: {  	s0 =	rddreg [dreg:$0x1d];
	[sflag:s11] =	ssyncadd.s32 $0xFFFF8000  }
0x93: {  	[spmem:s3] =	stream.indirect.scatter.add.f32 [tilespmem:s9], [sflag:$0x3], $0x40, s0, s7, $0xb8;
	[tilespmem:$0x1F800] =	vst v63  }
0x94: {  	_ =	swait.ge [sflag:s6], $0x8000  }
0x95: {  	[sflag:s6] =	ssyncset.done $0x0  }
0x96: {  	s0 =	rddreg [dreg:$0x1e];
	[sflag:s6] =	ssyncadd.s32 $0xFFFF8000  }
0x97: {  	[tilespmem:s9], [sflag:$0x2] =	stream.indirect.gather [hbm4b:s2+s7], $0x40, s0, s7, $0xb8;
	[tilespmem:$0x1F800] =	vst v63  }
0x98: {  	_ =	swait.ge [sflag:s8], $0x8000  }
0x99: {  	[sflag:s8] =	ssyncset.done $0x0  }
0x9a: {  	[sflag:s8] =	ssyncadd.s32 $0xFFFF8000  }
0x9b: {  	[spmem:s3] =	stream.indirect.scatter.add.f32 [tilespmem:s10], [sflag:$0x3], $0x40, s28, s7, $0xb8;
	[tilespmem:$0x1F800] =	vst v63  }
0x9c: {  	_ =	swait.ge [sflag:s6], $0x8000  }
0x9d: {  	[sflag:s6] =	ssyncset.done $0x0  }
0x9e: {  	[sflag:s6] =	ssyncadd.s32 $0xFFFF8000  }
0x9f: {  	[tilespmem:s10], [sflag:$0x1] =	stream.indirect.gather [hbm4b:s2+s7], $0x40, s26, s7, $0xb8;
	[tilespmem:$0x1F800] =	vst v63  }
0xa0: {  	_ =	swait.ge [sflag:s11], $0x8000  }
0xa1: {  	[sflag:s11] =	ssyncset.done $0x0  }
0xa2: {  	[sflag:s11] =	ssyncadd.s32 $0xFFFF8000  }
0xa3: {  	[spmem:s3] =	stream.indirect.scatter.add.f32 [tilespmem:s9], [sflag:$0x3], $0x40, s25, s7, $0xb8;
	[tilespmem:$0x1F800] =	vst v63  }
0xa4: {  	_ =	swait.ge [sflag:s6], $0x8000  }
0xa5: {  	[sflag:s6] =	ssyncset.done $0x0  }
0xa6: {  	[sflag:s6] =	ssyncadd.s32 $0xFFFF8000  }
0xa7: {  	[tilespmem:s9], [sflag:$0x2] =	stream.indirect.gather [hbm4b:s2+s7], $0x40, s24, s7, $0xb8;
	[tilespmem:$0x1F800] =	vst v63  }
0xa8: {  	_ =	swait.ge [sflag:s8], $0x8000  }
0xa9: {  	[sflag:s8] =	ssyncset.done $0x0  }
0xaa: {  	[sflag:s8] =	ssyncadd.s32 $0xFFFF8000  }
0xab: {  	[spmem:s3] =	stream.indirect.scatter.add.f32 [tilespmem:s10], [sflag:$0x3], $0x40, s23, s7, $0xb8;
	[tilespmem:$0x1F800] =	vst v63  }
0xac: {  	_ =	swait.ge [sflag:s6], $0x8000  }
0xad: {  	[sflag:s6] =	ssyncset.done $0x0  }
0xae: {  	[sflag:s6] =	ssyncadd.s32 $0xFFFF8000  }
0xaf: {  	[tilespmem:s10], [sflag:$0x1] =	stream.indirect.gather [hbm4b:s2+s7], $0x40, s22, s7, $0xb8;
	[tilespmem:$0x1F800] =	vst v63  }
0xb0: {  	_ =	swait.ge [sflag:s11], $0x8000  }
0xb1: {  	[sflag:s11] =	ssyncset.done $0x0  }
0xb2: {  	[sflag:s11] =	ssyncadd.s32 $0xFFFF8000  }
0xb3: {  	[spmem:s3] =	stream.indirect.scatter.add.f32 [tilespmem:s9], [sflag:$0x3], $0x40, s21, s7, $0xb8;
	[tilespmem:$0x1F800] =	vst v63  }
0xb4: {  	_ =	swait.ge [sflag:s6], $0x8000  }
0xb5: {  	[sflag:s6] =	ssyncset.done $0x0  }
0xb6: {  	[sflag:s6] =	ssyncadd.s32 $0xFFFF8000  }
0xb7: {  	[tilespmem:s9], [sflag:$0x2] =	stream.indirect.gather [hbm4b:s2+s7], $0x40, s20, s7, $0xb8;
	[tilespmem:$0x1F800] =	vst v63  }
0xb8: {  	_ =	swait.ge [sflag:s8], $0x8000  }
0xb9: {  	[sflag:s8] =	ssyncset.done $0x0  }
0xba: {  	[sflag:s8] =	ssyncadd.s32 $0xFFFF8000  }
0xbb: {  	[spmem:s3] =	stream.indirect.scatter.add.f32 [tilespmem:s10], [sflag:$0x3], $0x40, s18, s7, $0xb8;
	[tilespmem:$0x1F800] =	vst v63  }
0xbc: {  	_ =	swait.ge [sflag:s6], $0x8000  }
0xbd: {  	[sflag:s6] =	ssyncset.done $0x0  }
0xbe: {  	[sflag:s6] =	ssyncadd.s32 $0xFFFF8000  }
0xbf: {  	[tilespmem:s10], [sflag:$0x1] =	stream.indirect.gather [hbm4b:s2+s7], $0x40, s19, s7, $0xb8;
	[tilespmem:$0x1F800] =	vst v63  }
0xc0: {  	_ =	swait.ge [sflag:s11], $0x8000  }
0xc1: {  	[sflag:s11] =	ssyncset.done $0x0  }
0xc2: {  	[sflag:s11] =	ssyncadd.s32 $0xFFFF8000  }
0xc3: {  	[spmem:s3] =	stream.indirect.scatter.add.f32 [tilespmem:s9], [sflag:$0x3], $0x40, s17, s7, $0xb8;
	[tilespmem:$0x1F800] =	vst v63  }
0xc4: {  	_ =	swait.ge [sflag:s6], $0x8000  }
0xc5: {  	[sflag:s6] =	ssyncset.done $0x0  }
0xc6: {  	[sflag:s6] =	ssyncadd.s32 $0xFFFF8000  }
0xc7: {  	[tilespmem:s9], [sflag:$0x2] =	stream.indirect.gather [hbm4b:s2+s7], $0x40, s16, s7, $0xb8;
	[tilespmem:$0x1F800] =	vst v63  }
0xc8: {  	_ =	swait.ge [sflag:s8], $0x8000  }
0xc9: {  	[sflag:s8] =	ssyncset.done $0x0  }
0xca: {  	[sflag:s8] =	ssyncadd.s32 $0xFFFF8000  }
0xcb: {  	[spmem:s3] =	stream.indirect.scatter.add.f32 [tilespmem:s10], [sflag:$0x3], $0x40, s15, s7, $0xb8;
	[tilespmem:$0x1F800] =	vst v63  }
0xcc: {  	_ =	swait.ge [sflag:s6], $0x8000  }
0xcd: {  	[sflag:s6] =	ssyncset.done $0x0  }
0xce: {  	[sflag:s6] =	ssyncadd.s32 $0xFFFF8000  }
0xcf: {  	[tilespmem:s10], [sflag:$0x1] =	stream.indirect.gather [hbm4b:s2+s7], $0x40, s14, s7, $0xb8;
	[tilespmem:$0x1F800] =	vst v63  }
0xd0: {  	_ =	swait.ge [sflag:s11], $0x8000  }
0xd1: {  	[sflag:s11] =	ssyncset.done $0x0  }
0xd2: {  	[sflag:s11] =	ssyncadd.s32 $0xFFFF8000  }
0xd3: {  	[spmem:s3] =	stream.indirect.scatter.add.f32 [tilespmem:s9], [sflag:$0x3], $0x40, s13, s7, $0xb8;
	[tilespmem:$0x1F800] =	vst v63  }
0xd4: {  	_ =	swait.ge [sflag:s6], $0x8000  }
0xd5: {  	[sflag:s6] =	ssyncset.done $0x0  }
0xd6: {  	[sflag:s6] =	ssyncadd.s32 $0xFFFF8000  }
0xd7: {  	_ =	swait.ge [sflag:s8], $0x8000  }
0xd8: {  	p1 =	sne.s32 s1, $0x1;
	[sflag:s8] =	ssyncset.done $0x0  }
.Ltmp1:
0xd9: {  	[sflag:s8] =	ssyncadd.s32 $0xFFFF8000;
	(pc) =	sbr.rel @!p1 .LBB2_3-.Ltmp1, $4  }
0xda: {  	[bflag:$0x0] =	sbarrier.arrive $0xFFFF  }
0xdb: {  	[hbm:s12], [sflag:s4] =	dma.local [spmem:s5], $0x1400  }
0xdc: {  	s1 =	sadd.s32 $0xFFFFFFFF, s1;
	_ =	swait.ge [sflag:s6], $0x1400  }
0xdd: {  	p0 =	por $0x1, $0x1;
	s0 =	rddreg [dreg:$0x4];
	[sflag:s6] =	ssyncset.done $0x0  }
.LBB2_2:
0xde: {  	[sflag:s6] =	ssyncadd.s32 $0xFFFFEC00  }
0xdf: {  	[spmem:s5], [sflag:s4] =	dma.local [hbm:s0], $0x1400  }
0xe0: {  	_ =	swait.ge [sflag:s6], $0x1400  }
0xe1: {  	[sflag:s6] =	ssyncset.done $0x0  }
0xe2: {  	s0 =	rddreg [dreg:$0x5];
	[sflag:s6] =	ssyncadd.s32 $0xFFFFEC00  }
0xe3: {  	[tilespmem:s31], [sflag:$0x3] =	stream.linear.gather [hbm4b:s0+s29], $0x2C00, $0x38;
	[tilespmem:$0x1F800] =	vst v63  }
0xe4: {  	_ =	swait.ge [sflag:s6], $0x2C00  }
0xe5: {  	[sflag:s6] =	ssyncset.done $0x0  }
0xe6: {  	s0 =	rddreg [dreg:$0x6];
	[sflag:s6] =	ssyncadd.s32 $0xFFFFD400  }
0xe7: {  	[tilespmem:s30], [sflag:$0x3] =	stream.linear.gather [hbm4b:s0+s29], $0x2C00, $0x38;
	[tilespmem:$0x1F800] =	vst v63  }
0xe8: {  	_ =	swait.ge [sflag:s6], $0x2C00  }
0xe9: {  	[sflag:s6] =	ssyncset.done $0x0  }
0xea: {  	[sflag:s6] =	ssyncadd.s32 $0xFFFFD400  }
0xeb: {  	[bflag:$0x0] =	sbarrier.arrive $0xFFFF  }
0xec: {  	[tilespmem:s10], [sflag:$0x1] =	stream.indirect.gather [hbm4b:s2+s7], $0x40, s31, s7, $0xb8;
	[tilespmem:$0x1F800] =	vst v63  }
0xed: {  	s0 =	rddreg [dreg:$0x7]  }
0xee: {  	[tilespmem:s9], [sflag:$0x2] =	stream.indirect.gather [hbm4b:s2+s7], $0x40, s0, s7, $0xb8;
	[tilespmem:$0x1F800] =	vst v63  }
0xef: {  	_ =	swait.ge [sflag:s8], $0x8000  }
0xf0: {  	[sflag:s8] =	ssyncset.done $0x0  }
0xf1: {  	[sflag:s8] =	ssyncadd.s32 $0xFFFF8000  }
0xf2: {  	[spmem:s3] =	stream.indirect.scatter.add.f32 [tilespmem:s10], [sflag:$0x3], $0x40, s30, s7, $0xb8;
	[tilespmem:$0x1F800] =	vst v63  }
0xf3: {  	_ =	swait.ge [sflag:s6], $0x8000  }
0xf4: {  	[sflag:s6] =	ssyncset.done $0x0  }
0xf5: {  	s0 =	rddreg [dreg:$0x8];
	[sflag:s6] =	ssyncadd.s32 $0xFFFF8000  }
0xf6: {  	[tilespmem:s10], [sflag:$0x1] =	stream.indirect.gather [hbm4b:s2+s7], $0x40, s0, s7, $0xb8;
	[tilespmem:$0x1F800] =	vst v63  }
0xf7: {  	_ =	swait.ge [sflag:s11], $0x8000  }
0xf8: {  	[sflag:s11] =	ssyncset.done $0x0  }
0xf9: {  	s0 =	rddreg [dreg:$0x9];
	[sflag:s11] =	ssyncadd.s32 $0xFFFF8000  }
0xfa: {  	[spmem:s3] =	stream.indirect.scatter.add.f32 [tilespmem:s9], [sflag:$0x3], $0x40, s0, s7, $0xb8;
	[tilespmem:$0x1F800] =	vst v63  }
0xfb: {  	_ =	swait.ge [sflag:s6], $0x8000  }
0xfc: {  	[sflag:s6] =	ssyncset.done $0x0  }
0xfd: {  	s0 =	rddreg [dreg:$0xa];
	[sflag:s6] =	ssyncadd.s32 $0xFFFF8000  }
0xfe: {  	[tilespmem:s9], [sflag:$0x2] =	stream.indirect.gather [hbm4b:s2+s7], $0x40, s0, s7, $0xb8;
	[tilespmem:$0x1F800] =	vst v63  }
0xff: {  	_ =	swait.ge [sflag:s8], $0x8000  }
0x100: {  	[sflag:s8] =	ssyncset.done $0x0  }
0x101: {  	s0 =	rddreg [dreg:$0xb];
	[sflag:s8] =	ssyncadd.s32 $0xFFFF8000  }
0x102: {  	[spmem:s3] =	stream.indirect.scatter.add.f32 [tilespmem:s10], [sflag:$0x3], $0x40, s0, s7, $0xb8;
	[tilespmem:$0x1F800] =	vst v63  }
0x103: {  	_ =	swait.ge [sflag:s6], $0x8000  }
0x104: {  	[sflag:s6] =	ssyncset.done $0x0  }
0x105: {  	s0 =	rddreg [dreg:$0xc];
	[sflag:s6] =	ssyncadd.s32 $0xFFFF8000  }
0x106: {  	[tilespmem:s10], [sflag:$0x1] =	stream.indirect.gather [hbm4b:s2+s7], $0x40, s0, s7, $0xb8;
	[tilespmem:$0x1F800] =	vst v63  }
0x107: {  	_ =	swait.ge [sflag:s11], $0x8000  }
0x108: {  	[sflag:s11] =	ssyncset.done $0x0  }
0x109: {  	s0 =	rddreg [dreg:$0xd];
	[sflag:s11] =	ssyncadd.s32 $0xFFFF8000  }
0x10a: {  	[spmem:s3] =	stream.indirect.scatter.add.f32 [tilespmem:s9], [sflag:$0x3], $0x40, s0, s7, $0xb8;
	[tilespmem:$0x1F800] =	vst v63  }
0x10b: {  	_ =	swait.ge [sflag:s6], $0x8000  }
0x10c: {  	[sflag:s6] =	ssyncset.done $0x0  }
0x10d: {  	s0 =	rddreg [dreg:$0xe];
	[sflag:s6] =	ssyncadd.s32 $0xFFFF8000  }
0x10e: {  	[tilespmem:s9], [sflag:$0x2] =	stream.indirect.gather [hbm4b:s2+s7], $0x40, s0, s7, $0xb8;
	[tilespmem:$0x1F800] =	vst v63  }
0x10f: {  	_ =	swait.ge [sflag:s8], $0x8000  }
0x110: {  	[sflag:s8] =	ssyncset.done $0x0  }
0x111: {  	s0 =	rddreg [dreg:$0xf];
	[sflag:s8] =	ssyncadd.s32 $0xFFFF8000  }
0x112: {  	[spmem:s3] =	stream.indirect.scatter.add.f32 [tilespmem:s10], [sflag:$0x3], $0x40, s0, s7, $0xb8;
	[tilespmem:$0x1F800] =	vst v63  }
0x113: {  	_ =	swait.ge [sflag:s6], $0x8000  }
0x114: {  	[sflag:s6] =	ssyncset.done $0x0  }
0x115: {  	s0 =	rddreg [dreg:$0x10];
	[sflag:s6] =	ssyncadd.s32 $0xFFFF8000  }
0x116: {  	[tilespmem:s10], [sflag:$0x1] =	stream.indirect.gather [hbm4b:s2+s7], $0x40, s0, s7, $0xb8;
	[tilespmem:$0x1F800] =	vst v63  }
0x117: {  	_ =	swait.ge [sflag:s11], $0x8000  }
0x118: {  	[sflag:s11] =	ssyncset.done $0x0  }
0x119: {  	s0 =	rddreg [dreg:$0x11];
	[sflag:s11] =	ssyncadd.s32 $0xFFFF8000  }
0x11a: {  	[spmem:s3] =	stream.indirect.scatter.add.f32 [tilespmem:s9], [sflag:$0x3], $0x40, s0, s7, $0xb8;
	[tilespmem:$0x1F800] =	vst v63  }
0x11b: {  	_ =	swait.ge [sflag:s6], $0x8000  }
0x11c: {  	[sflag:s6] =	ssyncset.done $0x0  }
0x11d: {  	s0 =	rddreg [dreg:$0x12];
	[sflag:s6] =	ssyncadd.s32 $0xFFFF8000  }
0x11e: {  	[tilespmem:s9], [sflag:$0x2] =	stream.indirect.gather [hbm4b:s2+s7], $0x40, s0, s7, $0xb8;
	[tilespmem:$0x1F800] =	vst v63  }
0x11f: {  	_ =	swait.ge [sflag:s8], $0x8000  }
0x120: {  	[sflag:s8] =	ssyncset.done $0x0  }
0x121: {  	s0 =	rddreg [dreg:$0x13];
	[sflag:s8] =	ssyncadd.s32 $0xFFFF8000  }
0x122: {  	[spmem:s3] =	stream.indirect.scatter.add.f32 [tilespmem:s10], [sflag:$0x3], $0x40, s0, s7, $0xb8;
	[tilespmem:$0x1F800] =	vst v63  }
0x123: {  	_ =	swait.ge [sflag:s6], $0x8000  }
0x124: {  	[sflag:s6] =	ssyncset.done $0x0  }
0x125: {  	s0 =	rddreg [dreg:$0x14];
	[sflag:s6] =	ssyncadd.s32 $0xFFFF8000  }
0x126: {  	[tilespmem:s10], [sflag:$0x1] =	stream.indirect.gather [hbm4b:s2+s7], $0x40, s0, s7, $0xb8;
	[tilespmem:$0x1F800] =	vst v63  }
0x127: {  	_ =	swait.ge [sflag:s11], $0x8000  }
0x128: {  	[sflag:s11] =	ssyncset.done $0x0  }
0x129: {  	s0 =	rddreg [dreg:$0x15];
	[sflag:s11] =	ssyncadd.s32 $0xFFFF8000  }
0x12a: {  	[spmem:s3] =	stream.indirect.scatter.add.f32 [tilespmem:s9], [sflag:$0x3], $0x40, s0, s7, $0xb8;
	[tilespmem:$0x1F800] =	vst v63  }
0x12b: {  	_ =	swait.ge [sflag:s6], $0x8000  }
0x12c: {  	[sflag:s6] =	ssyncset.done $0x0  }
0x12d: {  	s0 =	rddreg [dreg:$0x16];
	[sflag:s6] =	ssyncadd.s32 $0xFFFF8000  }
0x12e: {  	[tilespmem:s9], [sflag:$0x2] =	stream.indirect.gather [hbm4b:s2+s7], $0x40, s0, s7, $0xb8;
	[tilespmem:$0x1F800] =	vst v63  }
0x12f: {  	_ =	swait.ge [sflag:s8], $0x8000  }
0x130: {  	[sflag:s8] =	ssyncset.done $0x0  }
0x131: {  	s0 =	rddreg [dreg:$0x17];
	[sflag:s8] =	ssyncadd.s32 $0xFFFF8000  }
0x132: {  	[spmem:s3] =	stream.indirect.scatter.add.f32 [tilespmem:s10], [sflag:$0x3], $0x40, s0, s7, $0xb8;
	[tilespmem:$0x1F800] =	vst v63  }
0x133: {  	_ =	swait.ge [sflag:s6], $0x8000  }
0x134: {  	[sflag:s6] =	ssyncset.done $0x0  }
0x135: {  	s0 =	rddreg [dreg:$0x18];
	[sflag:s6] =	ssyncadd.s32 $0xFFFF8000  }
0x136: {  	[tilespmem:s10], [sflag:$0x1] =	stream.indirect.gather [hbm4b:s2+s7], $0x40, s0, s7, $0xb8;
	[tilespmem:$0x1F800] =	vst v63  }
0x137: {  	_ =	swait.ge [sflag:s11], $0x8000  }
0x138: {  	[sflag:s11] =	ssyncset.done $0x0  }
0x139: {  	s0 =	rddreg [dreg:$0x19];
	[sflag:s11] =	ssyncadd.s32 $0xFFFF8000  }
0x13a: {  	[spmem:s3] =	stream.indirect.scatter.add.f32 [tilespmem:s9], [sflag:$0x3], $0x40, s0, s7, $0xb8;
	[tilespmem:$0x1F800] =	vst v63  }
0x13b: {  	_ =	swait.ge [sflag:s6], $0x8000  }
0x13c: {  	[sflag:s6] =	ssyncset.done $0x0  }
0x13d: {  	s0 =	rddreg [dreg:$0x1a];
	[sflag:s6] =	ssyncadd.s32 $0xFFFF8000  }
0x13e: {  	[tilespmem:s9], [sflag:$0x2] =	stream.indirect.gather [hbm4b:s2+s7], $0x40, s0, s7, $0xb8;
	[tilespmem:$0x1F800] =	vst v63  }
0x13f: {  	_ =	swait.ge [sflag:s8], $0x8000  }
0x140: {  	[sflag:s8] =	ssyncset.done $0x0  }
0x141: {  	s0 =	rddreg [dreg:$0x1b];
	[sflag:s8] =	ssyncadd.s32 $0xFFFF8000  }
0x142: {  	[spmem:s3] =	stream.indirect.scatter.add.f32 [tilespmem:s10], [sflag:$0x3], $0x40, s0, s7, $0xb8;
	[tilespmem:$0x1F800] =	vst v63  }
0x143: {  	_ =	swait.ge [sflag:s6], $0x8000  }
0x144: {  	[sflag:s6] =	ssyncset.done $0x0  }
0x145: {  	s0 =	rddreg [dreg:$0x1c];
	[sflag:s6] =	ssyncadd.s32 $0xFFFF8000  }
0x146: {  	[tilespmem:s10], [sflag:$0x1] =	stream.indirect.gather [hbm4b:s2+s7], $0x40, s0, s7, $0xb8;
	[tilespmem:$0x1F800] =	vst v63  }
0x147: {  	_ =	swait.ge [sflag:s11], $0x8000  }
0x148: {  	[sflag:s11] =	ssyncset.done $0x0  }
0x149: {  	s0 =	rddreg [dreg:$0x1d];
	[sflag:s11] =	ssyncadd.s32 $0xFFFF8000  }
0x14a: {  	[spmem:s3] =	stream.indirect.scatter.add.f32 [tilespmem:s9], [sflag:$0x3], $0x40, s0, s7, $0xb8;
	[tilespmem:$0x1F800] =	vst v63  }
0x14b: {  	_ =	swait.ge [sflag:s6], $0x8000  }
0x14c: {  	[sflag:s6] =	ssyncset.done $0x0  }
0x14d: {  	s0 =	rddreg [dreg:$0x1e];
	[sflag:s6] =	ssyncadd.s32 $0xFFFF8000  }
0x14e: {  	[tilespmem:s9], [sflag:$0x2] =	stream.indirect.gather [hbm4b:s2+s7], $0x40, s0, s7, $0xb8;
	[tilespmem:$0x1F800] =	vst v63  }
0x14f: {  	_ =	swait.ge [sflag:s8], $0x8000  }
0x150: {  	[sflag:s8] =	ssyncset.done $0x0  }
0x151: {  	[sflag:s8] =	ssyncadd.s32 $0xFFFF8000  }
0x152: {  	[spmem:s3] =	stream.indirect.scatter.add.f32 [tilespmem:s10], [sflag:$0x3], $0x40, s28, s7, $0xb8;
	[tilespmem:$0x1F800] =	vst v63  }
0x153: {  	_ =	swait.ge [sflag:s6], $0x8000  }
0x154: {  	[sflag:s6] =	ssyncset.done $0x0  }
0x155: {  	[sflag:s6] =	ssyncadd.s32 $0xFFFF8000  }
0x156: {  	[tilespmem:s10], [sflag:$0x1] =	stream.indirect.gather [hbm4b:s2+s7], $0x40, s26, s7, $0xb8;
	[tilespmem:$0x1F800] =	vst v63  }
0x157: {  	_ =	swait.ge [sflag:s11], $0x8000  }
0x158: {  	[sflag:s11] =	ssyncset.done $0x0  }
0x159: {  	[sflag:s11] =	ssyncadd.s32 $0xFFFF8000  }
0x15a: {  	[spmem:s3] =	stream.indirect.scatter.add.f32 [tilespmem:s9], [sflag:$0x3], $0x40, s25, s7, $0xb8;
	[tilespmem:$0x1F800] =	vst v63  }
0x15b: {  	_ =	swait.ge [sflag:s6], $0x8000  }
0x15c: {  	[sflag:s6] =	ssyncset.done $0x0  }
0x15d: {  	[sflag:s6] =	ssyncadd.s32 $0xFFFF8000  }
0x15e: {  	[tilespmem:s9], [sflag:$0x2] =	stream.indirect.gather [hbm4b:s2+s7], $0x40, s24, s7, $0xb8;
	[tilespmem:$0x1F800] =	vst v63  }
0x15f: {  	_ =	swait.ge [sflag:s8], $0x8000  }
0x160: {  	[sflag:s8] =	ssyncset.done $0x0  }
0x161: {  	[sflag:s8] =	ssyncadd.s32 $0xFFFF8000  }
0x162: {  	[spmem:s3] =	stream.indirect.scatter.add.f32 [tilespmem:s10], [sflag:$0x3], $0x40, s23, s7, $0xb8;
	[tilespmem:$0x1F800] =	vst v63  }
0x163: {  	_ =	swait.ge [sflag:s6], $0x8000  }
0x164: {  	[sflag:s6] =	ssyncset.done $0x0  }
0x165: {  	[sflag:s6] =	ssyncadd.s32 $0xFFFF8000  }
0x166: {  	[tilespmem:s10], [sflag:$0x1] =	stream.indirect.gather [hbm4b:s2+s7], $0x40, s22, s7, $0xb8;
	[tilespmem:$0x1F800] =	vst v63  }
0x167: {  	_ =	swait.ge [sflag:s11], $0x8000  }
0x168: {  	[sflag:s11] =	ssyncset.done $0x0  }
0x169: {  	[sflag:s11] =	ssyncadd.s32 $0xFFFF8000  }
0x16a: {  	[spmem:s3] =	stream.indirect.scatter.add.f32 [tilespmem:s9], [sflag:$0x3], $0x40, s21, s7, $0xb8;
	[tilespmem:$0x1F800] =	vst v63  }
0x16b: {  	_ =	swait.ge [sflag:s6], $0x8000  }
0x16c: {  	[sflag:s6] =	ssyncset.done $0x0  }
0x16d: {  	[sflag:s6] =	ssyncadd.s32 $0xFFFF8000  }
0x16e: {  	[tilespmem:s9], [sflag:$0x2] =	stream.indirect.gather [hbm4b:s2+s7], $0x40, s20, s7, $0xb8;
	[tilespmem:$0x1F800] =	vst v63  }
0x16f: {  	_ =	swait.ge [sflag:s8], $0x8000  }
0x170: {  	[sflag:s8] =	ssyncset.done $0x0  }
0x171: {  	[sflag:s8] =	ssyncadd.s32 $0xFFFF8000  }
0x172: {  	[spmem:s3] =	stream.indirect.scatter.add.f32 [tilespmem:s10], [sflag:$0x3], $0x40, s18, s7, $0xb8;
	[tilespmem:$0x1F800] =	vst v63  }
0x173: {  	_ =	swait.ge [sflag:s6], $0x8000  }
0x174: {  	[sflag:s6] =	ssyncset.done $0x0  }
0x175: {  	[sflag:s6] =	ssyncadd.s32 $0xFFFF8000  }
0x176: {  	[tilespmem:s10], [sflag:$0x1] =	stream.indirect.gather [hbm4b:s2+s7], $0x40, s19, s7, $0xb8;
	[tilespmem:$0x1F800] =	vst v63  }
0x177: {  	_ =	swait.ge [sflag:s11], $0x8000  }
0x178: {  	[sflag:s11] =	ssyncset.done $0x0  }
0x179: {  	[sflag:s11] =	ssyncadd.s32 $0xFFFF8000  }
0x17a: {  	[spmem:s3] =	stream.indirect.scatter.add.f32 [tilespmem:s9], [sflag:$0x3], $0x40, s17, s7, $0xb8;
	[tilespmem:$0x1F800] =	vst v63  }
0x17b: {  	_ =	swait.ge [sflag:s6], $0x8000  }
0x17c: {  	[sflag:s6] =	ssyncset.done $0x0  }
0x17d: {  	[sflag:s6] =	ssyncadd.s32 $0xFFFF8000  }
0x17e: {  	[tilespmem:s9], [sflag:$0x2] =	stream.indirect.gather [hbm4b:s2+s7], $0x40, s16, s7, $0xb8;
	[tilespmem:$0x1F800] =	vst v63  }
0x17f: {  	_ =	swait.ge [sflag:s8], $0x8000  }
0x180: {  	[sflag:s8] =	ssyncset.done $0x0  }
0x181: {  	[sflag:s8] =	ssyncadd.s32 $0xFFFF8000  }
0x182: {  	[spmem:s3] =	stream.indirect.scatter.add.f32 [tilespmem:s10], [sflag:$0x3], $0x40, s15, s7, $0xb8;
	[tilespmem:$0x1F800] =	vst v63  }
0x183: {  	_ =	swait.ge [sflag:s6], $0x8000  }
0x184: {  	[sflag:s6] =	ssyncset.done $0x0  }
0x185: {  	[sflag:s6] =	ssyncadd.s32 $0xFFFF8000  }
0x186: {  	[tilespmem:s10], [sflag:$0x1] =	stream.indirect.gather [hbm4b:s2+s7], $0x40, s14, s7, $0xb8;
	[tilespmem:$0x1F800] =	vst v63  }
0x187: {  	_ =	swait.ge [sflag:s11], $0x8000  }
0x188: {  	[sflag:s11] =	ssyncset.done $0x0  }
0x189: {  	[sflag:s11] =	ssyncadd.s32 $0xFFFF8000  }
0x18a: {  	[spmem:s3] =	stream.indirect.scatter.add.f32 [tilespmem:s9], [sflag:$0x3], $0x40, s13, s7, $0xb8;
	[tilespmem:$0x1F800] =	vst v63  }
0x18b: {  	_ =	swait.ge [sflag:s6], $0x8000  }
0x18c: {  	[sflag:s6] =	ssyncset.done $0x0  }
0x18d: {  	[sflag:s6] =	ssyncadd.s32 $0xFFFF8000  }
0x18e: {  	_ =	swait.ge [sflag:s8], $0x8000  }
0x18f: {  	p1 =	sne.s32 s1, $0x1;
	[sflag:s8] =	ssyncset.done $0x0  }
.Ltmp2:
0x190: {  	[sflag:s8] =	ssyncadd.s32 $0xFFFF8000;
	(pc) =	sbr.rel @p1 .LBB2_2-.Ltmp2, $4  }
0x191: {  	[bflag:$0x0] =	sbarrier.arrive $0xFFFF  }
0x192: {  	[hbm:s12], [sflag:s4] =	dma.local [spmem:s5], $0x1400  }
0x193: {  	_ =	swait.ge [sflag:s6], $0x1400  }
0x194: {  	s1 =	sadd.s32 $0xFFFFFFFF, s1;
	s0 =	rddreg [dreg:$0x4];
	[sflag:s6] =	ssyncset.done $0x0  }
.LBB2_3:
0x195: {  	[sflag:s6] =	ssyncadd.s32 @p0 $0xFFFFEC00  }
0x196: {  	[spmem:s5], [sflag:s4] =	dma.local [hbm:s0], $0x1400  }
0x197: {  	_ =	swait.ge [sflag:s6], $0x1400  }
0x198: {  	[sflag:s6] =	ssyncset.done $0x0  }
0x199: {  	s1 =	rddreg [dreg:$0x5];
	[sflag:s6] =	ssyncadd.s32 $0xFFFFEC00  }
0x19a: {  	[tilespmem:s31], [sflag:$0x3] =	stream.linear.gather [hbm4b:s1+s29], $0x2C00, $0x38;
	[tilespmem:$0x1F800] =	vst v63  }
0x19b: {  	_ =	swait.ge [sflag:s6], $0x2C00  }
0x19c: {  	[sflag:s6] =	ssyncset.done $0x0  }
0x19d: {  	s1 =	rddreg [dreg:$0x6];
	[sflag:s6] =	ssyncadd.s32 $0xFFFFD400  }
0x19e: {  	[tilespmem:s30], [sflag:$0x3] =	stream.linear.gather [hbm4b:s1+s29], $0x2C00, $0x38;
	[tilespmem:$0x1F800] =	vst v63  }
0x19f: {  	_ =	swait.ge [sflag:s6], $0x2C00  }
0x1a0: {  	[sflag:s6] =	ssyncset.done $0x0  }
0x1a1: {  	[sflag:s6] =	ssyncadd.s32 $0xFFFFD400  }
0x1a2: {  	[bflag:$0x0] =	sbarrier.arrive $0xFFFF  }
0x1a3: {  	[tilespmem:s10], [sflag:$0x1] =	stream.indirect.gather [hbm4b:s2+s7], $0x40, s31, s7, $0xb8;
	[tilespmem:$0x1F800] =	vst v63  }
0x1a4: {  	s29 =	rddreg [dreg:$0x7]  }
0x1a5: {  	[tilespmem:s9], [sflag:$0x2] =	stream.indirect.gather [hbm4b:s2+s7], $0x40, s29, s7, $0xb8;
	[tilespmem:$0x1F800] =	vst v63  }
0x1a6: {  	_ =	swait.ge [sflag:s8], $0x8000  }
0x1a7: {  	[sflag:s8] =	ssyncset.done $0x0  }
0x1a8: {  	[sflag:s8] =	ssyncadd.s32 $0xFFFF8000  }
0x1a9: {  	[spmem:s3] =	stream.indirect.scatter.add.f32 [tilespmem:s10], [sflag:$0x3], $0x40, s30, s7, $0xb8;
	[tilespmem:$0x1F800] =	vst v63  }
0x1aa: {  	_ =	swait.ge [sflag:s6], $0x8000  }
0x1ab: {  	[sflag:s6] =	ssyncset.done $0x0  }
0x1ac: {  	s1 =	rddreg [dreg:$0x8];
	[sflag:s6] =	ssyncadd.s32 $0xFFFF8000  }
0x1ad: {  	[tilespmem:s10], [sflag:$0x1] =	stream.indirect.gather [hbm4b:s2+s7], $0x40, s1, s7, $0xb8;
	[tilespmem:$0x1F800] =	vst v63  }
0x1ae: {  	_ =	swait.ge [sflag:s11], $0x8000  }
0x1af: {  	[sflag:s11] =	ssyncset.done $0x0  }
0x1b0: {  	s29 =	rddreg [dreg:$0x9];
	[sflag:s11] =	ssyncadd.s32 $0xFFFF8000  }
0x1b1: {  	[spmem:s3] =	stream.indirect.scatter.add.f32 [tilespmem:s9], [sflag:$0x3], $0x40, s29, s7, $0xb8;
	[tilespmem:$0x1F800] =	vst v63  }
0x1b2: {  	_ =	swait.ge [sflag:s6], $0x8000  }
0x1b3: {  	[sflag:s6] =	ssyncset.done $0x0  }
0x1b4: {  	s30 =	rddreg [dreg:$0xa];
	[sflag:s6] =	ssyncadd.s32 $0xFFFF8000  }
0x1b5: {  	[tilespmem:s9], [sflag:$0x2] =	stream.indirect.gather [hbm4b:s2+s7], $0x40, s30, s7, $0xb8;
	[tilespmem:$0x1F800] =	vst v63  }
0x1b6: {  	_ =	swait.ge [sflag:s8], $0x8000  }
0x1b7: {  	[sflag:s8] =	ssyncset.done $0x0  }
0x1b8: {  	s31 =	rddreg [dreg:$0xb];
	[sflag:s8] =	ssyncadd.s32 $0xFFFF8000  }
0x1b9: {  	[spmem:s3] =	stream.indirect.scatter.add.f32 [tilespmem:s10], [sflag:$0x3], $0x40, s31, s7, $0xb8;
	[tilespmem:$0x1F800] =	vst v63  }
0x1ba: {  	_ =	swait.ge [sflag:s6], $0x8000  }
0x1bb: {  	[sflag:s6] =	ssyncset.done $0x0  }
0x1bc: {  	s1 =	rddreg [dreg:$0xc];
	[sflag:s6] =	ssyncadd.s32 $0xFFFF8000  }
0x1bd: {  	[tilespmem:s10], [sflag:$0x1] =	stream.indirect.gather [hbm4b:s2+s7], $0x40, s1, s7, $0xb8;
	[tilespmem:$0x1F800] =	vst v63  }
0x1be: {  	_ =	swait.ge [sflag:s11], $0x8000  }
0x1bf: {  	[sflag:s11] =	ssyncset.done $0x0  }
0x1c0: {  	s29 =	rddreg [dreg:$0xd];
	[sflag:s11] =	ssyncadd.s32 $0xFFFF8000  }
0x1c1: {  	[spmem:s3] =	stream.indirect.scatter.add.f32 [tilespmem:s9], [sflag:$0x3], $0x40, s29, s7, $0xb8;
	[tilespmem:$0x1F800] =	vst v63  }
0x1c2: {  	_ =	swait.ge [sflag:s6], $0x8000  }
0x1c3: {  	[sflag:s6] =	ssyncset.done $0x0  }
0x1c4: {  	s30 =	rddreg [dreg:$0xe];
	[sflag:s6] =	ssyncadd.s32 $0xFFFF8000  }
0x1c5: {  	[tilespmem:s9], [sflag:$0x2] =	stream.indirect.gather [hbm4b:s2+s7], $0x40, s30, s7, $0xb8;
	[tilespmem:$0x1F800] =	vst v63  }
0x1c6: {  	_ =	swait.ge [sflag:s8], $0x8000  }
0x1c7: {  	[sflag:s8] =	ssyncset.done $0x0  }
0x1c8: {  	s31 =	rddreg [dreg:$0xf];
	[sflag:s8] =	ssyncadd.s32 $0xFFFF8000  }
0x1c9: {  	[spmem:s3] =	stream.indirect.scatter.add.f32 [tilespmem:s10], [sflag:$0x3], $0x40, s31, s7, $0xb8;
	[tilespmem:$0x1F800] =	vst v63  }
0x1ca: {  	_ =	swait.ge [sflag:s6], $0x8000  }
0x1cb: {  	[sflag:s6] =	ssyncset.done $0x0  }
0x1cc: {  	s1 =	rddreg [dreg:$0x10];
	[sflag:s6] =	ssyncadd.s32 $0xFFFF8000  }
0x1cd: {  	[tilespmem:s10], [sflag:$0x1] =	stream.indirect.gather [hbm4b:s2+s7], $0x40, s1, s7, $0xb8;
	[tilespmem:$0x1F800] =	vst v63  }
0x1ce: {  	_ =	swait.ge [sflag:s11], $0x8000  }
0x1cf: {  	[sflag:s11] =	ssyncset.done $0x0  }
0x1d0: {  	s29 =	rddreg [dreg:$0x11];
	[sflag:s11] =	ssyncadd.s32 $0xFFFF8000  }
0x1d1: {  	[spmem:s3] =	stream.indirect.scatter.add.f32 [tilespmem:s9], [sflag:$0x3], $0x40, s29, s7, $0xb8;
	[tilespmem:$0x1F800] =	vst v63  }
0x1d2: {  	_ =	swait.ge [sflag:s6], $0x8000  }
0x1d3: {  	[sflag:s6] =	ssyncset.done $0x0  }
0x1d4: {  	s30 =	rddreg [dreg:$0x12];
	[sflag:s6] =	ssyncadd.s32 $0xFFFF8000  }
0x1d5: {  	[tilespmem:s9], [sflag:$0x2] =	stream.indirect.gather [hbm4b:s2+s7], $0x40, s30, s7, $0xb8;
	[tilespmem:$0x1F800] =	vst v63  }
0x1d6: {  	_ =	swait.ge [sflag:s8], $0x8000  }
0x1d7: {  	[sflag:s8] =	ssyncset.done $0x0  }
0x1d8: {  	s31 =	rddreg [dreg:$0x13];
	[sflag:s8] =	ssyncadd.s32 $0xFFFF8000  }
0x1d9: {  	[spmem:s3] =	stream.indirect.scatter.add.f32 [tilespmem:s10], [sflag:$0x3], $0x40, s31, s7, $0xb8;
	[tilespmem:$0x1F800] =	vst v63  }
0x1da: {  	_ =	swait.ge [sflag:s6], $0x8000  }
0x1db: {  	[sflag:s6] =	ssyncset.done $0x0  }
0x1dc: {  	s1 =	rddreg [dreg:$0x14];
	[sflag:s6] =	ssyncadd.s32 $0xFFFF8000  }
0x1dd: {  	[tilespmem:s10], [sflag:$0x1] =	stream.indirect.gather [hbm4b:s2+s7], $0x40, s1, s7, $0xb8;
	[tilespmem:$0x1F800] =	vst v63  }
0x1de: {  	_ =	swait.ge [sflag:s11], $0x8000  }
0x1df: {  	[sflag:s11] =	ssyncset.done $0x0  }
0x1e0: {  	s29 =	rddreg [dreg:$0x15];
	[sflag:s11] =	ssyncadd.s32 $0xFFFF8000  }
0x1e1: {  	[spmem:s3] =	stream.indirect.scatter.add.f32 [tilespmem:s9], [sflag:$0x3], $0x40, s29, s7, $0xb8;
	[tilespmem:$0x1F800] =	vst v63  }
0x1e2: {  	_ =	swait.ge [sflag:s6], $0x8000  }
0x1e3: {  	[sflag:s6] =	ssyncset.done $0x0  }
0x1e4: {  	s30 =	rddreg [dreg:$0x16];
	[sflag:s6] =	ssyncadd.s32 $0xFFFF8000  }
0x1e5: {  	[tilespmem:s9], [sflag:$0x2] =	stream.indirect.gather [hbm4b:s2+s7], $0x40, s30, s7, $0xb8;
	[tilespmem:$0x1F800] =	vst v63  }
0x1e6: {  	_ =	swait.ge [sflag:s8], $0x8000  }
0x1e7: {  	[sflag:s8] =	ssyncset.done $0x0  }
0x1e8: {  	s31 =	rddreg [dreg:$0x17];
	[sflag:s8] =	ssyncadd.s32 $0xFFFF8000  }
0x1e9: {  	[spmem:s3] =	stream.indirect.scatter.add.f32 [tilespmem:s10], [sflag:$0x3], $0x40, s31, s7, $0xb8;
	[tilespmem:$0x1F800] =	vst v63  }
0x1ea: {  	_ =	swait.ge [sflag:s6], $0x8000  }
0x1eb: {  	[sflag:s6] =	ssyncset.done $0x0  }
0x1ec: {  	s1 =	rddreg [dreg:$0x18];
	[sflag:s6] =	ssyncadd.s32 $0xFFFF8000  }
0x1ed: {  	[tilespmem:s10], [sflag:$0x1] =	stream.indirect.gather [hbm4b:s2+s7], $0x40, s1, s7, $0xb8;
	[tilespmem:$0x1F800] =	vst v63  }
0x1ee: {  	_ =	swait.ge [sflag:s11], $0x8000  }
0x1ef: {  	[sflag:s11] =	ssyncset.done $0x0  }
0x1f0: {  	s29 =	rddreg [dreg:$0x19];
	[sflag:s11] =	ssyncadd.s32 $0xFFFF8000  }
0x1f1: {  	[spmem:s3] =	stream.indirect.scatter.add.f32 [tilespmem:s9], [sflag:$0x3], $0x40, s29, s7, $0xb8;
	[tilespmem:$0x1F800] =	vst v63  }
0x1f2: {  	_ =	swait.ge [sflag:s6], $0x8000  }
0x1f3: {  	[sflag:s6] =	ssyncset.done $0x0  }
0x1f4: {  	s30 =	rddreg [dreg:$0x1a];
	[sflag:s6] =	ssyncadd.s32 $0xFFFF8000  }
0x1f5: {  	[tilespmem:s9], [sflag:$0x2] =	stream.indirect.gather [hbm4b:s2+s7], $0x40, s30, s7, $0xb8;
	[tilespmem:$0x1F800] =	vst v63  }
0x1f6: {  	_ =	swait.ge [sflag:s8], $0x8000  }
0x1f7: {  	[sflag:s8] =	ssyncset.done $0x0  }
0x1f8: {  	s31 =	rddreg [dreg:$0x1b];
	[sflag:s8] =	ssyncadd.s32 $0xFFFF8000  }
0x1f9: {  	[spmem:s3] =	stream.indirect.scatter.add.f32 [tilespmem:s10], [sflag:$0x3], $0x40, s31, s7, $0xb8;
	[tilespmem:$0x1F800] =	vst v63  }
0x1fa: {  	_ =	swait.ge [sflag:s6], $0x8000  }
0x1fb: {  	[sflag:s6] =	ssyncset.done $0x0  }
0x1fc: {  	s1 =	rddreg [dreg:$0x1c];
	[sflag:s6] =	ssyncadd.s32 $0xFFFF8000  }
0x1fd: {  	[tilespmem:s10], [sflag:$0x1] =	stream.indirect.gather [hbm4b:s2+s7], $0x40, s1, s7, $0xb8;
	[tilespmem:$0x1F800] =	vst v63  }
0x1fe: {  	_ =	swait.ge [sflag:s11], $0x8000  }
0x1ff: {  	[sflag:s11] =	ssyncset.done $0x0  }
0x200: {  	s29 =	rddreg [dreg:$0x1d];
	[sflag:s11] =	ssyncadd.s32 $0xFFFF8000  }
0x201: {  	[spmem:s3] =	stream.indirect.scatter.add.f32 [tilespmem:s9], [sflag:$0x3], $0x40, s29, s7, $0xb8;
	[tilespmem:$0x1F800] =	vst v63  }
0x202: {  	_ =	swait.ge [sflag:s6], $0x8000  }
0x203: {  	[sflag:s6] =	ssyncset.done $0x0  }
0x204: {  	s30 =	rddreg [dreg:$0x1e];
	[sflag:s6] =	ssyncadd.s32 $0xFFFF8000  }
0x205: {  	[tilespmem:s9], [sflag:$0x2] =	stream.indirect.gather [hbm4b:s2+s7], $0x40, s30, s7, $0xb8;
	[tilespmem:$0x1F800] =	vst v63  }
0x206: {  	_ =	swait.ge [sflag:s8], $0x8000  }
0x207: {  	[sflag:s8] =	ssyncset.done $0x0  }
0x208: {  	[sflag:s8] =	ssyncadd.s32 $0xFFFF8000  }
0x209: {  	[spmem:s3] =	stream.indirect.scatter.add.f32 [tilespmem:s10], [sflag:$0x3], $0x40, s28, s7, $0xb8;
	[tilespmem:$0x1F800] =	vst v63  }
0x20a: {  	_ =	swait.ge [sflag:s6], $0x8000  }
0x20b: {  	[sflag:s6] =	ssyncset.done $0x0  }
0x20c: {  	[sflag:s6] =	ssyncadd.s32 $0xFFFF8000  }
0x20d: {  	[tilespmem:s10], [sflag:$0x1] =	stream.indirect.gather [hbm4b:s2+s7], $0x40, s26, s7, $0xb8;
	[tilespmem:$0x1F800] =	vst v63  }
0x20e: {  	_ =	swait.ge [sflag:s11], $0x8000  }
0x20f: {  	[sflag:s11] =	ssyncset.done $0x0  }
0x210: {  	[sflag:s11] =	ssyncadd.s32 $0xFFFF8000  }
0x211: {  	[spmem:s3] =	stream.indirect.scatter.add.f32 [tilespmem:s9], [sflag:$0x3], $0x40, s25, s7, $0xb8;
	[tilespmem:$0x1F800] =	vst v63  }
0x212: {  	_ =	swait.ge [sflag:s6], $0x8000  }
0x213: {  	[sflag:s6] =	ssyncset.done $0x0  }
0x214: {  	[sflag:s6] =	ssyncadd.s32 $0xFFFF8000  }
0x215: {  	[tilespmem:s9], [sflag:$0x2] =	stream.indirect.gather [hbm4b:s2+s7], $0x40, s24, s7, $0xb8;
	[tilespmem:$0x1F800] =	vst v63  }
0x216: {  	_ =	swait.ge [sflag:s8], $0x8000  }
0x217: {  	[sflag:s8] =	ssyncset.done $0x0  }
0x218: {  	[sflag:s8] =	ssyncadd.s32 $0xFFFF8000  }
0x219: {  	[spmem:s3] =	stream.indirect.scatter.add.f32 [tilespmem:s10], [sflag:$0x3], $0x40, s23, s7, $0xb8;
	[tilespmem:$0x1F800] =	vst v63  }
0x21a: {  	_ =	swait.ge [sflag:s6], $0x8000  }
0x21b: {  	[sflag:s6] =	ssyncset.done $0x0  }
0x21c: {  	[sflag:s6] =	ssyncadd.s32 $0xFFFF8000  }
0x21d: {  	[tilespmem:s10], [sflag:$0x1] =	stream.indirect.gather [hbm4b:s2+s7], $0x40, s22, s7, $0xb8;
	[tilespmem:$0x1F800] =	vst v63  }
0x21e: {  	_ =	swait.ge [sflag:s11], $0x8000  }
0x21f: {  	[sflag:s11] =	ssyncset.done $0x0  }
0x220: {  	[sflag:s11] =	ssyncadd.s32 $0xFFFF8000  }
0x221: {  	[spmem:s3] =	stream.indirect.scatter.add.f32 [tilespmem:s9], [sflag:$0x3], $0x40, s21, s7, $0xb8;
	[tilespmem:$0x1F800] =	vst v63  }
0x222: {  	_ =	swait.ge [sflag:s6], $0x8000  }
0x223: {  	[sflag:s6] =	ssyncset.done $0x0  }
0x224: {  	[sflag:s6] =	ssyncadd.s32 $0xFFFF8000  }
0x225: {  	[tilespmem:s9], [sflag:$0x2] =	stream.indirect.gather [hbm4b:s2+s7], $0x40, s20, s7, $0xb8;
	[tilespmem:$0x1F800] =	vst v63  }
0x226: {  	_ =	swait.ge [sflag:s8], $0x8000  }
0x227: {  	[sflag:s8] =	ssyncset.done $0x0  }
0x228: {  	[sflag:s8] =	ssyncadd.s32 $0xFFFF8000  }
0x229: {  	[spmem:s3] =	stream.indirect.scatter.add.f32 [tilespmem:s10], [sflag:$0x3], $0x40, s18, s7, $0xb8;
	[tilespmem:$0x1F800] =	vst v63  }
0x22a: {  	_ =	swait.ge [sflag:s6], $0x8000  }
0x22b: {  	[sflag:s6] =	ssyncset.done $0x0  }
0x22c: {  	[sflag:s6] =	ssyncadd.s32 $0xFFFF8000  }
0x22d: {  	[tilespmem:s10], [sflag:$0x1] =	stream.indirect.gather [hbm4b:s2+s7], $0x40, s19, s7, $0xb8;
	[tilespmem:$0x1F800] =	vst v63  }
0x22e: {  	_ =	swait.ge [sflag:s11], $0x8000  }
0x22f: {  	[sflag:s11] =	ssyncset.done $0x0  }
0x230: {  	[sflag:s11] =	ssyncadd.s32 $0xFFFF8000  }
0x231: {  	[spmem:s3] =	stream.indirect.scatter.add.f32 [tilespmem:s9], [sflag:$0x3], $0x40, s17, s7, $0xb8;
	[tilespmem:$0x1F800] =	vst v63  }
0x232: {  	_ =	swait.ge [sflag:s6], $0x8000  }
0x233: {  	[sflag:s6] =	ssyncset.done $0x0  }
0x234: {  	[sflag:s6] =	ssyncadd.s32 $0xFFFF8000  }
0x235: {  	[tilespmem:s9], [sflag:$0x2] =	stream.indirect.gather [hbm4b:s2+s7], $0x40, s16, s7, $0xb8;
	[tilespmem:$0x1F800] =	vst v63  }
0x236: {  	_ =	swait.ge [sflag:s8], $0x8000  }
0x237: {  	[sflag:s8] =	ssyncset.done $0x0  }
0x238: {  	[sflag:s8] =	ssyncadd.s32 $0xFFFF8000  }
0x239: {  	[spmem:s3] =	stream.indirect.scatter.add.f32 [tilespmem:s10], [sflag:$0x3], $0x40, s15, s7, $0xb8;
	[tilespmem:$0x1F800] =	vst v63  }
0x23a: {  	_ =	swait.ge [sflag:s6], $0x8000  }
0x23b: {  	[sflag:s6] =	ssyncset.done $0x0  }
0x23c: {  	[sflag:s6] =	ssyncadd.s32 $0xFFFF8000  }
0x23d: {  	[tilespmem:s10], [sflag:$0x1] =	stream.indirect.gather [hbm4b:s2+s7], $0x40, s14, s7, $0xb8;
	[tilespmem:$0x1F800] =	vst v63  }
0x23e: {  	_ =	swait.ge [sflag:s11], $0x8000  }
0x23f: {  	[sflag:s11] =	ssyncset.done $0x0  }
0x240: {  	[sflag:s11] =	ssyncadd.s32 $0xFFFF8000  }
0x241: {  	[spmem:s3] =	stream.indirect.scatter.add.f32 [tilespmem:s9], [sflag:$0x3], $0x40, s13, s7, $0xb8;
	[tilespmem:$0x1F800] =	vst v63  }
0x242: {  	_ =	swait.ge [sflag:s6], $0x8000  }
0x243: {  	[sflag:s6] =	ssyncset.done $0x0  }
0x244: {  	[sflag:s6] =	ssyncadd.s32 $0xFFFF8000  }
0x245: {  	_ =	swait.ge [sflag:s8], $0x8000  }
0x246: {  	[sflag:s8] =	ssyncset.done $0x0  }
0x247: {  	[sflag:s8] =	ssyncadd.s32 $0xFFFF8000  }
0x248: {  	[bflag:$0x0] =	sbarrier.arrive $0xFFFF  }
0x249: {  	[hbm:s12], [sflag:s4] =	dma.local [spmem:s5], $0x1400  }
0x24a: {  	_ =	swait.ge [sflag:s6], $0x1400  }
0x24b: {  	[sflag:s6] =	ssyncset.done $0x0  }
0x24c: {  	[sflag:s6] =	ssyncadd.s32 $0xFFFFEC00  }
0x24d: {  	_ =	sfence.sel $0x180000  }
0x24e: {  	[bflag:$0x0] =	sbarrier.arrive $0xFFFF  }
0x24f: {  	_ =	strace $0x9000004A  }
0x250: {  	s31 =	stileid.u32;
	[bflag:$0x2] =	sbarrier.arrive $0xFFFF  }
0x251: {  	p0 =	sne.s32 s31, $0x0;
	s0 =	rddreg [dreg:$0x3]  }
0x252: {  	s0 =	sadd.s32 @!p0 $0x100000, s0  }
0x253: {  	[sflag:s0] =	ssyncadd.tile.s32 @!p0 $0x1;
	_ =	shalt  }
.Lfunc_end2:
_tile_overlayer_lowered:
.L_overlay_start_2:
0x254: {  	(tag) =	ssettag $0x2  }
0x255: {  	s0 =	rddreg [dreg:$0x0];
	s2 =	stileid.u32  }
0x256: {  	s1 =	rddreg [dreg:$0x1];
	p0 =	sne.s32 s2, $0x0  }
0x257: {  	s3 =	rddreg [dreg:$0x2];
	[bflag:$0x3] =	sbarrier.arrive $0xFFFF;
	s2 =	simm.s32 @!p0 $0x1C03  }
0x258: {  	[timem:s3], [sflag:s2] =	dma.local @!p0 [hbm:s0], s1  }
0x259: {  	s0 =	simm.s32 @!p0 $0x3  }
0x25a: {  	_ =	swait.ge @!p0 [sflag:s0], s1  }
0x25b: {  	s1 =	ssub.s32 @!p0 $0x0, s1;
	[sflag:s0] =	ssyncset.done @!p0 $0x0  }
0x25c: {  	[sflag:s0] =	ssyncadd.s32 @!p0 s1  }
0x25d: {  	[bflag:$0x3] =	sbarrier.arrive $0xFFFF  }
0x25e: {  	_ =	shalt  }

// kernel: kernel.16.cloned.1.call-start
scs
__scs_entry_jumppad:
0x0: {  	(pc) =	sbr.rel $0x88, $3  }
0x1: {  	(tag) =	ssettag $0x0;
	lr =	simm.s32 $0x1  }
0x2: {  	[smem:$0x3F9A] =	sst lr;
	_ =	strace $0xD0000000  }
0x3: {  	_ = 	snop  }
0x4: {  	_ = 	snop  }
0x5: {  	_ = 	snop  }
0x6: {  	_ = 	snop  }
0x7: {  	_ = 	snop  }
__scs_overlays_trampoline_lowered:
0x8: {  	[smem:$0x3FA9] =	sst s0  }
0x9: {  	[smem:$0x3FAA] =	sst s1  }
0xa: {  	[smem:$0x3FAB] =	sst s2  }
0xb: {  	[smem:$0x3FAC] =	sst s3  }
0xc: {  	[smem:$0x3FAD] =	sst s4  }
0xd: {  	[smem:$0x3FAE] =	sst s5  }
0xe: {  	[smem:$0x3FAF] =	sst s6  }
0xf: {  	[smem:$0x3FB0] =	sst s7  }
0x10: {  	[smem:$0x3FB1] =	sst s8  }
0x11: {  	[smem:$0x3FB2] =	sst s9;
	s0 =	simm.s32 @!p0 $0x0  }
0x12: {  	s1 =	sld [smem:$0x3F98];
	s0 =	simm.s32 @p0 $0x1  }
0x13: {  	[smem:$0x3FB3] =	sst s0;
	s0 =	simm.s32 @!p1 $0x0  }
0x14: {  	s2 =	sld [smem:$0x3F97];
	s0 =	simm.s32 @p1 $0x1  }
0x15: {  	[smem:$0x3FB4] =	sst s0;
	s0 =	simm.s32 @!p2 $0x0  }
0x16: {  	s3 =	sld [smem:$0x3FDB];
	s0 =	simm.s32 @p2 $0x1  }
0x17: {  	s4 =	simm.s32 $0x1BF5;
	[smem:$0x3FB6] =	sst s0  }
0x18: {  	s0 =	sld [smem:$0x3F99];
	_ =	swait.ge [sflag:s4], $0x0  }
0x19: {  	s7 =	sld [smem:$0x3F9A]  }
0x1a: {  	s8 =	sadd.s32 $0xFFFFE003, lr  }
0x1b: {  	s9 =	sadd.s32 $0xFFFFFEF7, lr;
	s5 =	simm.s32 $0xFFFFFFFF;
	p2 =	slt.u32 s8, $0xFFFFF086  }
0x1c: {  	p1 =	slt.u32 s9, $0xF7A;
	s5 =	simm.s32 @!p2 $0x0  }
0x1d: {  	s5 =	simm.s32 @p1 $0x1;
	p0 =	seq.s32 s7, s2  }
0x1e: {  	s7 =	smul.u32 @!p0 $0xF7A, s2;
	p2 =	seq.s32 @!p0 s5, $0x0  }
0x1f: {  	s9 =	smul.u32 $0xF7A, s1;
	s8 =	simm.s32 @!p0 $0x1BF5;
	p2 =	por !p2, p0  }
0x20: {  	[sflag:s8] =	ssyncset.s32 @!p0 $0xFFFFF086;
	s6 =	sadd.s32 @!p0 s3, s7;
	s7 =	simm.s32 @!p0 $0x108  }
0x21: {  	s3 =	sadd.s32 s3, s9;
	s6 =	sadd.s32 @!p0 $0x88, s6;
	s7 =	simm.s32 @p2 $0x1082  }
0x22: {  	[simem:s7], [sflag:s8] =	dma.local @!p0 [hbm:s6], $0xF7A  }
0x23: {  	s9 =	sor.u32 $0xD0000000, s2;
	s6 =	simm.s32 $0x108;
	_ =	swait.ge @!p0 [sflag:s8], $0x0  }
0x24: {  	s3 =	sadd.s32 $0x88, s3;
	s6 =	simm.s32 @!p1 $0x1082;
	[sflag:s4] =	ssyncset.s32 $0xFFFFF086  }
0x25: {  	[simem:s6], [sflag:s4] =	dma.local [hbm:s3], $0xF7A  }
0x26: {  	[smem:$0x3F9A] =	sst s1;
	(tag) =	ssettag s2;
	_ =	strace s9  }
0x27: {  	s1 =	sld [smem:$0x3FAA]  }
0x28: {  	s2 =	sld [smem:$0x3FAB]  }
0x29: {  	s4 =	sld [smem:$0x3FAD]  }
0x2a: {  	p0 =	seq.s32 s5, $0x0;
	s5 =	sld [smem:$0x3FAE]  }
0x2b: {  	s6 =	sld [smem:$0x3FAF]  }
0x2c: {  	s7 =	sld [smem:$0x3FB0]  }
0x2d: {  	s3 =	simm.s32 $0x108;
	s8 =	sld [smem:$0x3FB1]  }
0x2e: {  	s3 =	simm.s32 @!p0 $0x1082;
	s9 =	sld [smem:$0x3FB2]  }
0x2f: {  	lr =	sadd.s32 s0, s3;
	s0 =	sld [smem:$0x3FA9]  }
0x30: {  	s3 =	sld [smem:$0x3FAC]  }
0x31: {  	[smem:$0x3FB5] =	sst s10  }
0x32: {  	s10 =	sld [smem:$0x3FB3];
	_ =	sdelay $0x3  }
0x33: {  	p0 =	seq.s32 s10, $0x1;
	s10 =	sld [smem:$0x3FB5];
	_ =	sdelay $0x3  }
0x34: {  	[smem:$0x3FB5] =	sst s10  }
0x35: {  	s10 =	sld [smem:$0x3FB4];
	_ =	sdelay $0x3  }
0x36: {  	p1 =	seq.s32 s10, $0x1;
	s10 =	sld [smem:$0x3FB5];
	_ =	sdelay $0x3  }
0x37: {  	[smem:$0x3FB5] =	sst s10  }
0x38: {  	s10 =	sld [smem:$0x3FB6]  }
0x39: {  	_ = 	snop;
	(pc) =	sbr.ind lr, $3  }
0x3a: {  	_ = 	snop  }
0x3b: {  	_ = 	snop  }
0x3c: {  	p2 =	seq.s32 s10, $0x1;
	s10 =	sld [smem:$0x3FB5]  }
0x3d: {  	_ =	shalt  }
0x3e: {  	_ =	shalt  }
0x3f: {  	_ =	shalt  }
0x40: {  	_ =	shalt  }
0x41: {  	_ =	shalt  }
0x42: {  	_ =	shalt  }
0x43: {  	_ =	shalt  }
0x44: {  	_ =	shalt  }
0x45: {  	_ =	shalt  }
0x46: {  	_ =	shalt  }
0x47: {  	_ =	shalt  }
0x48: {  	_ =	shalt  }
0x49: {  	_ =	shalt  }
0x4a: {  	_ =	shalt  }
0x4b: {  	_ =	shalt  }
0x4c: {  	_ =	shalt  }
0x4d: {  	_ =	shalt  }
0x4e: {  	_ =	shalt  }
0x4f: {  	_ =	shalt  }
0x50: {  	_ =	shalt  }
0x51: {  	_ =	shalt  }
0x52: {  	_ =	shalt  }
0x53: {  	_ =	shalt  }
0x54: {  	_ =	shalt  }
0x55: {  	_ =	shalt  }
0x56: {  	_ =	shalt  }
0x57: {  	_ =	shalt  }
0x58: {  	_ =	shalt  }
0x59: {  	_ =	shalt  }
0x5a: {  	_ =	shalt  }
0x5b: {  	_ =	shalt  }
0x5c: {  	_ =	shalt  }
0x5d: {  	_ =	shalt  }
0x5e: {  	_ =	shalt  }
0x5f: {  	_ =	shalt  }
0x60: {  	_ =	shalt  }
0x61: {  	_ =	shalt  }
0x62: {  	_ =	shalt  }
0x63: {  	_ =	shalt  }
0x64: {  	_ =	shalt  }
0x65: {  	_ =	shalt  }
0x66: {  	_ =	shalt  }
0x67: {  	_ =	shalt  }
0x68: {  	_ =	shalt  }
0x69: {  	_ =	shalt  }
0x6a: {  	_ =	shalt  }
0x6b: {  	_ =	shalt  }
0x6c: {  	_ =	shalt  }
0x6d: {  	_ =	shalt  }
0x6e: {  	_ =	shalt  }
0x6f: {  	_ =	shalt  }
0x70: {  	_ =	shalt  }
0x71: {  	_ =	shalt  }
0x72: {  	_ =	shalt  }
0x73: {  	_ =	shalt  }
0x74: {  	_ =	shalt  }
0x75: {  	_ =	shalt  }
0x76: {  	_ =	shalt  }
0x77: {  	_ =	shalt  }
0x78: {  	_ =	shalt  }
0x79: {  	_ =	shalt  }
0x7a: {  	_ =	shalt  }
0x7b: {  	_ =	shalt  }
0x7c: {  	_ =	shalt  }
0x7d: {  	_ =	shalt  }
0x7e: {  	_ =	shalt  }
0x7f: {  	_ =	shalt  }
0x80: {  	_ =	shalt  }
0x81: {  	_ =	shalt  }
0x82: {  	_ =	shalt  }
0x83: {  	_ =	shalt  }
0x84: {  	_ =	shalt  }
0x85: {  	_ =	shalt  }
0x86: {  	_ =	shalt  }
0x87: {  	_ =	shalt  }
.Lfunc_end0:
.L_simem_size_0:
called_computation.2_lowered:
.L_overlay_start_0:
0x88: {  	s2 =	sld [smem:$0x3FD9]  }
0x89: {  	s3 =	sld [smem:$0x3FFE];
	_ =	sdelay $0x1  }
0x8a: {  	s1 =	srdreg.scid  }
0x8b: {  	s0 =	sand.u32 $0x1, s1  }
0x8c: {  	s14 =	sshll.u32 s0, $0xA;
	s2 =	sadd.s32 s3, s2  }
0x8d: {  	s2 =	sadd.s32 s2, s14  }
0x8e: {  	[smem:$0x3FC1] =	sst s2  }
0x8f: {  	_ = 	snop  }
0x90: {  	s2 =	sld [smem:$0x3FD0];
	_ =	sdelay $0x2  }
0x91: {  	s15 =	simm.s32 $0xA;
	s4 =	simm.s32 $0x10  }
0x92: {  	[smem:s4], [sflag:s15] =	dma.local [hbm:s2], $0x1  }
0x93: {  	_ =	swait.eq [sflag:s15], $0x1  }
0x94: {  	[sflag:s15] =	ssyncset.done $0x0  }
0x95: {  	[sflag:s15] =	ssyncadd.s32 $0xFFFFFFFF  }
0x96: {  	s16 =	sld [smem:$0x10];
	(tm) =	ssettm $0x1  }
0x97: {  	s17 =	sld [smem:$0x3FFB];
	_ =	sdelay $0x3  }
0x98: {  	_ =	strace s17  }
0x99: {  	s3 =	sld [smem:$0x3FFC];
	_ =	sdelay $0x3  }
0x9a: {  	_ =	strace s3  }
0x9b: {  	s3 =	sld [smem:$0x3FFD];
	_ =	sdelay $0x3  }
0x9c: {  	_ =	strace s3  }
0x9d: {  	_ =	strace $0x8FFFFFFF  }
0x9e: {  	s18 =	sld [smem:$0x3FDB];
	_ =	sdelay $0x1  }
0x9f: {  	s19 =	simm.s32 $_scs_section_size  }
0xa0: {  	s5 =	simm.s32 $_size__tile_overlayer_lowered;
	s6 =	simm.s32 $_tile_overlayer_lowered  }
0xa1: {  	s22 =	simm.s32 $0x1BFF;
	s21 =	sshll.u32 s6, $0x1;
	s3 =	sadd.s32 s19, s18  }
0xa2: {  	s7 =	simm.s32 $0x0;
	s20 =	sshll.u32 s5, $0x1;
	s5 =	sadd.s32 s21, s3  }
0xa3: {  	[timem:s7], [sflag:s22] =	dma.local [hbm:s5], s20  }
0xa4: {  	_ =	swait.ge [sflag:s22], s20  }
0xa5: {  	s4 =	ssub.s32 $0x0, s20;
	[sflag:s22] =	ssyncset.done $0x0  }
0xa6: {  	[sflag:s22] =	ssyncadd.s32 s4;
	_ =	sdelay $0x1  }
0xa7: {  	s23 =	simm.s32 $0x1B8B  }
0xa8: {  	_ =	swait.ge [sflag:s23], $0x1  }
0xa9: {  	[sflag:s23] =	ssyncset.done $0x0  }
0xaa: {  	s25 =	simm.s32 $0x1B8E;
	s24 =	sld [smem:$0x3FFE];
	[sflag:s23] =	ssyncadd.s32 $0xFFFFFFFF  }
0xab: {  	s26 =	simm.s32 $execute0_lowered;
	[smem:$0x3FD2] =	sst s25  }
0xac: {  	s5 =	sshll.u32 s26, $0x1;
	_ =	strace $0x8000004C;
	[dreg:$0x1] =	wrdreg $0xFFFFFFFF  }
0xad: {  	s28 =	simm.s32 $_size_execute0_lowered;
	s3 =	sadd.s32 s3, s5;
	[dreg:$0x0] =	wrdreg $0x0  }
0xae: {  	s5 =	sshll.u32 s28, $0x1;
	[dreg:$0x2] =	wrdreg s3  }
0xaf: {  	[dreg:$0x3] =	wrdreg s5  }
0xb0: {  	[dreg:$0x4] =	wrdreg $0xC0  }
0xb1: {  	_ =	task [dreg:s7], $0x5FFFF  }
0xb2: {  	[dreg:$0x1] =	wrdreg $0xFFFFFFFF  }
0xb3: {  	[dreg:$0x0] =	wrdreg $0x60  }
0xb4: {  	[dreg:$0x2] =	wrdreg s16  }
0xb5: {  	[dreg:$0x3] =	wrdreg s24  }
0xb6: {  	[dreg:$0x4] =	wrdreg $0x0  }
0xb7: {  	[dreg:$0x5] =	wrdreg $0x9  }
0xb8: {  	_ =	task.clear_ibuf [dreg:s7], $0x6FFFF;
	_ =	strace $0x9000004C  }
0xb9: {  	s29 =	simm.s32 $0x9;
	_ =	strace $0x8000004E  }
0xba: {  	_ =	swait.ge [sflag:s29], $0x1  }
0xbb: {  	[sflag:s29] =	ssyncadd.s32 $0xFFFFFFFF  }
0xbc: {  	_ =	strace $0x9000004E  }
0xbd: {  	_ =	sfence  }
0xbe: {  	s30 =	sld [smem:$0x0];
	_ =	sdelay $0x2  }
0xbf: {  	s31 =	sshll.u32 s1, $0xD;
	s1 =	sshrl.u32 s1, $0x2  }
0xc0: {  	s3 =	sand.u32 $0x4000, s31;
	s1 =	sadd.s32 s1, s30  }
0xc1: {  	s0 =	sor.u32 s3, s0;
	s1 =	sshll.u32 s1, $0x11  }
0xc2: {  	s0 =	sor.u32 s1, s0  }
0xc3: {  	s0 =	sadd.s32 $0x8F2B, s0  }
0xc4: {  	[sflag:s0] =	ssyncadd.remote.s32 $0x1  }
0xc5: {  	_ =	sfence.sel $0xFFFF  }
0xc6: {  	[dreg:$0x0] =	wrdreg $0xFFFFFFFF;
	(pc) =	sbr.abs _section_cstart, $3  }
0xc7: {  	[dreg:$0x1] =	wrdreg $0xFFFFFFFF  }
0xc8: {  	_ =	task.clear_ibuf [dreg:s7], $0x2FFFF;
	_ =	strace $0x9FFFFFFF  }
0xc9: {  	(tm) =	ssettm $0x7FFFFFFF  }
tec
execute0_lowered:
.L_overlay_start_1:
0x0: {  	(tag) =	ssettag $0x1  }
0x1: {  	s2 =	rddreg [dreg:$0x0]  }
0x2: {  	s4 =	rddreg [dreg:$0x1]  }
0x3: {  	s3 =	rddreg [dreg:$0x2];
	s29 =	simm.s32 $0x0  }
0x4: {  	s20 =	simm.s32 $0xA200;
	[smem:$0x7FF] =	sst s29  }
0x5: {  	s21 =	simm.s32 $0xA400;
	_ =	strace $0x8000004D;
	[dreg:$0x7] =	wrdreg s20  }
0x6: {  	s22 =	simm.s32 $0xCE00;
	[dreg:$0x8] =	wrdreg s21  }
0x7: {  	s0 =	srdreg.scid;
	s23 =	simm.s32 $0xA600;
	[dreg:$0x9] =	wrdreg s22  }
0x8: {  	s8 =	stileid.u32;
	s25 =	simm.s32 $0xD000;
	[dreg:$0xa] =	wrdreg s23  }
0x9: {  	s26 =	simm.s32 $0xA800;
	s9 =	simm.s32 $0xD200;
	[dreg:$0xb] =	wrdreg s25  }
0xa: {  	s10 =	simm.s32 $0xAA00;
	s12 =	simm.s32 $0xD400;
	[dreg:$0xc] =	wrdreg s26  }
0xb: {  	s13 =	simm.s32 $0xAC00;
	s14 =	simm.s32 $0xD600;
	[dreg:$0xd] =	wrdreg s9  }
0xc: {  	s16 =	simm.s32 $0xAE00;
	s17 =	simm.s32 $0xD800;
	[dreg:$0xe] =	wrdreg s10  }
0xd: {  	s18 =	simm.s32 $0xB000;
	s31 =	simm.s32 $0xA000;
	[dreg:$0xf] =	wrdreg s12  }
0xe: {  	s30 =	simm.s32 $0xCC00;
	s28 =	simm.s32 $0xE400;
	[dreg:$0x10] =	wrdreg s13  }
0xf: {  	p0 =	por $0x0, $0x0;
	s0 =	sand.u32 $0x1, s0;
	[dreg:$0x11] =	wrdreg s14  }
0x10: {  	s5 =	smul.u32 $0xA000, s8;
	s15 =	sshll.u32 s8, $0x6;
	[dreg:$0x12] =	wrdreg s16  }
0x11: {  	s1 =	sshll.u32 s0, $0x4;
	s24 =	smul.u32 $0x14000, s0;
	[dreg:$0x13] =	wrdreg s17  }
0x12: {  	s0 =	ssub.s32 $0x2, s0;
	[dreg:$0x14] =	wrdreg s18;
	s20 =	simm.s32 $0xB200  }
0x13: {  	s21 =	simm.s32 $0xDC00;
	s22 =	simm.s32 $0xB400;
	s23 =	simm.s32 $0xDE00  }
0x14: {  	s10 =	simm.s32 $0xF800;
	s25 =	simm.s32 $0xE000;
	[dreg:$0x16] =	wrdreg s20  }
0x15: {  	s9 =	simm.s32 $0x17800;
	s13 =	simm.s32 $0xE200;
	[dreg:$0x17] =	wrdreg s21  }
0x16: {  	s26 =	simm.s32 $0xBA00;
	s18 =	simm.s32 $0xEC00;
	[dreg:$0x18] =	wrdreg s22  }
0x17: {  	s17 =	simm.s32 $0xEE00;
	s16 =	simm.s32 $0xC600;
	[dreg:$0x19] =	wrdreg s23  }
0x18: {  	s14 =	simm.s32 $0xC800;
	s1 =	sor.u32 s8, s1;
	[dreg:$0x1b] =	wrdreg s25  }
0x19: {  	s11 =	sshrl.u32 s0, $0x1;
	s8 =	simm.s32 $0x1;
	[dreg:$0x1d] =	wrdreg s13  }
0x1a: {  	[dreg:$0x1e] =	wrdreg s26;
	s26 =	simm.s32 $0xBC00;
	s25 =	simm.s32 $0xE600  }
0x1b: {  	s23 =	simm.s32 $0xE800;
	s22 =	simm.s32 $0xC000;
	s21 =	simm.s32 $0xEA00  }
0x1c: {  	s20 =	simm.s32 $0xC200;
	s13 =	simm.s32 $0xF200;
	s6 =	smul.u32 $0x580, s1  }
0x1d: {  	s1 =	sshrl.u32 s5, $0x3;
	s0 =	ssub.s32 s0, s11;
	s5 =	sadd.s32 s5, s3  }
0x1e: {  	s11 =	simm.s32 $0xB800;
	s7 =	sadd.s32 s1, s4;
	s0 =	smax.u32 s0, $0x1  }
0x1f: {  	s5 =	sshrl.u32 s5, $0x3;
	[dreg:$0x1c] =	wrdreg s11;
	s11 =	simm.s32 $0x2  }
0x20: {  	s6 =	sadd.s32 s6, s4;
	s7 =	sadd.s32 $0x4C800, s7;
	p1 =	sne.s32 s0, $0x1  }
0x21: {  	[dreg:$0x4] =	wrdreg s7;
	s19 =	sadd.s32 $0x1A600, s6;
	s6 =	sadd.s32 $0xCC00, s6  }
0x22: {  	s7 =	sadd.s32 s24, s4;
	s4 =	sor.u32 $0x1C03, s15;
	s24 =	simm.s32 $0xB600  }
.Ltmp0:
0x23: {  	s15 =	simm.s32 $0xF000;
	[dreg:$0x5] =	wrdreg s19;
	(pc) =	sbr.rel @!p1 .LBB2_3-.Ltmp0, $4  }
0x24: {  	[dreg:$0x6] =	wrdreg s6;
	s12 =	sadd.s32 $0x60800, s7;
	s19 =	simm.s32 $0xDA00  }
0x25: {  	s6 =	simm.s32 $0x3;
	s7 =	simm.s32 $0x200;
	[dreg:$0x1a] =	wrdreg s24  }
0x26: {  	s24 =	simm.s32 $0xBE00;
	[dreg:$0x15] =	wrdreg s19;
	s12 =	sadd.s32 s1, s12  }
0x27: {  	s1 =	sadd.s32 $0xFFFFFFFF, s0;
	s19 =	simm.s32 $0xC400;
	s0 =	rddreg [dreg:$0x4]  }
0x28: {  	[spmem:s5], [sflag:s4] =	dma.local [hbm:s0], $0x1400  }
0x29: {  	_ =	swait.ge [sflag:s6], $0x1400  }
0x2a: {  	[sflag:s6] =	ssyncset.done $0x0  }
0x2b: {  	s0 =	rddreg [dreg:$0x5];
	[sflag:s6] =	ssyncadd.s32 $0xFFFFEC00  }
0x2c: {  	[tilespmem:s31], [sflag:$0x3] =	stream.linear.gather [hbm4b:s0+s29], $0x2C00, $0x38;
	[tilespmem:$0x1F800] =	vst v63  }
0x2d: {  	_ =	swait.ge [sflag:s6], $0x2C00  }
0x2e: {  	[sflag:s6] =	ssyncset.done $0x0  }
0x2f: {  	s0 =	rddreg [dreg:$0x6];
	[sflag:s6] =	ssyncadd.s32 $0xFFFFD400  }
0x30: {  	[tilespmem:s30], [sflag:$0x3] =	stream.linear.gather [hbm4b:s0+s29], $0x2C00, $0x38;
	[tilespmem:$0x1F800] =	vst v63  }
0x31: {  	_ =	swait.ge [sflag:s6], $0x2C00  }
0x32: {  	[sflag:s6] =	ssyncset.done $0x0  }
0x33: {  	[sflag:s6] =	ssyncadd.s32 $0xFFFFD400  }
0x34: {  	[bflag:$0x0] =	sbarrier.arrive $0xFFFF  }
0x35: {  	[tilespmem:s10], [sflag:$0x1] =	stream.indirect.gather [hbm4b:s2+s7], $0x40, s31, s7, $0xb8;
	[tilespmem:$0x1F800] =	vst v63  }
0x36: {  	s0 =	rddreg [dreg:$0x7]  }
0x37: {  	[tilespmem:s9], [sflag:$0x2] =	stream.indirect.gather [hbm4b:s2+s7], $0x40, s0, s7, $0xb8;
	[tilespmem:$0x1F800] =	vst v63  }
0x38: {  	_ =	swait.ge [sflag:s8], $0x8000  }
0x39: {  	[sflag:s8] =	ssyncset.done $0x0  }
0x3a: {  	[sflag:s8] =	ssyncadd.s32 $0xFFFF8000  }
0x3b: {  	[spmem:s3] =	stream.indirect.scatter.add.f32 [tilespmem:s10], [sflag:$0x3], $0x40, s30, s7, $0xb8;
	[tilespmem:$0x1F800] =	vst v63  }
0x3c: {  	_ =	swait.ge [sflag:s6], $0x8000  }
0x3d: {  	[sflag:s6] =	ssyncset.done $0x0  }
0x3e: {  	s0 =	rddreg [dreg:$0x8];
	[sflag:s6] =	ssyncadd.s32 $0xFFFF8000  }
0x3f: {  	[tilespmem:s10], [sflag:$0x1] =	stream.indirect.gather [hbm4b:s2+s7], $0x40, s0, s7, $0xb8;
	[tilespmem:$0x1F800] =	vst v63  }
0x40: {  	_ =	swait.ge [sflag:s11], $0x8000  }
0x41: {  	[sflag:s11] =	ssyncset.done $0x0  }
0x42: {  	s0 =	rddreg [dreg:$0x9];
	[sflag:s11] =	ssyncadd.s32 $0xFFFF8000  }
0x43: {  	[spmem:s3] =	stream.indirect.scatter.add.f32 [tilespmem:s9], [sflag:$0x3], $0x40, s0, s7, $0xb8;
	[tilespmem:$0x1F800] =	vst v63  }
0x44: {  	_ =	swait.ge [sflag:s6], $0x8000  }
0x45: {  	[sflag:s6] =	ssyncset.done $0x0  }
0x46: {  	s0 =	rddreg [dreg:$0xa];
	[sflag:s6] =	ssyncadd.s32 $0xFFFF8000  }
0x47: {  	[tilespmem:s9], [sflag:$0x2] =	stream.indirect.gather [hbm4b:s2+s7], $0x40, s0, s7, $0xb8;
	[tilespmem:$0x1F800] =	vst v63  }
0x48: {  	_ =	swait.ge [sflag:s8], $0x8000  }
0x49: {  	[sflag:s8] =	ssyncset.done $0x0  }
0x4a: {  	s0 =	rddreg [dreg:$0xb];
	[sflag:s8] =	ssyncadd.s32 $0xFFFF8000  }
0x4b: {  	[spmem:s3] =	stream.indirect.scatter.add.f32 [tilespmem:s10], [sflag:$0x3], $0x40, s0, s7, $0xb8;
	[tilespmem:$0x1F800] =	vst v63  }
0x4c: {  	_ =	swait.ge [sflag:s6], $0x8000  }
0x4d: {  	[sflag:s6] =	ssyncset.done $0x0  }
0x4e: {  	s0 =	rddreg [dreg:$0xc];
	[sflag:s6] =	ssyncadd.s32 $0xFFFF8000  }
0x4f: {  	[tilespmem:s10], [sflag:$0x1] =	stream.indirect.gather [hbm4b:s2+s7], $0x40, s0, s7, $0xb8;
	[tilespmem:$0x1F800] =	vst v63  }
0x50: {  	_ =	swait.ge [sflag:s11], $0x8000  }
0x51: {  	[sflag:s11] =	ssyncset.done $0x0  }
0x52: {  	s0 =	rddreg [dreg:$0xd];
	[sflag:s11] =	ssyncadd.s32 $0xFFFF8000  }
0x53: {  	[spmem:s3] =	stream.indirect.scatter.add.f32 [tilespmem:s9], [sflag:$0x3], $0x40, s0, s7, $0xb8;
	[tilespmem:$0x1F800] =	vst v63  }
0x54: {  	_ =	swait.ge [sflag:s6], $0x8000  }
0x55: {  	[sflag:s6] =	ssyncset.done $0x0  }
0x56: {  	s0 =	rddreg [dreg:$0xe];
	[sflag:s6] =	ssyncadd.s32 $0xFFFF8000  }
0x57: {  	[tilespmem:s9], [sflag:$0x2] =	stream.indirect.gather [hbm4b:s2+s7], $0x40, s0, s7, $0xb8;
	[tilespmem:$0x1F800] =	vst v63  }
0x58: {  	_ =	swait.ge [sflag:s8], $0x8000  }
0x59: {  	[sflag:s8] =	ssyncset.done $0x0  }
0x5a: {  	s0 =	rddreg [dreg:$0xf];
	[sflag:s8] =	ssyncadd.s32 $0xFFFF8000  }
0x5b: {  	[spmem:s3] =	stream.indirect.scatter.add.f32 [tilespmem:s10], [sflag:$0x3], $0x40, s0, s7, $0xb8;
	[tilespmem:$0x1F800] =	vst v63  }
0x5c: {  	_ =	swait.ge [sflag:s6], $0x8000  }
0x5d: {  	[sflag:s6] =	ssyncset.done $0x0  }
0x5e: {  	s0 =	rddreg [dreg:$0x10];
	[sflag:s6] =	ssyncadd.s32 $0xFFFF8000  }
0x5f: {  	[tilespmem:s10], [sflag:$0x1] =	stream.indirect.gather [hbm4b:s2+s7], $0x40, s0, s7, $0xb8;
	[tilespmem:$0x1F800] =	vst v63  }
0x60: {  	_ =	swait.ge [sflag:s11], $0x8000  }
0x61: {  	[sflag:s11] =	ssyncset.done $0x0  }
0x62: {  	s0 =	rddreg [dreg:$0x11];
	[sflag:s11] =	ssyncadd.s32 $0xFFFF8000  }
0x63: {  	[spmem:s3] =	stream.indirect.scatter.add.f32 [tilespmem:s9], [sflag:$0x3], $0x40, s0, s7, $0xb8;
	[tilespmem:$0x1F800] =	vst v63  }
0x64: {  	_ =	swait.ge [sflag:s6], $0x8000  }
0x65: {  	[sflag:s6] =	ssyncset.done $0x0  }
0x66: {  	s0 =	rddreg [dreg:$0x12];
	[sflag:s6] =	ssyncadd.s32 $0xFFFF8000  }
0x67: {  	[tilespmem:s9], [sflag:$0x2] =	stream.indirect.gather [hbm4b:s2+s7], $0x40, s0, s7, $0xb8;
	[tilespmem:$0x1F800] =	vst v63  }
0x68: {  	_ =	swait.ge [sflag:s8], $0x8000  }
0x69: {  	[sflag:s8] =	ssyncset.done $0x0  }
0x6a: {  	s0 =	rddreg [dreg:$0x13];
	[sflag:s8] =	ssyncadd.s32 $0xFFFF8000  }
0x6b: {  	[spmem:s3] =	stream.indirect.scatter.add.f32 [tilespmem:s10], [sflag:$0x3], $0x40, s0, s7, $0xb8;
	[tilespmem:$0x1F800] =	vst v63  }
0x6c: {  	_ =	swait.ge [sflag:s6], $0x8000  }
0x6d: {  	[sflag:s6] =	ssyncset.done $0x0  }
0x6e: {  	s0 =	rddreg [dreg:$0x14];
	[sflag:s6] =	ssyncadd.s32 $0xFFFF8000  }
0x6f: {  	[tilespmem:s10], [sflag:$0x1] =	stream.indirect.gather [hbm4b:s2+s7], $0x40, s0, s7, $0xb8;
	[tilespmem:$0x1F800] =	vst v63  }
0x70: {  	_ =	swait.ge [sflag:s11], $0x8000  }
0x71: {  	[sflag:s11] =	ssyncset.done $0x0  }
0x72: {  	s0 =	rddreg [dreg:$0x15];
	[sflag:s11] =	ssyncadd.s32 $0xFFFF8000  }
0x73: {  	[spmem:s3] =	stream.indirect.scatter.add.f32 [tilespmem:s9], [sflag:$0x3], $0x40, s0, s7, $0xb8;
	[tilespmem:$0x1F800] =	vst v63  }
0x74: {  	_ =	swait.ge [sflag:s6], $0x8000  }
0x75: {  	[sflag:s6] =	ssyncset.done $0x0  }
0x76: {  	s0 =	rddreg [dreg:$0x16];
	[sflag:s6] =	ssyncadd.s32 $0xFFFF8000  }
0x77: {  	[tilespmem:s9], [sflag:$0x2] =	stream.indirect.gather [hbm4b:s2+s7], $0x40, s0, s7, $0xb8;
	[tilespmem:$0x1F800] =	vst v63  }
0x78: {  	_ =	swait.ge [sflag:s8], $0x8000  }
0x79: {  	[sflag:s8] =	ssyncset.done $0x0  }
0x7a: {  	s0 =	rddreg [dreg:$0x17];
	[sflag:s8] =	ssyncadd.s32 $0xFFFF8000  }
0x7b: {  	[spmem:s3] =	stream.indirect.scatter.add.f32 [tilespmem:s10], [sflag:$0x3], $0x40, s0, s7, $0xb8;
	[tilespmem:$0x1F800] =	vst v63  }
0x7c: {  	_ =	swait.ge [sflag:s6], $0x8000  }
0x7d: {  	[sflag:s6] =	ssyncset.done $0x0  }
0x7e: {  	s0 =	rddreg [dreg:$0x18];
	[sflag:s6] =	ssyncadd.s32 $0xFFFF8000  }
0x7f: {  	[tilespmem:s10], [sflag:$0x1] =	stream.indirect.gather [hbm4b:s2+s7], $0x40, s0, s7, $0xb8;
	[tilespmem:$0x1F800] =	vst v63  }
0x80: {  	_ =	swait.ge [sflag:s11], $0x8000  }
0x81: {  	[sflag:s11] =	ssyncset.done $0x0  }
0x82: {  	s0 =	rddreg [dreg:$0x19];
	[sflag:s11] =	ssyncadd.s32 $0xFFFF8000  }
0x83: {  	[spmem:s3] =	stream.indirect.scatter.add.f32 [tilespmem:s9], [sflag:$0x3], $0x40, s0, s7, $0xb8;
	[tilespmem:$0x1F800] =	vst v63  }
0x84: {  	_ =	swait.ge [sflag:s6], $0x8000  }
0x85: {  	[sflag:s6] =	ssyncset.done $0x0  }
0x86: {  	s0 =	rddreg [dreg:$0x1a];
	[sflag:s6] =	ssyncadd.s32 $0xFFFF8000  }
0x87: {  	[tilespmem:s9], [sflag:$0x2] =	stream.indirect.gather [hbm4b:s2+s7], $0x40, s0, s7, $0xb8;
	[tilespmem:$0x1F800] =	vst v63  }
0x88: {  	_ =	swait.ge [sflag:s8], $0x8000  }
0x89: {  	[sflag:s8] =	ssyncset.done $0x0  }
0x8a: {  	s0 =	rddreg [dreg:$0x1b];
	[sflag:s8] =	ssyncadd.s32 $0xFFFF8000  }
0x8b: {  	[spmem:s3] =	stream.indirect.scatter.add.f32 [tilespmem:s10], [sflag:$0x3], $0x40, s0, s7, $0xb8;
	[tilespmem:$0x1F800] =	vst v63  }
0x8c: {  	_ =	swait.ge [sflag:s6], $0x8000  }
0x8d: {  	[sflag:s6] =	ssyncset.done $0x0  }
0x8e: {  	s0 =	rddreg [dreg:$0x1c];
	[sflag:s6] =	ssyncadd.s32 $0xFFFF8000  }
0x8f: {  	[tilespmem:s10], [sflag:$0x1] =	stream.indirect.gather [hbm4b:s2+s7], $0x40, s0, s7, $0xb8;
	[tilespmem:$0x1F800] =	vst v63  }
0x90: {  	_ =	swait.ge [sflag:s11], $0x8000  }
0x91: {  	[sflag:s11] =	ssyncset.done $0x0  }
0x92: {  	s0 =	rddreg [dreg:$0x1d];
	[sflag:s11] =	ssyncadd.s32 $0xFFFF8000  }
0x93: {  	[spmem:s3] =	stream.indirect.scatter.add.f32 [tilespmem:s9], [sflag:$0x3], $0x40, s0, s7, $0xb8;
	[tilespmem:$0x1F800] =	vst v63  }
0x94: {  	_ =	swait.ge [sflag:s6], $0x8000  }
0x95: {  	[sflag:s6] =	ssyncset.done $0x0  }
0x96: {  	s0 =	rddreg [dreg:$0x1e];
	[sflag:s6] =	ssyncadd.s32 $0xFFFF8000  }
0x97: {  	[tilespmem:s9], [sflag:$0x2] =	stream.indirect.gather [hbm4b:s2+s7], $0x40, s0, s7, $0xb8;
	[tilespmem:$0x1F800] =	vst v63  }
0x98: {  	_ =	swait.ge [sflag:s8], $0x8000  }
0x99: {  	[sflag:s8] =	ssyncset.done $0x0  }
0x9a: {  	[sflag:s8] =	ssyncadd.s32 $0xFFFF8000  }
0x9b: {  	[spmem:s3] =	stream.indirect.scatter.add.f32 [tilespmem:s10], [sflag:$0x3], $0x40, s28, s7, $0xb8;
	[tilespmem:$0x1F800] =	vst v63  }
0x9c: {  	_ =	swait.ge [sflag:s6], $0x8000  }
0x9d: {  	[sflag:s6] =	ssyncset.done $0x0  }
0x9e: {  	[sflag:s6] =	ssyncadd.s32 $0xFFFF8000  }
0x9f: {  	[tilespmem:s10], [sflag:$0x1] =	stream.indirect.gather [hbm4b:s2+s7], $0x40, s26, s7, $0xb8;
	[tilespmem:$0x1F800] =	vst v63  }
0xa0: {  	_ =	swait.ge [sflag:s11], $0x8000  }
0xa1: {  	[sflag:s11] =	ssyncset.done $0x0  }
0xa2: {  	[sflag:s11] =	ssyncadd.s32 $0xFFFF8000  }
0xa3: {  	[spmem:s3] =	stream.indirect.scatter.add.f32 [tilespmem:s9], [sflag:$0x3], $0x40, s25, s7, $0xb8;
	[tilespmem:$0x1F800] =	vst v63  }
0xa4: {  	_ =	swait.ge [sflag:s6], $0x8000  }
0xa5: {  	[sflag:s6] =	ssyncset.done $0x0  }
0xa6: {  	[sflag:s6] =	ssyncadd.s32 $0xFFFF8000  }
0xa7: {  	[tilespmem:s9], [sflag:$0x2] =	stream.indirect.gather [hbm4b:s2+s7], $0x40, s24, s7, $0xb8;
	[tilespmem:$0x1F800] =	vst v63  }
0xa8: {  	_ =	swait.ge [sflag:s8], $0x8000  }
0xa9: {  	[sflag:s8] =	ssyncset.done $0x0  }
0xaa: {  	[sflag:s8] =	ssyncadd.s32 $0xFFFF8000  }
0xab: {  	[spmem:s3] =	stream.indirect.scatter.add.f32 [tilespmem:s10], [sflag:$0x3], $0x40, s23, s7, $0xb8;
	[tilespmem:$0x1F800] =	vst v63  }
0xac: {  	_ =	swait.ge [sflag:s6], $0x8000  }
0xad: {  	[sflag:s6] =	ssyncset.done $0x0  }
0xae: {  	[sflag:s6] =	ssyncadd.s32 $0xFFFF8000  }
0xaf: {  	[tilespmem:s10], [sflag:$0x1] =	stream.indirect.gather [hbm4b:s2+s7], $0x40, s22, s7, $0xb8;
	[tilespmem:$0x1F800] =	vst v63  }
0xb0: {  	_ =	swait.ge [sflag:s11], $0x8000  }
0xb1: {  	[sflag:s11] =	ssyncset.done $0x0  }
0xb2: {  	[sflag:s11] =	ssyncadd.s32 $0xFFFF8000  }
0xb3: {  	[spmem:s3] =	stream.indirect.scatter.add.f32 [tilespmem:s9], [sflag:$0x3], $0x40, s21, s7, $0xb8;
	[tilespmem:$0x1F800] =	vst v63  }
0xb4: {  	_ =	swait.ge [sflag:s6], $0x8000  }
0xb5: {  	[sflag:s6] =	ssyncset.done $0x0  }
0xb6: {  	[sflag:s6] =	ssyncadd.s32 $0xFFFF8000  }
0xb7: {  	[tilespmem:s9], [sflag:$0x2] =	stream.indirect.gather [hbm4b:s2+s7], $0x40, s20, s7, $0xb8;
	[tilespmem:$0x1F800] =	vst v63  }
0xb8: {  	_ =	swait.ge [sflag:s8], $0x8000  }
0xb9: {  	[sflag:s8] =	ssyncset.done $0x0  }
0xba: {  	[sflag:s8] =	ssyncadd.s32 $0xFFFF8000  }
0xbb: {  	[spmem:s3] =	stream.indirect.scatter.add.f32 [tilespmem:s10], [sflag:$0x3], $0x40, s18, s7, $0xb8;
	[tilespmem:$0x1F800] =	vst v63  }
0xbc: {  	_ =	swait.ge [sflag:s6], $0x8000  }
0xbd: {  	[sflag:s6] =	ssyncset.done $0x0  }
0xbe: {  	[sflag:s6] =	ssyncadd.s32 $0xFFFF8000  }
0xbf: {  	[tilespmem:s10], [sflag:$0x1] =	stream.indirect.gather [hbm4b:s2+s7], $0x40, s19, s7, $0xb8;
	[tilespmem:$0x1F800] =	vst v63  }
0xc0: {  	_ =	swait.ge [sflag:s11], $0x8000  }
0xc1: {  	[sflag:s11] =	ssyncset.done $0x0  }
0xc2: {  	[sflag:s11] =	ssyncadd.s32 $0xFFFF8000  }
0xc3: {  	[spmem:s3] =	stream.indirect.scatter.add.f32 [tilespmem:s9], [sflag:$0x3], $0x40, s17, s7, $0xb8;
	[tilespmem:$0x1F800] =	vst v63  }
0xc4: {  	_ =	swait.ge [sflag:s6], $0x8000  }
0xc5: {  	[sflag:s6] =	ssyncset.done $0x0  }
0xc6: {  	[sflag:s6] =	ssyncadd.s32 $0xFFFF8000  }
0xc7: {  	[tilespmem:s9], [sflag:$0x2] =	stream.indirect.gather [hbm4b:s2+s7], $0x40, s16, s7, $0xb8;
	[tilespmem:$0x1F800] =	vst v63  }
0xc8: {  	_ =	swait.ge [sflag:s8], $0x8000  }
0xc9: {  	[sflag:s8] =	ssyncset.done $0x0  }
0xca: {  	[sflag:s8] =	ssyncadd.s32 $0xFFFF8000  }
0xcb: {  	[spmem:s3] =	stream.indirect.scatter.add.f32 [tilespmem:s10], [sflag:$0x3], $0x40, s15, s7, $0xb8;
	[tilespmem:$0x1F800] =	vst v63  }
0xcc: {  	_ =	swait.ge [sflag:s6], $0x8000  }
0xcd: {  	[sflag:s6] =	ssyncset.done $0x0  }
0xce: {  	[sflag:s6] =	ssyncadd.s32 $0xFFFF8000  }
0xcf: {  	[tilespmem:s10], [sflag:$0x1] =	stream.indirect.gather [hbm4b:s2+s7], $0x40, s14, s7, $0xb8;
	[tilespmem:$0x1F800] =	vst v63  }
0xd0: {  	_ =	swait.ge [sflag:s11], $0x8000  }
0xd1: {  	[sflag:s11] =	ssyncset.done $0x0  }
0xd2: {  	[sflag:s11] =	ssyncadd.s32 $0xFFFF8000  }
0xd3: {  	[spmem:s3] =	stream.indirect.scatter.add.f32 [tilespmem:s9], [sflag:$0x3], $0x40, s13, s7, $0xb8;
	[tilespmem:$0x1F800] =	vst v63  }
0xd4: {  	_ =	swait.ge [sflag:s6], $0x8000  }
0xd5: {  	[sflag:s6] =	ssyncset.done $0x0  }
0xd6: {  	[sflag:s6] =	ssyncadd.s32 $0xFFFF8000  }
0xd7: {  	_ =	swait.ge [sflag:s8], $0x8000  }
0xd8: {  	p1 =	sne.s32 s1, $0x1;
	[sflag:s8] =	ssyncset.done $0x0  }
.Ltmp1:
0xd9: {  	[sflag:s8] =	ssyncadd.s32 $0xFFFF8000;
	(pc) =	sbr.rel @!p1 .LBB2_3-.Ltmp1, $4  }
0xda: {  	[bflag:$0x0] =	sbarrier.arrive $0xFFFF  }
0xdb: {  	[hbm:s12], [sflag:s4] =	dma.local [spmem:s5], $0x1400  }
0xdc: {  	s1 =	sadd.s32 $0xFFFFFFFF, s1;
	_ =	swait.ge [sflag:s6], $0x1400  }
0xdd: {  	p0 =	por $0x1, $0x1;
	s0 =	rddreg [dreg:$0x4];
	[sflag:s6] =	ssyncset.done $0x0  }
.LBB2_2:
0xde: {  	[sflag:s6] =	ssyncadd.s32 $0xFFFFEC00  }
0xdf: {  	[spmem:s5], [sflag:s4] =	dma.local [hbm:s0], $0x1400  }
0xe0: {  	_ =	swait.ge [sflag:s6], $0x1400  }
0xe1: {  	[sflag:s6] =	ssyncset.done $0x0  }
0xe2: {  	s0 =	rddreg [dreg:$0x5];
	[sflag:s6] =	ssyncadd.s32 $0xFFFFEC00  }
0xe3: {  	[tilespmem:s31], [sflag:$0x3] =	stream.linear.gather [hbm4b:s0+s29], $0x2C00, $0x38;
	[tilespmem:$0x1F800] =	vst v63  }
0xe4: {  	_ =	swait.ge [sflag:s6], $0x2C00  }
0xe5: {  	[sflag:s6] =	ssyncset.done $0x0  }
0xe6: {  	s0 =	rddreg [dreg:$0x6];
	[sflag:s6] =	ssyncadd.s32 $0xFFFFD400  }
0xe7: {  	[tilespmem:s30], [sflag:$0x3] =	stream.linear.gather [hbm4b:s0+s29], $0x2C00, $0x38;
	[tilespmem:$0x1F800] =	vst v63  }
0xe8: {  	_ =	swait.ge [sflag:s6], $0x2C00  }
0xe9: {  	[sflag:s6] =	ssyncset.done $0x0  }
0xea: {  	[sflag:s6] =	ssyncadd.s32 $0xFFFFD400  }
0xeb: {  	[bflag:$0x0] =	sbarrier.arrive $0xFFFF  }
0xec: {  	[tilespmem:s10], [sflag:$0x1] =	stream.indirect.gather [hbm4b:s2+s7], $0x40, s31, s7, $0xb8;
	[tilespmem:$0x1F800] =	vst v63  }
0xed: {  	s0 =	rddreg [dreg:$0x7]  }
0xee: {  	[tilespmem:s9], [sflag:$0x2] =	stream.indirect.gather [hbm4b:s2+s7], $0x40, s0, s7, $0xb8;
	[tilespmem:$0x1F800] =	vst v63  }
0xef: {  	_ =	swait.ge [sflag:s8], $0x8000  }
0xf0: {  	[sflag:s8] =	ssyncset.done $0x0  }
0xf1: {  	[sflag:s8] =	ssyncadd.s32 $0xFFFF8000  }
0xf2: {  	[spmem:s3] =	stream.indirect.scatter.add.f32 [tilespmem:s10], [sflag:$0x3], $0x40, s30, s7, $0xb8;
	[tilespmem:$0x1F800] =	vst v63  }
0xf3: {  	_ =	swait.ge [sflag:s6], $0x8000  }
0xf4: {  	[sflag:s6] =	ssyncset.done $0x0  }
0xf5: {  	s0 =	rddreg [dreg:$0x8];
	[sflag:s6] =	ssyncadd.s32 $0xFFFF8000  }
0xf6: {  	[tilespmem:s10], [sflag:$0x1] =	stream.indirect.gather [hbm4b:s2+s7], $0x40, s0, s7, $0xb8;
	[tilespmem:$0x1F800] =	vst v63  }
0xf7: {  	_ =	swait.ge [sflag:s11], $0x8000  }
0xf8: {  	[sflag:s11] =	ssyncset.done $0x0  }
0xf9: {  	s0 =	rddreg [dreg:$0x9];
	[sflag:s11] =	ssyncadd.s32 $0xFFFF8000  }
0xfa: {  	[spmem:s3] =	stream.indirect.scatter.add.f32 [tilespmem:s9], [sflag:$0x3], $0x40, s0, s7, $0xb8;
	[tilespmem:$0x1F800] =	vst v63  }
0xfb: {  	_ =	swait.ge [sflag:s6], $0x8000  }
0xfc: {  	[sflag:s6] =	ssyncset.done $0x0  }
0xfd: {  	s0 =	rddreg [dreg:$0xa];
	[sflag:s6] =	ssyncadd.s32 $0xFFFF8000  }
0xfe: {  	[tilespmem:s9], [sflag:$0x2] =	stream.indirect.gather [hbm4b:s2+s7], $0x40, s0, s7, $0xb8;
	[tilespmem:$0x1F800] =	vst v63  }
0xff: {  	_ =	swait.ge [sflag:s8], $0x8000  }
0x100: {  	[sflag:s8] =	ssyncset.done $0x0  }
0x101: {  	s0 =	rddreg [dreg:$0xb];
	[sflag:s8] =	ssyncadd.s32 $0xFFFF8000  }
0x102: {  	[spmem:s3] =	stream.indirect.scatter.add.f32 [tilespmem:s10], [sflag:$0x3], $0x40, s0, s7, $0xb8;
	[tilespmem:$0x1F800] =	vst v63  }
0x103: {  	_ =	swait.ge [sflag:s6], $0x8000  }
0x104: {  	[sflag:s6] =	ssyncset.done $0x0  }
0x105: {  	s0 =	rddreg [dreg:$0xc];
	[sflag:s6] =	ssyncadd.s32 $0xFFFF8000  }
0x106: {  	[tilespmem:s10], [sflag:$0x1] =	stream.indirect.gather [hbm4b:s2+s7], $0x40, s0, s7, $0xb8;
	[tilespmem:$0x1F800] =	vst v63  }
0x107: {  	_ =	swait.ge [sflag:s11], $0x8000  }
0x108: {  	[sflag:s11] =	ssyncset.done $0x0  }
0x109: {  	s0 =	rddreg [dreg:$0xd];
	[sflag:s11] =	ssyncadd.s32 $0xFFFF8000  }
0x10a: {  	[spmem:s3] =	stream.indirect.scatter.add.f32 [tilespmem:s9], [sflag:$0x3], $0x40, s0, s7, $0xb8;
	[tilespmem:$0x1F800] =	vst v63  }
0x10b: {  	_ =	swait.ge [sflag:s6], $0x8000  }
0x10c: {  	[sflag:s6] =	ssyncset.done $0x0  }
0x10d: {  	s0 =	rddreg [dreg:$0xe];
	[sflag:s6] =	ssyncadd.s32 $0xFFFF8000  }
0x10e: {  	[tilespmem:s9], [sflag:$0x2] =	stream.indirect.gather [hbm4b:s2+s7], $0x40, s0, s7, $0xb8;
	[tilespmem:$0x1F800] =	vst v63  }
0x10f: {  	_ =	swait.ge [sflag:s8], $0x8000  }
0x110: {  	[sflag:s8] =	ssyncset.done $0x0  }
0x111: {  	s0 =	rddreg [dreg:$0xf];
	[sflag:s8] =	ssyncadd.s32 $0xFFFF8000  }
0x112: {  	[spmem:s3] =	stream.indirect.scatter.add.f32 [tilespmem:s10], [sflag:$0x3], $0x40, s0, s7, $0xb8;
	[tilespmem:$0x1F800] =	vst v63  }
0x113: {  	_ =	swait.ge [sflag:s6], $0x8000  }
0x114: {  	[sflag:s6] =	ssyncset.done $0x0  }
0x115: {  	s0 =	rddreg [dreg:$0x10];
	[sflag:s6] =	ssyncadd.s32 $0xFFFF8000  }
0x116: {  	[tilespmem:s10], [sflag:$0x1] =	stream.indirect.gather [hbm4b:s2+s7], $0x40, s0, s7, $0xb8;
	[tilespmem:$0x1F800] =	vst v63  }
0x117: {  	_ =	swait.ge [sflag:s11], $0x8000  }
0x118: {  	[sflag:s11] =	ssyncset.done $0x0  }
0x119: {  	s0 =	rddreg [dreg:$0x11];
	[sflag:s11] =	ssyncadd.s32 $0xFFFF8000  }
0x11a: {  	[spmem:s3] =	stream.indirect.scatter.add.f32 [tilespmem:s9], [sflag:$0x3], $0x40, s0, s7, $0xb8;
	[tilespmem:$0x1F800] =	vst v63  }
0x11b: {  	_ =	swait.ge [sflag:s6], $0x8000  }
0x11c: {  	[sflag:s6] =	ssyncset.done $0x0  }
0x11d: {  	s0 =	rddreg [dreg:$0x12];
	[sflag:s6] =	ssyncadd.s32 $0xFFFF8000  }
0x11e: {  	[tilespmem:s9], [sflag:$0x2] =	stream.indirect.gather [hbm4b:s2+s7], $0x40, s0, s7, $0xb8;
	[tilespmem:$0x1F800] =	vst v63  }
0x11f: {  	_ =	swait.ge [sflag:s8], $0x8000  }
0x120: {  	[sflag:s8] =	ssyncset.done $0x0  }
0x121: {  	s0 =	rddreg [dreg:$0x13];
	[sflag:s8] =	ssyncadd.s32 $0xFFFF8000  }
0x122: {  	[spmem:s3] =	stream.indirect.scatter.add.f32 [tilespmem:s10], [sflag:$0x3], $0x40, s0, s7, $0xb8;
	[tilespmem:$0x1F800] =	vst v63  }
0x123: {  	_ =	swait.ge [sflag:s6], $0x8000  }
0x124: {  	[sflag:s6] =	ssyncset.done $0x0  }
0x125: {  	s0 =	rddreg [dreg:$0x14];
	[sflag:s6] =	ssyncadd.s32 $0xFFFF8000  }
0x126: {  	[tilespmem:s10], [sflag:$0x1] =	stream.indirect.gather [hbm4b:s2+s7], $0x40, s0, s7, $0xb8;
	[tilespmem:$0x1F800] =	vst v63  }
0x127: {  	_ =	swait.ge [sflag:s11], $0x8000  }
0x128: {  	[sflag:s11] =	ssyncset.done $0x0  }
0x129: {  	s0 =	rddreg [dreg:$0x15];
	[sflag:s11] =	ssyncadd.s32 $0xFFFF8000  }
0x12a: {  	[spmem:s3] =	stream.indirect.scatter.add.f32 [tilespmem:s9], [sflag:$0x3], $0x40, s0, s7, $0xb8;
	[tilespmem:$0x1F800] =	vst v63  }
0x12b: {  	_ =	swait.ge [sflag:s6], $0x8000  }
0x12c: {  	[sflag:s6] =	ssyncset.done $0x0  }
0x12d: {  	s0 =	rddreg [dreg:$0x16];
	[sflag:s6] =	ssyncadd.s32 $0xFFFF8000  }
0x12e: {  	[tilespmem:s9], [sflag:$0x2] =	stream.indirect.gather [hbm4b:s2+s7], $0x40, s0, s7, $0xb8;
	[tilespmem:$0x1F800] =	vst v63  }
0x12f: {  	_ =	swait.ge [sflag:s8], $0x8000  }
0x130: {  	[sflag:s8] =	ssyncset.done $0x0  }
0x131: {  	s0 =	rddreg [dreg:$0x17];
	[sflag:s8] =	ssyncadd.s32 $0xFFFF8000  }
0x132: {  	[spmem:s3] =	stream.indirect.scatter.add.f32 [tilespmem:s10], [sflag:$0x3], $0x40, s0, s7, $0xb8;
	[tilespmem:$0x1F800] =	vst v63  }
0x133: {  	_ =	swait.ge [sflag:s6], $0x8000  }
0x134: {  	[sflag:s6] =	ssyncset.done $0x0  }
0x135: {  	s0 =	rddreg [dreg:$0x18];
	[sflag:s6] =	ssyncadd.s32 $0xFFFF8000  }
0x136: {  	[tilespmem:s10], [sflag:$0x1] =	stream.indirect.gather [hbm4b:s2+s7], $0x40, s0, s7, $0xb8;
	[tilespmem:$0x1F800] =	vst v63  }
0x137: {  	_ =	swait.ge [sflag:s11], $0x8000  }
0x138: {  	[sflag:s11] =	ssyncset.done $0x0  }
0x139: {  	s0 =	rddreg [dreg:$0x19];
	[sflag:s11] =	ssyncadd.s32 $0xFFFF8000  }
0x13a: {  	[spmem:s3] =	stream.indirect.scatter.add.f32 [tilespmem:s9], [sflag:$0x3], $0x40, s0, s7, $0xb8;
	[tilespmem:$0x1F800] =	vst v63  }
0x13b: {  	_ =	swait.ge [sflag:s6], $0x8000  }
0x13c: {  	[sflag:s6] =	ssyncset.done $0x0  }
0x13d: {  	s0 =	rddreg [dreg:$0x1a];
	[sflag:s6] =	ssyncadd.s32 $0xFFFF8000  }
0x13e: {  	[tilespmem:s9], [sflag:$0x2] =	stream.indirect.gather [hbm4b:s2+s7], $0x40, s0, s7, $0xb8;
	[tilespmem:$0x1F800] =	vst v63  }
0x13f: {  	_ =	swait.ge [sflag:s8], $0x8000  }
0x140: {  	[sflag:s8] =	ssyncset.done $0x0  }
0x141: {  	s0 =	rddreg [dreg:$0x1b];
	[sflag:s8] =	ssyncadd.s32 $0xFFFF8000  }
0x142: {  	[spmem:s3] =	stream.indirect.scatter.add.f32 [tilespmem:s10], [sflag:$0x3], $0x40, s0, s7, $0xb8;
	[tilespmem:$0x1F800] =	vst v63  }
0x143: {  	_ =	swait.ge [sflag:s6], $0x8000  }
0x144: {  	[sflag:s6] =	ssyncset.done $0x0  }
0x145: {  	s0 =	rddreg [dreg:$0x1c];
	[sflag:s6] =	ssyncadd.s32 $0xFFFF8000  }
0x146: {  	[tilespmem:s10], [sflag:$0x1] =	stream.indirect.gather [hbm4b:s2+s7], $0x40, s0, s7, $0xb8;
	[tilespmem:$0x1F800] =	vst v63  }
0x147: {  	_ =	swait.ge [sflag:s11], $0x8000  }
0x148: {  	[sflag:s11] =	ssyncset.done $0x0  }
0x149: {  	s0 =	rddreg [dreg:$0x1d];
	[sflag:s11] =	ssyncadd.s32 $0xFFFF8000  }
0x14a: {  	[spmem:s3] =	stream.indirect.scatter.add.f32 [tilespmem:s9], [sflag:$0x3], $0x40, s0, s7, $0xb8;
	[tilespmem:$0x1F800] =	vst v63  }
0x14b: {  	_ =	swait.ge [sflag:s6], $0x8000  }
0x14c: {  	[sflag:s6] =	ssyncset.done $0x0  }
0x14d: {  	s0 =	rddreg [dreg:$0x1e];
	[sflag:s6] =	ssyncadd.s32 $0xFFFF8000  }
0x14e: {  	[tilespmem:s9], [sflag:$0x2] =	stream.indirect.gather [hbm4b:s2+s7], $0x40, s0, s7, $0xb8;
	[tilespmem:$0x1F800] =	vst v63  }
0x14f: {  	_ =	swait.ge [sflag:s8], $0x8000  }
0x150: {  	[sflag:s8] =	ssyncset.done $0x0  }
0x151: {  	[sflag:s8] =	ssyncadd.s32 $0xFFFF8000  }
0x152: {  	[spmem:s3] =	stream.indirect.scatter.add.f32 [tilespmem:s10], [sflag:$0x3], $0x40, s28, s7, $0xb8;
	[tilespmem:$0x1F800] =	vst v63  }
0x153: {  	_ =	swait.ge [sflag:s6], $0x8000  }
0x154: {  	[sflag:s6] =	ssyncset.done $0x0  }
0x155: {  	[sflag:s6] =	ssyncadd.s32 $0xFFFF8000  }
0x156: {  	[tilespmem:s10], [sflag:$0x1] =	stream.indirect.gather [hbm4b:s2+s7], $0x40, s26, s7, $0xb8;
	[tilespmem:$0x1F800] =	vst v63  }
0x157: {  	_ =	swait.ge [sflag:s11], $0x8000  }
0x158: {  	[sflag:s11] =	ssyncset.done $0x0  }
0x159: {  	[sflag:s11] =	ssyncadd.s32 $0xFFFF8000  }
0x15a: {  	[spmem:s3] =	stream.indirect.scatter.add.f32 [tilespmem:s9], [sflag:$0x3], $0x40, s25, s7, $0xb8;
	[tilespmem:$0x1F800] =	vst v63  }
0x15b: {  	_ =	swait.ge [sflag:s6], $0x8000  }
0x15c: {  	[sflag:s6] =	ssyncset.done $0x0  }
0x15d: {  	[sflag:s6] =	ssyncadd.s32 $0xFFFF8000  }
0x15e: {  	[tilespmem:s9], [sflag:$0x2] =	stream.indirect.gather [hbm4b:s2+s7], $0x40, s24, s7, $0xb8;
	[tilespmem:$0x1F800] =	vst v63  }
0x15f: {  	_ =	swait.ge [sflag:s8], $0x8000  }
0x160: {  	[sflag:s8] =	ssyncset.done $0x0  }
0x161: {  	[sflag:s8] =	ssyncadd.s32 $0xFFFF8000  }
0x162: {  	[spmem:s3] =	stream.indirect.scatter.add.f32 [tilespmem:s10], [sflag:$0x3], $0x40, s23, s7, $0xb8;
	[tilespmem:$0x1F800] =	vst v63  }
0x163: {  	_ =	swait.ge [sflag:s6], $0x8000  }
0x164: {  	[sflag:s6] =	ssyncset.done $0x0  }
0x165: {  	[sflag:s6] =	ssyncadd.s32 $0xFFFF8000  }
0x166: {  	[tilespmem:s10], [sflag:$0x1] =	stream.indirect.gather [hbm4b:s2+s7], $0x40, s22, s7, $0xb8;
	[tilespmem:$0x1F800] =	vst v63  }
0x167: {  	_ =	swait.ge [sflag:s11], $0x8000  }
0x168: {  	[sflag:s11] =	ssyncset.done $0x0  }
0x169: {  	[sflag:s11] =	ssyncadd.s32 $0xFFFF8000  }
0x16a: {  	[spmem:s3] =	stream.indirect.scatter.add.f32 [tilespmem:s9], [sflag:$0x3], $0x40, s21, s7, $0xb8;
	[tilespmem:$0x1F800] =	vst v63  }
0x16b: {  	_ =	swait.ge [sflag:s6], $0x8000  }
0x16c: {  	[sflag:s6] =	ssyncset.done $0x0  }
0x16d: {  	[sflag:s6] =	ssyncadd.s32 $0xFFFF8000  }
0x16e: {  	[tilespmem:s9], [sflag:$0x2] =	stream.indirect.gather [hbm4b:s2+s7], $0x40, s20, s7, $0xb8;
	[tilespmem:$0x1F800] =	vst v63  }
0x16f: {  	_ =	swait.ge [sflag:s8], $0x8000  }
0x170: {  	[sflag:s8] =	ssyncset.done $0x0  }
0x171: {  	[sflag:s8] =	ssyncadd.s32 $0xFFFF8000  }
0x172: {  	[spmem:s3] =	stream.indirect.scatter.add.f32 [tilespmem:s10], [sflag:$0x3], $0x40, s18, s7, $0xb8;
	[tilespmem:$0x1F800] =	vst v63  }
0x173: {  	_ =	swait.ge [sflag:s6], $0x8000  }
0x174: {  	[sflag:s6] =	ssyncset.done $0x0  }
0x175: {  	[sflag:s6] =	ssyncadd.s32 $0xFFFF8000  }
0x176: {  	[tilespmem:s10], [sflag:$0x1] =	stream.indirect.gather [hbm4b:s2+s7], $0x40, s19, s7, $0xb8;
	[tilespmem:$0x1F800] =	vst v63  }
0x177: {  	_ =	swait.ge [sflag:s11], $0x8000  }
0x178: {  	[sflag:s11] =	ssyncset.done $0x0  }
0x179: {  	[sflag:s11] =	ssyncadd.s32 $0xFFFF8000  }
0x17a: {  	[spmem:s3] =	stream.indirect.scatter.add.f32 [tilespmem:s9], [sflag:$0x3], $0x40, s17, s7, $0xb8;
	[tilespmem:$0x1F800] =	vst v63  }
0x17b: {  	_ =	swait.ge [sflag:s6], $0x8000  }
0x17c: {  	[sflag:s6] =	ssyncset.done $0x0  }
0x17d: {  	[sflag:s6] =	ssyncadd.s32 $0xFFFF8000  }
0x17e: {  	[tilespmem:s9], [sflag:$0x2] =	stream.indirect.gather [hbm4b:s2+s7], $0x40, s16, s7, $0xb8;
	[tilespmem:$0x1F800] =	vst v63  }
0x17f: {  	_ =	swait.ge [sflag:s8], $0x8000  }
0x180: {  	[sflag:s8] =	ssyncset.done $0x0  }
0x181: {  	[sflag:s8] =	ssyncadd.s32 $0xFFFF8000  }
0x182: {  	[spmem:s3] =	stream.indirect.scatter.add.f32 [tilespmem:s10], [sflag:$0x3], $0x40, s15, s7, $0xb8;
	[tilespmem:$0x1F800] =	vst v63  }
0x183: {  	_ =	swait.ge [sflag:s6], $0x8000  }
0x184: {  	[sflag:s6] =	ssyncset.done $0x0  }
0x185: {  	[sflag:s6] =	ssyncadd.s32 $0xFFFF8000  }
0x186: {  	[tilespmem:s10], [sflag:$0x1] =	stream.indirect.gather [hbm4b:s2+s7], $0x40, s14, s7, $0xb8;
	[tilespmem:$0x1F800] =	vst v63  }
0x187: {  	_ =	swait.ge [sflag:s11], $0x8000  }
0x188: {  	[sflag:s11] =	ssyncset.done $0x0  }
0x189: {  	[sflag:s11] =	ssyncadd.s32 $0xFFFF8000  }
0x18a: {  	[spmem:s3] =	stream.indirect.scatter.add.f32 [tilespmem:s9], [sflag:$0x3], $0x40, s13, s7, $0xb8;
	[tilespmem:$0x1F800] =	vst v63  }
0x18b: {  	_ =	swait.ge [sflag:s6], $0x8000  }
0x18c: {  	[sflag:s6] =	ssyncset.done $0x0  }
0x18d: {  	[sflag:s6] =	ssyncadd.s32 $0xFFFF8000  }
0x18e: {  	_ =	swait.ge [sflag:s8], $0x8000  }
0x18f: {  	p1 =	sne.s32 s1, $0x1;
	[sflag:s8] =	ssyncset.done $0x0  }
.Ltmp2:
0x190: {  	[sflag:s8] =	ssyncadd.s32 $0xFFFF8000;
	(pc) =	sbr.rel @p1 .LBB2_2-.Ltmp2, $4  }
0x191: {  	[bflag:$0x0] =	sbarrier.arrive $0xFFFF  }
0x192: {  	[hbm:s12], [sflag:s4] =	dma.local [spmem:s5], $0x1400  }
0x193: {  	_ =	swait.ge [sflag:s6], $0x1400  }
0x194: {  	s1 =	sadd.s32 $0xFFFFFFFF, s1;
	s0 =	rddreg [dreg:$0x4];
	[sflag:s6] =	ssyncset.done $0x0  }
.LBB2_3:
0x195: {  	[sflag:s6] =	ssyncadd.s32 @p0 $0xFFFFEC00  }
0x196: {  	[spmem:s5], [sflag:s4] =	dma.local [hbm:s0], $0x1400  }
0x197: {  	_ =	swait.ge [sflag:s6], $0x1400  }
0x198: {  	[sflag:s6] =	ssyncset.done $0x0  }
0x199: {  	s1 =	rddreg [dreg:$0x5];
	[sflag:s6] =	ssyncadd.s32 $0xFFFFEC00  }
0x19a: {  	[tilespmem:s31], [sflag:$0x3] =	stream.linear.gather [hbm4b:s1+s29], $0x2C00, $0x38;
	[tilespmem:$0x1F800] =	vst v63  }
0x19b: {  	_ =	swait.ge [sflag:s6], $0x2C00  }
0x19c: {  	[sflag:s6] =	ssyncset.done $0x0  }
0x19d: {  	s1 =	rddreg [dreg:$0x6];
	[sflag:s6] =	ssyncadd.s32 $0xFFFFD400  }
0x19e: {  	[tilespmem:s30], [sflag:$0x3] =	stream.linear.gather [hbm4b:s1+s29], $0x2C00, $0x38;
	[tilespmem:$0x1F800] =	vst v63  }
0x19f: {  	_ =	swait.ge [sflag:s6], $0x2C00  }
0x1a0: {  	[sflag:s6] =	ssyncset.done $0x0  }
0x1a1: {  	[sflag:s6] =	ssyncadd.s32 $0xFFFFD400  }
0x1a2: {  	[bflag:$0x0] =	sbarrier.arrive $0xFFFF  }
0x1a3: {  	[tilespmem:s10], [sflag:$0x1] =	stream.indirect.gather [hbm4b:s2+s7], $0x40, s31, s7, $0xb8;
	[tilespmem:$0x1F800] =	vst v63  }
0x1a4: {  	s29 =	rddreg [dreg:$0x7]  }
0x1a5: {  	[tilespmem:s9], [sflag:$0x2] =	stream.indirect.gather [hbm4b:s2+s7], $0x40, s29, s7, $0xb8;
	[tilespmem:$0x1F800] =	vst v63  }
0x1a6: {  	_ =	swait.ge [sflag:s8], $0x8000  }
0x1a7: {  	[sflag:s8] =	ssyncset.done $0x0  }
0x1a8: {  	[sflag:s8] =	ssyncadd.s32 $0xFFFF8000  }
0x1a9: {  	[spmem:s3] =	stream.indirect.scatter.add.f32 [tilespmem:s10], [sflag:$0x3], $0x40, s30, s7, $0xb8;
	[tilespmem:$0x1F800] =	vst v63  }
0x1aa: {  	_ =	swait.ge [sflag:s6], $0x8000  }
0x1ab: {  	[sflag:s6] =	ssyncset.done $0x0  }
0x1ac: {  	s1 =	rddreg [dreg:$0x8];
	[sflag:s6] =	ssyncadd.s32 $0xFFFF8000  }
0x1ad: {  	[tilespmem:s10], [sflag:$0x1] =	stream.indirect.gather [hbm4b:s2+s7], $0x40, s1, s7, $0xb8;
	[tilespmem:$0x1F800] =	vst v63  }
0x1ae: {  	_ =	swait.ge [sflag:s11], $0x8000  }
0x1af: {  	[sflag:s11] =	ssyncset.done $0x0  }
0x1b0: {  	s29 =	rddreg [dreg:$0x9];
	[sflag:s11] =	ssyncadd.s32 $0xFFFF8000  }
0x1b1: {  	[spmem:s3] =	stream.indirect.scatter.add.f32 [tilespmem:s9], [sflag:$0x3], $0x40, s29, s7, $0xb8;
	[tilespmem:$0x1F800] =	vst v63  }
0x1b2: {  	_ =	swait.ge [sflag:s6], $0x8000  }
0x1b3: {  	[sflag:s6] =	ssyncset.done $0x0  }
0x1b4: {  	s30 =	rddreg [dreg:$0xa];
	[sflag:s6] =	ssyncadd.s32 $0xFFFF8000  }
0x1b5: {  	[tilespmem:s9], [sflag:$0x2] =	stream.indirect.gather [hbm4b:s2+s7], $0x40, s30, s7, $0xb8;
	[tilespmem:$0x1F800] =	vst v63  }
0x1b6: {  	_ =	swait.ge [sflag:s8], $0x8000  }
0x1b7: {  	[sflag:s8] =	ssyncset.done $0x0  }
0x1b8: {  	s31 =	rddreg [dreg:$0xb];
	[sflag:s8] =	ssyncadd.s32 $0xFFFF8000  }
0x1b9: {  	[spmem:s3] =	stream.indirect.scatter.add.f32 [tilespmem:s10], [sflag:$0x3], $0x40, s31, s7, $0xb8;
	[tilespmem:$0x1F800] =	vst v63  }
0x1ba: {  	_ =	swait.ge [sflag:s6], $0x8000  }
0x1bb: {  	[sflag:s6] =	ssyncset.done $0x0  }
0x1bc: {  	s1 =	rddreg [dreg:$0xc];
	[sflag:s6] =	ssyncadd.s32 $0xFFFF8000  }
0x1bd: {  	[tilespmem:s10], [sflag:$0x1] =	stream.indirect.gather [hbm4b:s2+s7], $0x40, s1, s7, $0xb8;
	[tilespmem:$0x1F800] =	vst v63  }
0x1be: {  	_ =	swait.ge [sflag:s11], $0x8000  }
0x1bf: {  	[sflag:s11] =	ssyncset.done $0x0  }
0x1c0: {  	s29 =	rddreg [dreg:$0xd];
	[sflag:s11] =	ssyncadd.s32 $0xFFFF8000  }
0x1c1: {  	[spmem:s3] =	stream.indirect.scatter.add.f32 [tilespmem:s9], [sflag:$0x3], $0x40, s29, s7, $0xb8;
	[tilespmem:$0x1F800] =	vst v63  }
0x1c2: {  	_ =	swait.ge [sflag:s6], $0x8000  }
0x1c3: {  	[sflag:s6] =	ssyncset.done $0x0  }
0x1c4: {  	s30 =	rddreg [dreg:$0xe];
	[sflag:s6] =	ssyncadd.s32 $0xFFFF8000  }
0x1c5: {  	[tilespmem:s9], [sflag:$0x2] =	stream.indirect.gather [hbm4b:s2+s7], $0x40, s30, s7, $0xb8;
	[tilespmem:$0x1F800] =	vst v63  }
0x1c6: {  	_ =	swait.ge [sflag:s8], $0x8000  }
0x1c7: {  	[sflag:s8] =	ssyncset.done $0x0  }
0x1c8: {  	s31 =	rddreg [dreg:$0xf];
	[sflag:s8] =	ssyncadd.s32 $0xFFFF8000  }
0x1c9: {  	[spmem:s3] =	stream.indirect.scatter.add.f32 [tilespmem:s10], [sflag:$0x3], $0x40, s31, s7, $0xb8;
	[tilespmem:$0x1F800] =	vst v63  }
0x1ca: {  	_ =	swait.ge [sflag:s6], $0x8000  }
0x1cb: {  	[sflag:s6] =	ssyncset.done $0x0  }
0x1cc: {  	s1 =	rddreg [dreg:$0x10];
	[sflag:s6] =	ssyncadd.s32 $0xFFFF8000  }
0x1cd: {  	[tilespmem:s10], [sflag:$0x1] =	stream.indirect.gather [hbm4b:s2+s7], $0x40, s1, s7, $0xb8;
	[tilespmem:$0x1F800] =	vst v63  }
0x1ce: {  	_ =	swait.ge [sflag:s11], $0x8000  }
0x1cf: {  	[sflag:s11] =	ssyncset.done $0x0  }
0x1d0: {  	s29 =	rddreg [dreg:$0x11];
	[sflag:s11] =	ssyncadd.s32 $0xFFFF8000  }
0x1d1: {  	[spmem:s3] =	stream.indirect.scatter.add.f32 [tilespmem:s9], [sflag:$0x3], $0x40, s29, s7, $0xb8;
	[tilespmem:$0x1F800] =	vst v63  }
0x1d2: {  	_ =	swait.ge [sflag:s6], $0x8000  }
0x1d3: {  	[sflag:s6] =	ssyncset.done $0x0  }
0x1d4: {  	s30 =	rddreg [dreg:$0x12];
	[sflag:s6] =	ssyncadd.s32 $0xFFFF8000  }
0x1d5: {  	[tilespmem:s9], [sflag:$0x2] =	stream.indirect.gather [hbm4b:s2+s7], $0x40, s30, s7, $0xb8;
	[tilespmem:$0x1F800] =	vst v63  }
0x1d6: {  	_ =	swait.ge [sflag:s8], $0x8000  }
0x1d7: {  	[sflag:s8] =	ssyncset.done $0x0  }
0x1d8: {  	s31 =	rddreg [dreg:$0x13];
	[sflag:s8] =	ssyncadd.s32 $0xFFFF8000  }
0x1d9: {  	[spmem:s3] =	stream.indirect.scatter.add.f32 [tilespmem:s10], [sflag:$0x3], $0x40, s31, s7, $0xb8;
	[tilespmem:$0x1F800] =	vst v63  }
0x1da: {  	_ =	swait.ge [sflag:s6], $0x8000  }
0x1db: {  	[sflag:s6] =	ssyncset.done $0x0  }
0x1dc: {  	s1 =	rddreg [dreg:$0x14];
	[sflag:s6] =	ssyncadd.s32 $0xFFFF8000  }
0x1dd: {  	[tilespmem:s10], [sflag:$0x1] =	stream.indirect.gather [hbm4b:s2+s7], $0x40, s1, s7, $0xb8;
	[tilespmem:$0x1F800] =	vst v63  }
0x1de: {  	_ =	swait.ge [sflag:s11], $0x8000  }
0x1df: {  	[sflag:s11] =	ssyncset.done $0x0  }
0x1e0: {  	s29 =	rddreg [dreg:$0x15];
	[sflag:s11] =	ssyncadd.s32 $0xFFFF8000  }
0x1e1: {  	[spmem:s3] =	stream.indirect.scatter.add.f32 [tilespmem:s9], [sflag:$0x3], $0x40, s29, s7, $0xb8;
	[tilespmem:$0x1F800] =	vst v63  }
0x1e2: {  	_ =	swait.ge [sflag:s6], $0x8000  }
0x1e3: {  	[sflag:s6] =	ssyncset.done $0x0  }
0x1e4: {  	s30 =	rddreg [dreg:$0x16];
	[sflag:s6] =	ssyncadd.s32 $0xFFFF8000  }
0x1e5: {  	[tilespmem:s9], [sflag:$0x2] =	stream.indirect.gather [hbm4b:s2+s7], $0x40, s30, s7, $0xb8;
	[tilespmem:$0x1F800] =	vst v63  }
0x1e6: {  	_ =	swait.ge [sflag:s8], $0x8000  }
0x1e7: {  	[sflag:s8] =	ssyncset.done $0x0  }
0x1e8: {  	s31 =	rddreg [dreg:$0x17];
	[sflag:s8] =	ssyncadd.s32 $0xFFFF8000  }
0x1e9: {  	[spmem:s3] =	stream.indirect.scatter.add.f32 [tilespmem:s10], [sflag:$0x3], $0x40, s31, s7, $0xb8;
	[tilespmem:$0x1F800] =	vst v63  }
0x1ea: {  	_ =	swait.ge [sflag:s6], $0x8000  }
0x1eb: {  	[sflag:s6] =	ssyncset.done $0x0  }
0x1ec: {  	s1 =	rddreg [dreg:$0x18];
	[sflag:s6] =	ssyncadd.s32 $0xFFFF8000  }
0x1ed: {  	[tilespmem:s10], [sflag:$0x1] =	stream.indirect.gather [hbm4b:s2+s7], $0x40, s1, s7, $0xb8;
	[tilespmem:$0x1F800] =	vst v63  }
0x1ee: {  	_ =	swait.ge [sflag:s11], $0x8000  }
0x1ef: {  	[sflag:s11] =	ssyncset.done $0x0  }
0x1f0: {  	s29 =	rddreg [dreg:$0x19];
	[sflag:s11] =	ssyncadd.s32 $0xFFFF8000  }
0x1f1: {  	[spmem:s3] =	stream.indirect.scatter.add.f32 [tilespmem:s9], [sflag:$0x3], $0x40, s29, s7, $0xb8;
	[tilespmem:$0x1F800] =	vst v63  }
0x1f2: {  	_ =	swait.ge [sflag:s6], $0x8000  }
0x1f3: {  	[sflag:s6] =	ssyncset.done $0x0  }
0x1f4: {  	s30 =	rddreg [dreg:$0x1a];
	[sflag:s6] =	ssyncadd.s32 $0xFFFF8000  }
0x1f5: {  	[tilespmem:s9], [sflag:$0x2] =	stream.indirect.gather [hbm4b:s2+s7], $0x40, s30, s7, $0xb8;
	[tilespmem:$0x1F800] =	vst v63  }
0x1f6: {  	_ =	swait.ge [sflag:s8], $0x8000  }
0x1f7: {  	[sflag:s8] =	ssyncset.done $0x0  }
0x1f8: {  	s31 =	rddreg [dreg:$0x1b];
	[sflag:s8] =	ssyncadd.s32 $0xFFFF8000  }
0x1f9: {  	[spmem:s3] =	stream.indirect.scatter.add.f32 [tilespmem:s10], [sflag:$0x3], $0x40, s31, s7, $0xb8;
	[tilespmem:$0x1F800] =	vst v63  }
0x1fa: {  	_ =	swait.ge [sflag:s6], $0x8000  }
0x1fb: {  	[sflag:s6] =	ssyncset.done $0x0  }
0x1fc: {  	s1 =	rddreg [dreg:$0x1c];
	[sflag:s6] =	ssyncadd.s32 $0xFFFF8000  }
0x1fd: {  	[tilespmem:s10], [sflag:$0x1] =	stream.indirect.gather [hbm4b:s2+s7], $0x40, s1, s7, $0xb8;
	[tilespmem:$0x1F800] =	vst v63  }
0x1fe: {  	_ =	swait.ge [sflag:s11], $0x8000  }
0x1ff: {  	[sflag:s11] =	ssyncset.done $0x0  }
0x200: {  	s29 =	rddreg [dreg:$0x1d];
	[sflag:s11] =	ssyncadd.s32 $0xFFFF8000  }
0x201: {  	[spmem:s3] =	stream.indirect.scatter.add.f32 [tilespmem:s9], [sflag:$0x3], $0x40, s29, s7, $0xb8;
	[tilespmem:$0x1F800] =	vst v63  }
0x202: {  	_ =	swait.ge [sflag:s6], $0x8000  }
0x203: {  	[sflag:s6] =	ssyncset.done $0x0  }
0x204: {  	s30 =	rddreg [dreg:$0x1e];
	[sflag:s6] =	ssyncadd.s32 $0xFFFF8000  }
0x205: {  	[tilespmem:s9], [sflag:$0x2] =	stream.indirect.gather [hbm4b:s2+s7], $0x40, s30, s7, $0xb8;
	[tilespmem:$0x1F800] =	vst v63  }
0x206: {  	_ =	swait.ge [sflag:s8], $0x8000  }
0x207: {  	[sflag:s8] =	ssyncset.done $0x0  }
0x208: {  	[sflag:s8] =	ssyncadd.s32 $0xFFFF8000  }
0x209: {  	[spmem:s3] =	stream.indirect.scatter.add.f32 [tilespmem:s10], [sflag:$0x3], $0x40, s28, s7, $0xb8;
	[tilespmem:$0x1F800] =	vst v63  }
0x20a: {  	_ =	swait.ge [sflag:s6], $0x8000  }
0x20b: {  	[sflag:s6] =	ssyncset.done $0x0  }
0x20c: {  	[sflag:s6] =	ssyncadd.s32 $0xFFFF8000  }
0x20d: {  	[tilespmem:s10], [sflag:$0x1] =	stream.indirect.gather [hbm4b:s2+s7], $0x40, s26, s7, $0xb8;
	[tilespmem:$0x1F800] =	vst v63  }
0x20e: {  	_ =	swait.ge [sflag:s11], $0x8000  }
0x20f: {  	[sflag:s11] =	ssyncset.done $0x0  }
0x210: {  	[sflag:s11] =	ssyncadd.s32 $0xFFFF8000  }
0x211: {  	[spmem:s3] =	stream.indirect.scatter.add.f32 [tilespmem:s9], [sflag:$0x3], $0x40, s25, s7, $0xb8;
	[tilespmem:$0x1F800] =	vst v63  }
0x212: {  	_ =	swait.ge [sflag:s6], $0x8000  }
0x213: {  	[sflag:s6] =	ssyncset.done $0x0  }
0x214: {  	[sflag:s6] =	ssyncadd.s32 $0xFFFF8000  }
0x215: {  	[tilespmem:s9], [sflag:$0x2] =	stream.indirect.gather [hbm4b:s2+s7], $0x40, s24, s7, $0xb8;
	[tilespmem:$0x1F800] =	vst v63  }
0x216: {  	_ =	swait.ge [sflag:s8], $0x8000  }
0x217: {  	[sflag:s8] =	ssyncset.done $0x0  }
0x218: {  	[sflag:s8] =	ssyncadd.s32 $0xFFFF8000  }
0x219: {  	[spmem:s3] =	stream.indirect.scatter.add.f32 [tilespmem:s10], [sflag:$0x3], $0x40, s23, s7, $0xb8;
	[tilespmem:$0x1F800] =	vst v63  }
0x21a: {  	_ =	swait.ge [sflag:s6], $0x8000  }
0x21b: {  	[sflag:s6] =	ssyncset.done $0x0  }
0x21c: {  	[sflag:s6] =	ssyncadd.s32 $0xFFFF8000  }
0x21d: {  	[tilespmem:s10], [sflag:$0x1] =	stream.indirect.gather [hbm4b:s2+s7], $0x40, s22, s7, $0xb8;
	[tilespmem:$0x1F800] =	vst v63  }
0x21e: {  	_ =	swait.ge [sflag:s11], $0x8000  }
0x21f: {  	[sflag:s11] =	ssyncset.done $0x0  }
0x220: {  	[sflag:s11] =	ssyncadd.s32 $0xFFFF8000  }
0x221: {  	[spmem:s3] =	stream.indirect.scatter.add.f32 [tilespmem:s9], [sflag:$0x3], $0x40, s21, s7, $0xb8;
	[tilespmem:$0x1F800] =	vst v63  }
0x222: {  	_ =	swait.ge [sflag:s6], $0x8000  }
0x223: {  	[sflag:s6] =	ssyncset.done $0x0  }
0x224: {  	[sflag:s6] =	ssyncadd.s32 $0xFFFF8000  }
0x225: {  	[tilespmem:s9], [sflag:$0x2] =	stream.indirect.gather [hbm4b:s2+s7], $0x40, s20, s7, $0xb8;
	[tilespmem:$0x1F800] =	vst v63  }
0x226: {  	_ =	swait.ge [sflag:s8], $0x8000  }
0x227: {  	[sflag:s8] =	ssyncset.done $0x0  }
0x228: {  	[sflag:s8] =	ssyncadd.s32 $0xFFFF8000  }
0x229: {  	[spmem:s3] =	stream.indirect.scatter.add.f32 [tilespmem:s10], [sflag:$0x3], $0x40, s18, s7, $0xb8;
	[tilespmem:$0x1F800] =	vst v63  }
0x22a: {  	_ =	swait.ge [sflag:s6], $0x8000  }
0x22b: {  	[sflag:s6] =	ssyncset.done $0x0  }
0x22c: {  	[sflag:s6] =	ssyncadd.s32 $0xFFFF8000  }
0x22d: {  	[tilespmem:s10], [sflag:$0x1] =	stream.indirect.gather [hbm4b:s2+s7], $0x40, s19, s7, $0xb8;
	[tilespmem:$0x1F800] =	vst v63  }
0x22e: {  	_ =	swait.ge [sflag:s11], $0x8000  }
0x22f: {  	[sflag:s11] =	ssyncset.done $0x0  }
0x230: {  	[sflag:s11] =	ssyncadd.s32 $0xFFFF8000  }
0x231: {  	[spmem:s3] =	stream.indirect.scatter.add.f32 [tilespmem:s9], [sflag:$0x3], $0x40, s17, s7, $0xb8;
	[tilespmem:$0x1F800] =	vst v63  }
0x232: {  	_ =	swait.ge [sflag:s6], $0x8000  }
0x233: {  	[sflag:s6] =	ssyncset.done $0x0  }
0x234: {  	[sflag:s6] =	ssyncadd.s32 $0xFFFF8000  }
0x235: {  	[tilespmem:s9], [sflag:$0x2] =	stream.indirect.gather [hbm4b:s2+s7], $0x40, s16, s7, $0xb8;
	[tilespmem:$0x1F800] =	vst v63  }
0x236: {  	_ =	swait.ge [sflag:s8], $0x8000  }
0x237: {  	[sflag:s8] =	ssyncset.done $0x0  }
0x238: {  	[sflag:s8] =	ssyncadd.s32 $0xFFFF8000  }
0x239: {  	[spmem:s3] =	stream.indirect.scatter.add.f32 [tilespmem:s10], [sflag:$0x3], $0x40, s15, s7, $0xb8;
	[tilespmem:$0x1F800] =	vst v63  }
0x23a: {  	_ =	swait.ge [sflag:s6], $0x8000  }
0x23b: {  	[sflag:s6] =	ssyncset.done $0x0  }
0x23c: {  	[sflag:s6] =	ssyncadd.s32 $0xFFFF8000  }
0x23d: {  	[tilespmem:s10], [sflag:$0x1] =	stream.indirect.gather [hbm4b:s2+s7], $0x40, s14, s7, $0xb8;
	[tilespmem:$0x1F800] =	vst v63  }
0x23e: {  	_ =	swait.ge [sflag:s11], $0x8000  }
0x23f: {  	[sflag:s11] =	ssyncset.done $0x0  }
0x240: {  	[sflag:s11] =	ssyncadd.s32 $0xFFFF8000  }
0x241: {  	[spmem:s3] =	stream.indirect.scatter.add.f32 [tilespmem:s9], [sflag:$0x3], $0x40, s13, s7, $0xb8;
	[tilespmem:$0x1F800] =	vst v63  }
0x242: {  	_ =	swait.ge [sflag:s6], $0x8000  }
0x243: {  	[sflag:s6] =	ssyncset.done $0x0  }
0x244: {  	[sflag:s6] =	ssyncadd.s32 $0xFFFF8000  }
0x245: {  	_ =	swait.ge [sflag:s8], $0x8000  }
0x246: {  	[sflag:s8] =	ssyncset.done $0x0  }
0x247: {  	[sflag:s8] =	ssyncadd.s32 $0xFFFF8000  }
0x248: {  	[bflag:$0x0] =	sbarrier.arrive $0xFFFF  }
0x249: {  	[hbm:s12], [sflag:s4] =	dma.local [spmem:s5], $0x1400  }
0x24a: {  	_ =	swait.ge [sflag:s6], $0x1400  }
0x24b: {  	[sflag:s6] =	ssyncset.done $0x0  }
0x24c: {  	[sflag:s6] =	ssyncadd.s32 $0xFFFFEC00  }
0x24d: {  	_ =	sfence.sel $0x180000  }
0x24e: {  	[bflag:$0x0] =	sbarrier.arrive $0xFFFF  }
0x24f: {  	_ =	strace $0x9000004D  }
0x250: {  	s31 =	stileid.u32;
	[bflag:$0x2] =	sbarrier.arrive $0xFFFF  }
0x251: {  	p0 =	sne.s32 s31, $0x0;
	s0 =	rddreg [dreg:$0x3]  }
0x252: {  	s0 =	sadd.s32 @!p0 $0x100000, s0  }
0x253: {  	[sflag:s0] =	ssyncadd.tile.s32 @!p0 $0x1;
	_ =	shalt  }
.Lfunc_end2:
_tile_overlayer_lowered:
.L_overlay_start_2:
0x254: {  	(tag) =	ssettag $0x2  }
0x255: {  	s0 =	rddreg [dreg:$0x0];
	s2 =	stileid.u32  }
0x256: {  	s1 =	rddreg [dreg:$0x1];
	p0 =	sne.s32 s2, $0x0  }
0x257: {  	s3 =	rddreg [dreg:$0x2];
	[bflag:$0x3] =	sbarrier.arrive $0xFFFF;
	s2 =	simm.s32 @!p0 $0x1C03  }
0x258: {  	[timem:s3], [sflag:s2] =	dma.local @!p0 [hbm:s0], s1  }
0x259: {  	s0 =	simm.s32 @!p0 $0x3  }
0x25a: {  	_ =	swait.ge @!p0 [sflag:s0], s1  }
0x25b: {  	s1 =	ssub.s32 @!p0 $0x0, s1;
	[sflag:s0] =	ssyncset.done @!p0 $0x0  }
0x25c: {  	[sflag:s0] =	ssyncadd.s32 @!p0 s1  }
0x25d: {  	[bflag:$0x3] =	sbarrier.arrive $0xFFFF  }
0x25e: {  	_ =	shalt  }

// kernel: kernel.19.cloned.1.call-start
scs
__scs_entry_jumppad:
0x0: {  	(pc) =	sbr.rel $0x88, $3  }
0x1: {  	(tag) =	ssettag $0x0;
	lr =	simm.s32 $0x1  }
0x2: {  	[smem:$0x3F9A] =	sst lr;
	_ =	strace $0xD0000000  }
0x3: {  	_ = 	snop  }
0x4: {  	_ = 	snop  }
0x5: {  	_ = 	snop  }
0x6: {  	_ = 	snop  }
0x7: {  	_ = 	snop  }
__scs_overlays_trampoline_lowered:
0x8: {  	[smem:$0x3FA9] =	sst s0  }
0x9: {  	[smem:$0x3FAA] =	sst s1  }
0xa: {  	[smem:$0x3FAB] =	sst s2  }
0xb: {  	[smem:$0x3FAC] =	sst s3  }
0xc: {  	[smem:$0x3FAD] =	sst s4  }
0xd: {  	[smem:$0x3FAE] =	sst s5  }
0xe: {  	[smem:$0x3FAF] =	sst s6  }
0xf: {  	[smem:$0x3FB0] =	sst s7  }
0x10: {  	[smem:$0x3FB1] =	sst s8  }
0x11: {  	[smem:$0x3FB2] =	sst s9;
	s0 =	simm.s32 @!p0 $0x0  }
0x12: {  	s1 =	sld [smem:$0x3F98];
	s0 =	simm.s32 @p0 $0x1  }
0x13: {  	[smem:$0x3FB3] =	sst s0;
	s0 =	simm.s32 @!p1 $0x0  }
0x14: {  	s2 =	sld [smem:$0x3F97];
	s0 =	simm.s32 @p1 $0x1  }
0x15: {  	[smem:$0x3FB4] =	sst s0;
	s0 =	simm.s32 @!p2 $0x0  }
0x16: {  	s3 =	sld [smem:$0x3FDB];
	s0 =	simm.s32 @p2 $0x1  }
0x17: {  	s4 =	simm.s32 $0x1BF5;
	[smem:$0x3FB6] =	sst s0  }
0x18: {  	s0 =	sld [smem:$0x3F99];
	_ =	swait.ge [sflag:s4], $0x0  }
0x19: {  	s7 =	sld [smem:$0x3F9A]  }
0x1a: {  	s8 =	sadd.s32 $0xFFFFE003, lr  }
0x1b: {  	s9 =	sadd.s32 $0xFFFFFEF7, lr;
	s5 =	simm.s32 $0xFFFFFFFF;
	p2 =	slt.u32 s8, $0xFFFFF086  }
0x1c: {  	p1 =	slt.u32 s9, $0xF7A;
	s5 =	simm.s32 @!p2 $0x0  }
0x1d: {  	s5 =	simm.s32 @p1 $0x1;
	p0 =	seq.s32 s7, s2  }
0x1e: {  	s7 =	smul.u32 @!p0 $0xF7A, s2;
	p2 =	seq.s32 @!p0 s5, $0x0  }
0x1f: {  	s9 =	smul.u32 $0xF7A, s1;
	s8 =	simm.s32 @!p0 $0x1BF5;
	p2 =	por !p2, p0  }
0x20: {  	[sflag:s8] =	ssyncset.s32 @!p0 $0xFFFFF086;
	s6 =	sadd.s32 @!p0 s3, s7;
	s7 =	simm.s32 @!p0 $0x108  }
0x21: {  	s3 =	sadd.s32 s3, s9;
	s6 =	sadd.s32 @!p0 $0x88, s6;
	s7 =	simm.s32 @p2 $0x1082  }
0x22: {  	[simem:s7], [sflag:s8] =	dma.local @!p0 [hbm:s6], $0xF7A  }
0x23: {  	s9 =	sor.u32 $0xD0000000, s2;
	s6 =	simm.s32 $0x108;
	_ =	swait.ge @!p0 [sflag:s8], $0x0  }
0x24: {  	s3 =	sadd.s32 $0x88, s3;
	s6 =	simm.s32 @!p1 $0x1082;
	[sflag:s4] =	ssyncset.s32 $0xFFFFF086  }
0x25: {  	[simem:s6], [sflag:s4] =	dma.local [hbm:s3], $0xF7A  }
0x26: {  	[smem:$0x3F9A] =	sst s1;
	(tag) =	ssettag s2;
	_ =	strace s9  }
0x27: {  	s1 =	sld [smem:$0x3FAA]  }
0x28: {  	s2 =	sld [smem:$0x3FAB]  }
0x29: {  	s4 =	sld [smem:$0x3FAD]  }
0x2a: {  	p0 =	seq.s32 s5, $0x0;
	s5 =	sld [smem:$0x3FAE]  }
0x2b: {  	s6 =	sld [smem:$0x3FAF]  }
0x2c: {  	s7 =	sld [smem:$0x3FB0]  }
0x2d: {  	s3 =	simm.s32 $0x108;
	s8 =	sld [smem:$0x3FB1]  }
0x2e: {  	s3 =	simm.s32 @!p0 $0x1082;
	s9 =	sld [smem:$0x3FB2]  }
0x2f: {  	lr =	sadd.s32 s0, s3;
	s0 =	sld [smem:$0x3FA9]  }
0x30: {  	s3 =	sld [smem:$0x3FAC]  }
0x31: {  	[smem:$0x3FB5] =	sst s10  }
0x32: {  	s10 =	sld [smem:$0x3FB3];
	_ =	sdelay $0x3  }
0x33: {  	p0 =	seq.s32 s10, $0x1;
	s10 =	sld [smem:$0x3FB5];
	_ =	sdelay $0x3  }
0x34: {  	[smem:$0x3FB5] =	sst s10  }
0x35: {  	s10 =	sld [smem:$0x3FB4];
	_ =	sdelay $0x3  }
0x36: {  	p1 =	seq.s32 s10, $0x1;
	s10 =	sld [smem:$0x3FB5];
	_ =	sdelay $0x3  }
0x37: {  	[smem:$0x3FB5] =	sst s10  }
0x38: {  	s10 =	sld [smem:$0x3FB6]  }
0x39: {  	_ = 	snop;
	(pc) =	sbr.ind lr, $3  }
0x3a: {  	_ = 	snop  }
0x3b: {  	_ = 	snop  }
0x3c: {  	p2 =	seq.s32 s10, $0x1;
	s10 =	sld [smem:$0x3FB5]  }
0x3d: {  	_ =	shalt  }
0x3e: {  	_ =	shalt  }
0x3f: {  	_ =	shalt  }
0x40: {  	_ =	shalt  }
0x41: {  	_ =	shalt  }
0x42: {  	_ =	shalt  }
0x43: {  	_ =	shalt  }
0x44: {  	_ =	shalt  }
0x45: {  	_ =	shalt  }
0x46: {  	_ =	shalt  }
0x47: {  	_ =	shalt  }
0x48: {  	_ =	shalt  }
0x49: {  	_ =	shalt  }
0x4a: {  	_ =	shalt  }
0x4b: {  	_ =	shalt  }
0x4c: {  	_ =	shalt  }
0x4d: {  	_ =	shalt  }
0x4e: {  	_ =	shalt  }
0x4f: {  	_ =	shalt  }
0x50: {  	_ =	shalt  }
0x51: {  	_ =	shalt  }
0x52: {  	_ =	shalt  }
0x53: {  	_ =	shalt  }
0x54: {  	_ =	shalt  }
0x55: {  	_ =	shalt  }
0x56: {  	_ =	shalt  }
0x57: {  	_ =	shalt  }
0x58: {  	_ =	shalt  }
0x59: {  	_ =	shalt  }
0x5a: {  	_ =	shalt  }
0x5b: {  	_ =	shalt  }
0x5c: {  	_ =	shalt  }
0x5d: {  	_ =	shalt  }
0x5e: {  	_ =	shalt  }
0x5f: {  	_ =	shalt  }
0x60: {  	_ =	shalt  }
0x61: {  	_ =	shalt  }
0x62: {  	_ =	shalt  }
0x63: {  	_ =	shalt  }
0x64: {  	_ =	shalt  }
0x65: {  	_ =	shalt  }
0x66: {  	_ =	shalt  }
0x67: {  	_ =	shalt  }
0x68: {  	_ =	shalt  }
0x69: {  	_ =	shalt  }
0x6a: {  	_ =	shalt  }
0x6b: {  	_ =	shalt  }
0x6c: {  	_ =	shalt  }
0x6d: {  	_ =	shalt  }
0x6e: {  	_ =	shalt  }
0x6f: {  	_ =	shalt  }
0x70: {  	_ =	shalt  }
0x71: {  	_ =	shalt  }
0x72: {  	_ =	shalt  }
0x73: {  	_ =	shalt  }
0x74: {  	_ =	shalt  }
0x75: {  	_ =	shalt  }
0x76: {  	_ =	shalt  }
0x77: {  	_ =	shalt  }
0x78: {  	_ =	shalt  }
0x79: {  	_ =	shalt  }
0x7a: {  	_ =	shalt  }
0x7b: {  	_ =	shalt  }
0x7c: {  	_ =	shalt  }
0x7d: {  	_ =	shalt  }
0x7e: {  	_ =	shalt  }
0x7f: {  	_ =	shalt  }
0x80: {  	_ =	shalt  }
0x81: {  	_ =	shalt  }
0x82: {  	_ =	shalt  }
0x83: {  	_ =	shalt  }
0x84: {  	_ =	shalt  }
0x85: {  	_ =	shalt  }
0x86: {  	_ =	shalt  }
0x87: {  	_ =	shalt  }
.Lfunc_end0:
.L_simem_size_0:
called_computation.3_lowered:
.L_overlay_start_0:
0x88: {  	s2 =	sld [smem:$0x3FD9]  }
0x89: {  	s3 =	sld [smem:$0x3FFE];
	_ =	sdelay $0x1  }
0x8a: {  	s1 =	srdreg.scid  }
0x8b: {  	s0 =	sand.u32 $0x1, s1  }
0x8c: {  	s16 =	sshll.u32 s0, $0xA;
	s2 =	sadd.s32 s3, s2  }
0x8d: {  	s2 =	sadd.s32 s2, s16  }
0x8e: {  	[smem:$0x3FC1] =	sst s2  }
0x8f: {  	_ = 	snop  }
0x90: {  	(tm) =	ssettm $0x1  }
0x91: {  	s17 =	sld [smem:$0x3FFB];
	_ =	sdelay $0x3  }
0x92: {  	_ =	strace s17  }
0x93: {  	s2 =	sld [smem:$0x3FFC];
	_ =	sdelay $0x3  }
0x94: {  	_ =	strace s2  }
0x95: {  	s2 =	sld [smem:$0x3FFD];
	_ =	sdelay $0x3  }
0x96: {  	_ =	strace s2  }
0x97: {  	_ =	strace $0x8FFFFFFF  }
0x98: {  	s18 =	sld [smem:$0x3FDB];
	_ =	sdelay $0x1  }
0x99: {  	s19 =	simm.s32 $_scs_section_size  }
0x9a: {  	s4 =	simm.s32 $_size__tile_overlayer_lowered;
	s5 =	simm.s32 $_tile_overlayer_lowered  }
0x9b: {  	s22 =	simm.s32 $0x1BFF;
	s21 =	sshll.u32 s5, $0x1;
	s2 =	sadd.s32 s19, s18  }
0x9c: {  	s6 =	simm.s32 $0x0;
	s20 =	sshll.u32 s4, $0x1;
	s4 =	sadd.s32 s21, s2  }
0x9d: {  	[timem:s6], [sflag:s22] =	dma.local [hbm:s4], s20  }
0x9e: {  	_ =	swait.ge [sflag:s22], s20  }
0x9f: {  	s3 =	ssub.s32 $0x0, s20;
	[sflag:s22] =	ssyncset.done $0x0  }
0xa0: {  	[sflag:s22] =	ssyncadd.s32 s3;
	_ =	sdelay $0x1  }
0xa1: {  	s23 =	simm.s32 $0x1B8B  }
0xa2: {  	_ =	swait.ge [sflag:s23], $0x1  }
0xa3: {  	[sflag:s23] =	ssyncset.done $0x0  }
0xa4: {  	s25 =	simm.s32 $0x1B8E;
	s24 =	sld [smem:$0x3FFE];
	[sflag:s23] =	ssyncadd.s32 $0xFFFFFFFF  }
0xa5: {  	s26 =	simm.s32 $execute0_lowered;
	[smem:$0x3FD2] =	sst s25  }
0xa6: {  	s4 =	sshll.u32 s26, $0x1;
	_ =	strace $0x8000004F;
	[dreg:$0x1] =	wrdreg $0xFFFFFFFF  }
0xa7: {  	s28 =	simm.s32 $_size_execute0_lowered;
	s2 =	sadd.s32 s2, s4;
	[dreg:$0x0] =	wrdreg $0x0  }
0xa8: {  	s4 =	sshll.u32 s28, $0x1;
	[dreg:$0x2] =	wrdreg s2  }
0xa9: {  	[dreg:$0x3] =	wrdreg s4  }
0xaa: {  	[dreg:$0x4] =	wrdreg $0xC0  }
0xab: {  	_ =	task [dreg:s6], $0x5FFFF  }
0xac: {  	[dreg:$0x1] =	wrdreg $0xFFFFFFFF  }
0xad: {  	[dreg:$0x0] =	wrdreg $0x60  }
0xae: {  	[dreg:$0x2] =	wrdreg s24  }
0xaf: {  	[dreg:$0x3] =	wrdreg $0x0  }
0xb0: {  	[dreg:$0x4] =	wrdreg $0x9  }
0xb1: {  	_ =	task.clear_ibuf [dreg:s6], $0x5FFFF;
	_ =	strace $0x9000004F  }
0xb2: {  	s29 =	simm.s32 $0x9;
	_ =	strace $0x80000051  }
0xb3: {  	_ =	swait.ge [sflag:s29], $0x1  }
0xb4: {  	[sflag:s29] =	ssyncadd.s32 $0xFFFFFFFF  }
0xb5: {  	_ =	strace $0x90000051  }
0xb6: {  	_ =	sfence  }
0xb7: {  	s30 =	sld [smem:$0x0];
	_ =	sdelay $0x2  }
0xb8: {  	s31 =	sshll.u32 s1, $0xD;
	s1 =	sshrl.u32 s1, $0x2  }
0xb9: {  	s3 =	sand.u32 $0x4000, s31;
	s1 =	sadd.s32 s1, s30  }
0xba: {  	s0 =	sor.u32 s3, s0;
	s1 =	sshll.u32 s1, $0x11  }
0xbb: {  	s0 =	sor.u32 s1, s0  }
0xbc: {  	s0 =	sadd.s32 $0x8F2B, s0  }
0xbd: {  	[sflag:s0] =	ssyncadd.remote.s32 $0x1  }
0xbe: {  	_ =	sfence.sel $0xFFFF  }
0xbf: {  	[dreg:$0x0] =	wrdreg $0xFFFFFFFF;
	(pc) =	sbr.abs _section_cstart, $3  }
0xc0: {  	[dreg:$0x1] =	wrdreg $0xFFFFFFFF  }
0xc1: {  	_ =	task.clear_ibuf [dreg:s6], $0x2FFFF;
	_ =	strace $0x9FFFFFFF  }
0xc2: {  	(tm) =	ssettm $0x7FFFFFFF  }
0xc3: {  	_ =	shalt  }
tec
execute0_lowered:
.L_overlay_start_1:
0x0: {  	(tag) =	ssettag $0x1  }
0x1: {  	s5 =	rddreg [dreg:$0x0];
	s0 =	srdreg.scid  }
0x2: {  	s2 =	rddreg [dreg:$0x1];
	s1 =	stileid.u32;
	s3 =	simm.s32 $0x0  }
0x3: {  	s12 =	simm.s32 $0x3;
	s13 =	simm.s32 $0x9C40;
	s14 =	simm.s32 $0xCA40  }
0x4: {  	s15 =	simm.s32 $0x200;
	s16 =	simm.s32 $0xF840;
	s17 =	simm.s32 $0x17840  }
0x5: {  	s18 =	simm.s32 $0x1;
	s19 =	simm.s32 $0x2;
	s20 =	simm.s32 $0x0  }
0x6: {  	s6 =	sand.u32 $0x1, s0;
	s0 =	rddreg [dreg:$0x2];
	s7 =	smul.u32 $0x9C40, s1  }
0x7: {  	[smem:$0x7FF] =	sst s3;
	s31 =	sshll.u32 s1, $0x6;
	s4 =	sshll.u32 s6, $0x4  }
0x8: {  	_ =	strace $0x80000050;
	s6 =	ssub.s32 $0x2, s6;
	s4 =	sor.u32 s1, s4  }
0x9: {  	s8 =	sshrl.u32 s7, $0x3;
	s10 =	sshrl.u32 s6, $0x1;
	s4 =	smul.u32 $0x2E00, s4  }
0xa: {  	s11 =	sadd.s32 s7, s2;
	s7 =	sor.u32 $0x1C03, s31;
	s8 =	sadd.s32 s8, s5  }
0xb: {  	s10 =	ssub.s32 s6, s10;
	s11 =	sshrl.u32 s11, $0x3;
	s9 =	sshrl.u32 s4, $0x3  }
0xc: {  	s6 =	sadd.s32 $0x2A000, s8;
	s10 =	smax.u32 s10, $0x1;
	s9 =	sadd.s32 s9, s5  }
0xd: {  	s5 =	sadd.s32 $0x9F800, s5;
	s8 =	sadd.s32 $0x88800, s9;
	s9 =	sadd.s32 $0x94000, s9  }
.LBB2_1:
0xe: {  	[spmem:s11], [sflag:s7] =	dma.local [hbm:s6], $0x1388  }
0xf: {  	_ =	swait.ge [sflag:s12], $0x1388  }
0x10: {  	[sflag:s12] =	ssyncset.done $0x0  }
0x11: {  	[sflag:s12] =	ssyncadd.s32 $0xFFFFEC78  }
0x12: {  	[tilespmem:s13], [sflag:$0x3] =	stream.linear.gather [hbm4b:s8+s3], $0x2E00, $0x38;
	[tilespmem:$0x1F840] =	vst v63  }
0x13: {  	_ =	swait.ge [sflag:s12], $0x2E00  }
0x14: {  	[sflag:s12] =	ssyncset.done $0x0  }
0x15: {  	[sflag:s12] =	ssyncadd.s32 $0xFFFFD200  }
0x16: {  	[tilespmem:s14], [sflag:$0x3] =	stream.linear.gather [hbm4b:s9+s3], $0x2E00, $0x38;
	[tilespmem:$0x1F840] =	vst v63  }
0x17: {  	_ =	swait.ge [sflag:s12], $0x2E00  }
0x18: {  	[sflag:s12] =	ssyncset.done $0x0  }
0x19: {  	[sflag:s12] =	ssyncadd.s32 $0xFFFFD200  }
0x1a: {  	s21 =	simm.s32 $0x0;
	[bflag:$0x0] =	sbarrier.arrive $0xFFFF  }
.LBB2_2:
0x1b: {  	s22 =	sshll.u32 s21, $0x9  }
0x1c: {  	s23 =	sadd.s32 $0x9C40, s22  }
0x1d: {  	[tilespmem:s16], [sflag:$0x1] =	stream.indirect.gather [spmem:s2], $0x40, s23, s15, $0xb8;
	[tilespmem:$0x1F840] =	vst v63  }
0x1e: {  	s31 =	sadd.s32 $0xCA40, s22  }
0x1f: {  	[tilespmem:s17], [sflag:$0x2] =	stream.indirect.gather [spmem:s2], $0x40, s31, s15, $0xb8;
	[tilespmem:$0x1F840] =	vst v63  }
0x20: {  	_ =	swait.ge [sflag:s18], $0x8000  }
0x21: {  	[sflag:s18] =	ssyncset.done $0x0  }
0x22: {  	[sflag:s18] =	ssyncadd.s32 $0xFFFF8000  }
0x23: {  	_ =	swait.ge [sflag:s19], $0x8000  }
0x24: {  	[sflag:s19] =	ssyncset.done $0x0  }
0x25: {  	s23 =	simm.s32 $0x0;
	[sflag:s19] =	ssyncadd.s32 $0xFFFF8000  }
0x26: {  	v6 =	vld [tilespmem:s23+$0x17840]  }
0x27: {  	v7 =	vld [tilespmem:s23+$0x17850]  }
0x28: {  	v8 =	vld [tilespmem:s23+$0x17860]  }
0x29: {  	v9 =	vld [tilespmem:s23+$0x17870]  }
0x2a: {  	v10 =	vld [tilespmem:s23+$0x17880]  }
0x2b: {  	v11 =	vld [tilespmem:s23+$0x17890]  }
0x2c: {  	v12 =	vld [tilespmem:s23+$0x178A0]  }
0x2d: {  	v13 =	vld [tilespmem:s23+$0x178B0]  }
0x2e: {  	v14 =	vld [tilespmem:s23+$0x178C0]  }
0x2f: {  	v15 =	vld [tilespmem:s23+$0x178D0]  }
0x30: {  	v5 =	vld [tilespmem:s23+$0x178E0]  }
0x31: {  	v4 =	vld [tilespmem:s23+$0x178F0]  }
0x32: {  	v3 =	vld [tilespmem:s23+$0x17900]  }
0x33: {  	v2 =	vld [tilespmem:s23+$0x17910]  }
0x34: {  	v1 =	vld [tilespmem:s23+$0x17920]  }
0x35: {  	v0 =	vld [tilespmem:s23+$0x17930]  }
0x36: {  	v16 =	vld [tilespmem:s23+$0xF840]  }
0x37: {  	v17 =	vld [tilespmem:s23+$0xF850]  }
0x38: {  	v18 =	vld [tilespmem:s23+$0xF860]  }
0x39: {  	v19 =	vld [tilespmem:s23+$0xF870]  }
0x3a: {  	v20 =	vld [tilespmem:s23+$0xF880]  }
0x3b: {  	v60 =	vld [tilespmem:s23+$0xF890];
	v6 =	vmul.f32 v6, v16  }
0x3c: {  	v21 =	vld [tilespmem:s23+$0xF8A0];
	v7 =	vmul.f32 v7, v17  }
0x3d: {  	v61 =	vld [tilespmem:s23+$0xF8B0];
	[tilespmem:s23+$0xF840] =	vst v6;
	v6 =	vmul.f32 v8, v18  }
0x3e: {  	v62 =	vld [tilespmem:s23+$0xF8C0];
	[tilespmem:s23+$0xF850] =	vst v7;
	v7 =	vmul.f32 v9, v19  }
0x3f: {  	v63 =	vld [tilespmem:s23+$0xF8D0];
	[tilespmem:s23+$0xF860] =	vst v6;
	v6 =	vmul.f32 v10, v20  }
0x40: {  	v8 =	vmul.f32 v11, v60;
	[tilespmem:s23+$0xF870] =	vst v7;
	v7 =	vld [tilespmem:s23+$0xF8E0]  }
0x41: {  	v9 =	vmul.f32 v12, v21;
	[tilespmem:s23+$0xF880] =	vst v6;
	v6 =	vld [tilespmem:s23+$0xF8F0]  }
0x42: {  	[tilespmem:s23+$0xF890] =	vst v8;
	v8 =	vld [tilespmem:s23+$0xF900];
	v10 =	vmul.f32 v13, v61  }
0x43: {  	v12 =	vmul.f32 v14, v62;
	[tilespmem:s23+$0xF8A0] =	vst v9;
	v9 =	vld [tilespmem:s23+$0xF910]  }
0x44: {  	s24 =	simm.s32 $0x400;
	v11 =	vmul.f32 v15, v63;
	[tilespmem:s23+$0xF8B0] =	vst v10;
	v10 =	vld [tilespmem:s23+$0xF920]  }
.LBB2_3:
0x45: {  	s25 =	sshra.s32 s24, $0x2;
	p0 =	sne.s32 s24, $0x1FC00;
	[tilespmem:s23+$0xF8C0] =	vst v12;
	v5 =	vmul.f32 v5, v7;
	v7 =	vld [tilespmem:s23+$0xF930]  }
0x46: {  	v12 =	vld [tilespmem:s25+$0x17840];
	[tilespmem:s23+$0xF8D0] =	vst v11;
	v4 =	vmul.f32 v4, v6  }
0x47: {  	v6 =	vld [tilespmem:s25+$0x17850];
	[tilespmem:s23+$0xF8E0] =	vst v5;
	v3 =	vmul.f32 v3, v8  }
0x48: {  	v8 =	vld [tilespmem:s25+$0x17860];
	[tilespmem:s23+$0xF8F0] =	vst v4;
	v2 =	vmul.f32 v2, v9  }
0x49: {  	v9 =	vld [tilespmem:s25+$0x17870];
	[tilespmem:s23+$0xF900] =	vst v3;
	v1 =	vmul.f32 v1, v10  }
0x4a: {  	v10 =	vld [tilespmem:s25+$0x17880];
	[tilespmem:s23+$0xF910] =	vst v2;
	v0 =	vmul.f32 v0, v7  }
0x4b: {  	v7 =	vld [tilespmem:s25+$0x17890];
	[tilespmem:s23+$0xF920] =	vst v1  }
0x4c: {  	v11 =	vld [tilespmem:s25+$0x178A0];
	[tilespmem:s23+$0xF930] =	vst v0;
	s23 =	smov.u32 s25  }
0x4d: {  	v13 =	vld [tilespmem:s23+$0x178B0]  }
0x4e: {  	v14 =	vld [tilespmem:s23+$0x178C0]  }
0x4f: {  	v15 =	vld [tilespmem:s23+$0x178D0]  }
0x50: {  	v5 =	vld [tilespmem:s23+$0x178E0]  }
0x51: {  	v4 =	vld [tilespmem:s23+$0x178F0]  }
0x52: {  	v3 =	vld [tilespmem:s23+$0x17900]  }
0x53: {  	v2 =	vld [tilespmem:s23+$0x17910]  }
0x54: {  	v1 =	vld [tilespmem:s23+$0x17920]  }
0x55: {  	v0 =	vld [tilespmem:s23+$0x17930]  }
0x56: {  	v16 =	vld [tilespmem:s23+$0xF840]  }
0x57: {  	v17 =	vld [tilespmem:s23+$0xF850]  }
0x58: {  	v18 =	vld [tilespmem:s23+$0xF860]  }
0x59: {  	v19 =	vld [tilespmem:s23+$0xF870]  }
0x5a: {  	v20 =	vld [tilespmem:s23+$0xF880]  }
0x5b: {  	v12 =	vmul.f32 v12, v16;
	v16 =	vld [tilespmem:s23+$0xF890]  }
0x5c: {  	v6 =	vmul.f32 v6, v17;
	v17 =	vld [tilespmem:s23+$0xF8A0]  }
0x5d: {  	[tilespmem:s23+$0xF840] =	vst v12;
	v8 =	vmul.f32 v8, v18;
	v12 =	vld [tilespmem:s23+$0xF8B0]  }
0x5e: {  	[tilespmem:s23+$0xF850] =	vst v6;
	v6 =	vmul.f32 v9, v19;
	v9 =	vld [tilespmem:s23+$0xF8C0]  }
0x5f: {  	[tilespmem:s23+$0xF860] =	vst v8;
	v8 =	vmul.f32 v10, v20;
	v10 =	vld [tilespmem:s23+$0xF8D0]  }
.Ltmp0:
0x60: {  	[tilespmem:s23+$0xF870] =	vst v6;
	v16 =	vmul.f32 v7, v16;
	v7 =	vld [tilespmem:s23+$0xF8E0];
	(pc) =	sbr.rel @p0 .LBB2_3-.Ltmp0, $4  }
0x61: {  	[tilespmem:s23+$0xF880] =	vst v8;
	v11 =	vmul.f32 v11, v17;
	v6 =	vld [tilespmem:s23+$0xF8F0]  }
0x62: {  	[tilespmem:s23+$0xF890] =	vst v16;
	v13 =	vmul.f32 v13, v12;
	v8 =	vld [tilespmem:s23+$0xF900]  }
0x63: {  	[tilespmem:s23+$0xF8A0] =	vst v11;
	v12 =	vmul.f32 v14, v9;
	v9 =	vld [tilespmem:s23+$0xF910]  }
0x64: {  	s24 =	sadd.s32 $0x400, s24;
	[tilespmem:s23+$0xF8B0] =	vst v13;
	v11 =	vmul.f32 v15, v10;
	v10 =	vld [tilespmem:s23+$0xF920]  }
0x65: {  	[tilespmem:s23+$0xF8C0] =	vst v12;
	v5 =	vmul.f32 v5, v7;
	v63 =	vld [tilespmem:s23+$0xF930]  }
0x66: {  	[tilespmem:s23+$0xF8D0] =	vst v11;
	v4 =	vmul.f32 v4, v6  }
0x67: {  	[tilespmem:s23+$0xF8E0] =	vst v5;
	v3 =	vmul.f32 v3, v8  }
0x68: {  	[tilespmem:s23+$0xF8F0] =	vst v4;
	v2 =	vmul.f32 v2, v9  }
0x69: {  	[tilespmem:s23+$0xF900] =	vst v3;
	v1 =	vmul.f32 v1, v10  }
0x6a: {  	s22 =	sadd.s32 s4, s22;
	s21 =	sadd.s32 $0x1, s21;
	[tilespmem:s23+$0xF910] =	vst v2;
	v0 =	vmul.f32 v0, v63  }
0x6b: {  	s22 =	sshll.u32 s22, $0x3;
	p0 =	sne.s32 s21, $0x17;
	[tilespmem:s23+$0xF920] =	vst v1  }
.Ltmp1:
0x6c: {  	s22 =	sadd.s32 s5, s22;
	[tilespmem:s23+$0xF930] =	vst v0;
	(pc) =	sbr.rel @p0 .LBB2_2-.Ltmp1, $4  }
0x6d: {  	[hbm4b:s22+s3] =	stream.linear.scatter [tilespmem:s16], [sflag:$0x3], $0x8000, $0x38;
	[tilespmem:$0x1F840] =	vst v63  }
0x6e: {  	_ =	swait.ge [sflag:s12], $0x8000  }
0x6f: {  	[sflag:s12] =	ssyncset.done $0x0  }
0x70: {  	[sflag:s12] =	ssyncadd.s32 $0xFFFF8000  }
0x71: {  	s20 =	sadd.s32 $0x1, s20  }
0x72: {  	p0 =	sne.s32 s20, s10  }
.Ltmp2:
0x73: {  	_ = 	snop;
	(pc) =	sbr.rel @p0 .LBB2_1-.Ltmp2, $1  }
0x74: {  	_ =	sdelay $0x3  }
0x75: {  	_ =	sfence.sel $0x180000  }
0x76: {  	[bflag:$0x0] =	sbarrier.arrive $0xFFFF  }
0x77: {  	p0 =	sne.s32 s1, $0x0;
	_ =	strace $0x90000050  }
0x78: {  	s0 =	sadd.s32 @!p0 $0x100000, s0;
	[bflag:$0x2] =	sbarrier.arrive $0xFFFF  }
0x79: {  	[sflag:s0] =	ssyncadd.tile.s32 @!p0 $0x1;
	_ =	shalt  }
.Lfunc_end2:
_tile_overlayer_lowered:
.L_overlay_start_2:
0x7a: {  	(tag) =	ssettag $0x2  }
0x7b: {  	s0 =	rddreg [dreg:$0x0];
	s2 =	stileid.u32  }
0x7c: {  	s1 =	rddreg [dreg:$0x1];
	p0 =	sne.s32 s2, $0x0  }
0x7d: {  	s3 =	rddreg [dreg:$0x2];
	[bflag:$0x3] =	sbarrier.arrive $0xFFFF;
	s2 =	simm.s32 @!p0 $0x1C03  }
0x7e: {  	[timem:s3], [sflag:s2] =	dma.local @!p0 [hbm:s0], s1  }
0x7f: {  	s0 =	simm.s32 @!p0 $0x3  }
0x80: {  	_ =	swait.ge @!p0 [sflag:s0], s1  }
0x81: {  	s1 =	ssub.s32 @!p0 $0x0, s1;
	[sflag:s0] =	ssyncset.done @!p0 $0x0  }
0x82: {  	[sflag:s0] =	ssyncadd.s32 @!p0 s1  }
0x83: {  	[bflag:$0x3] =	sbarrier.arrive $0xFFFF  }
0x84: {  	_ =	shalt  }

</sc_bundles>
